<compile_context>
chip_gen: v7x
topology: tpu7x:2x2x1
jax: 0.10.2.dev20260603
libtpu: 0.0.44.dev20260713+nightly
codegen_flags: <defaults>
</compile_context>

<pallas_src>
import functools

import jax
import jax.numpy as jnp
from jax import lax
from jax.experimental import pallas as pl
from jax.experimental.pallas import tpu as pltpu
from jax.experimental.pallas import tpu_sc as plsc

NS = 16
NC = 2
CHUNK = 128
IB = 128


def _dense_a_body(H, x_ref, wiuo_ref, biuo_ref, ufw_ref, ufb_ref,
                  pregate_ref, hg_ref):
    pre = jnp.dot(x_ref[...], wiuo_ref[...],
                  preferred_element_type=jnp.float32) + biuo_ref[...]
    pregate_ref[...] = pre
    i = jax.nn.sigmoid(pre[:, :H])
    u = jnp.tanh(pre[:, H:2 * H])
    o = jax.nn.sigmoid(pre[:, 2 * H:])
    c1 = i * u
    h1 = o * jnp.tanh(c1)
    fh = jnp.dot(h1, ufw_ref[...],
                 preferred_element_type=jnp.float32) + ufb_ref[...]
    g = jax.nn.sigmoid(fh) * c1
    hg_ref[0] = h1[:, :CHUNK]
    hg_ref[1] = h1[:, CHUNK:]
    hg_ref[2] = g[:, :CHUNK]
    hg_ref[3] = g[:, CHUNK:]


def _dense_a(x, Wiuo, biuo, Uf_w, Uf_b, bn):
    n, d = x.shape
    h3 = Wiuo.shape[1]
    h = h3 // 3
    grid = n // bn
    return pl.pallas_call(
        functools.partial(_dense_a_body, h),
        grid=(grid,),
        in_specs=[
            pl.BlockSpec((bn, d), lambda i: (i, 0)),
            pl.BlockSpec((d, h3), lambda i: (0, 0)),
            pl.BlockSpec((1, h3), lambda i: (0, 0)),
            pl.BlockSpec((h, h), lambda i: (0, 0)),
            pl.BlockSpec((1, h), lambda i: (0, 0)),
        ],
        out_specs=[
            pl.BlockSpec((bn, h3), lambda i: (i, 0)),
            pl.BlockSpec((4, bn, CHUNK), lambda i: (0, i, 0)),
        ],
        out_shape=[
            jax.ShapeDtypeStruct((n, h3), jnp.float32),
            jax.ShapeDtypeStruct((4, n, CHUNK), jnp.float32),
        ],
        compiler_params=pltpu.CompilerParams(
            dimension_semantics=("arbitrary",)),
    )(x, Wiuo, biuo, Uf_w, Uf_b.reshape(1, h))


def _dense_b_body(H, pregate_ref, uiuo_ref, ht4_ref, cg4_ref, h_ref, c_ref):
    ht = jnp.concatenate([ht4_ref[0], ht4_ref[1]], axis=1)
    cagg = jnp.concatenate([cg4_ref[0], cg4_ref[1]], axis=1)
    iuo = pregate_ref[...] + jnp.dot(ht, uiuo_ref[...],
                                     preferred_element_type=jnp.float32)
    i = jax.nn.sigmoid(iuo[:, :H])
    u = jnp.tanh(iuo[:, H:2 * H])
    o = jax.nn.sigmoid(iuo[:, 2 * H:])
    c2 = i * u + cagg
    c_ref[...] = c2
    h_ref[...] = o * jnp.tanh(c2)


def _dense_b(pregate, Uiuo, sc_out, bn):
    n, h3 = pregate.shape
    h = h3 // 3
    grid = n // bn
    return pl.pallas_call(
        functools.partial(_dense_b_body, h),
        grid=(grid,),
        in_specs=[
            pl.BlockSpec((bn, h3), lambda i: (i, 0)),
            pl.BlockSpec((h, h3), lambda i: (0, 0)),
            pl.BlockSpec((2, bn, CHUNK), lambda i: (0, i, 0)),
            pl.BlockSpec((2, bn, CHUNK), lambda i: (1, i, 0)),
        ],
        out_specs=[
            pl.BlockSpec((bn, h), lambda i: (i, 0)),
            pl.BlockSpec((bn, h), lambda i: (i, 0)),
        ],
        out_shape=[
            jax.ShapeDtypeStruct((n, h), jnp.float32),
            jax.ShapeDtypeStruct((n, h), jnp.float32),
        ],
        compiler_params=pltpu.CompilerParams(
            dimension_semantics=("arbitrary",)),
    )(pregate, Uiuo, sc_out, sc_out)


def _edge_sc(tables, srcb, dstb, zeros_hbm, n):
    nb = srcb.shape[1]
    nh = nb // 2
    npad = zeros_hbm.shape[0]
    zrows = npad // NS

    mesh = plsc.VectorSubcoreMesh(core_axis_name="c", subcore_axis_name="s")

    @functools.partial(
        pl.kernel,
        out_type=jax.ShapeDtypeStruct((4, npad, CHUNK), jnp.float32),
        mesh=mesh,
        scratch_types=[
            pltpu.VMEM((nh, IB), jnp.int32),
            pltpu.VMEM((nh, IB), jnp.int32),
            pltpu.VMEM((IB, CHUNK), jnp.float32),
            pltpu.VMEM((IB, CHUNK), jnp.float32),
            pltpu.VMEM_SHARED((npad, CHUNK), jnp.float32),
            pltpu.SemaphoreType.DMA,
            pltpu.SemaphoreType.DMA,
        ],
    )
    def k(t0, t1, t2, t3, src_hbm, dst_hbm, z_hbm, out,
          idx_s, idx_d, gbuf0, gbuf1, accum, sem0, sem1):
        c = lax.axis_index("c")
        s = lax.axis_index("s")

        def do_chunk(tbl, chunk_id):
            pltpu.sync_copy(z_hbm.at[pl.ds(s * zrows, zrows)],
                            accum.at[pl.ds(s * zrows, zrows)])
            plsc.subcore_barrier()

            for half in range(2):
                pltpu.sync_copy(src_hbm.at[s, pl.ds(half * nh, nh)], idx_s)
                pltpu.sync_copy(dst_hbm.at[s, pl.ds(half * nh, nh)], idx_d)

                pltpu.async_copy(tbl.at[idx_s.at[0]], gbuf0, sem0)

                def step(i, carry):
                    b0 = 2 * i
                    b1 = 2 * i + 1
                    pltpu.async_copy(tbl.at[idx_s.at[b1]], gbuf1, sem1)
                    pltpu.make_async_copy(tbl.at[idx_s.at[b0]], gbuf0,
                                          sem0).wait()
                    pltpu.sync_copy(gbuf0, accum.at[idx_d.at[b0]], add=True)

                    @pl.when(b1 + 1 < nh)
                    def _():
                        pltpu.async_copy(tbl.at[idx_s.at[b1 + 1]], gbuf0,
                                         sem0)

                    pltpu.make_async_copy(tbl.at[idx_s.at[b1]], gbuf1,
                                          sem1).wait()
                    pltpu.sync_copy(gbuf1, accum.at[idx_d.at[b1]], add=True)
                    return carry

                lax.fori_loop(0, nh // 2, step, 0)

            plsc.subcore_barrier()
            pltpu.sync_copy(accum.at[pl.ds(s * zrows, zrows)],
                            out.at[chunk_id, pl.ds(s * zrows, zrows)])
            plsc.subcore_barrier()

        @pl.when(c == 0)
        def _():
            do_chunk(t0, 0)
            do_chunk(t2, 2)

        @pl.when(c == 1)
        def _():
            do_chunk(t1, 1)
            do_chunk(t3, 3)

    return k(tables[0], tables[1], tables[2], tables[3], srcb, dstb, zeros_hbm)


@jax.jit
def kernel(x, edge_index, Wiuo, Uiuo, biuo, Uf_w, Uf_b):
    n = x.shape[0]
    e = edge_index.shape[1]

    ep = e // NS
    nb = -(-ep // IB)
    nb = -(-nb // 4) * 4
    pad = nb * IB - ep
    src = edge_index[0].reshape(NS, ep)
    dst = edge_index[1].reshape(NS, ep)
    srcb = jnp.pad(src, ((0, 0), (0, pad))).reshape(NS, nb, IB)
    npad0 = -(-(n + 1) // (NS * 8)) * (NS * 8)
    pad_dst = n + jnp.arange(pad, dtype=jnp.int32) % (npad0 - n)
    dstb = jnp.concatenate(
        [dst, jnp.tile(pad_dst, (NS, 1))], axis=1).reshape(NS, nb, IB)

    npad = -(-(n + 1) // (NS * 8)) * (NS * 8)
    zeros_hbm = jnp.zeros((npad, CHUNK), jnp.float32)

    pregate, hg = _dense_a(x, Wiuo, biuo, Uf_w, Uf_b, bn=1000)
    sc_out = _edge_sc([hg[0], hg[1], hg[2], hg[3]], srcb, dstb, zeros_hbm, n)
    h, c = _dense_b(pregate, Uiuo, sc_out[:, :n], bn=1000)
    return h, c

# --- scband reference (transcript-rebuilt; emitter-appended) ---
"""Pipeline reference for scband-tree-lstm-58987080843619 (READ-ONLY COPY).

The authoritative reference and input builder live on the scoring server;
editing this copy changes nothing except your own understanding.
"""

import jax, jax.numpy as jnp
import numpy as np

N = 10000
E = 160000
D = 256
H = 256
NUM_STEPS = 2


def setup_inputs(seed: int = 0) -> dict:
    key = jax.random.key(seed)
    ks = jax.random.split(key, 8)
    x = jax.random.normal(ks[0], (N, D), dtype=jnp.float32)
    edge_index = jax.random.randint(ks[1], (2, E), 0, N, dtype=jnp.int32)
    # Learned parameters (dropout is identity in eval mode)
    Wiuo = jax.random.normal(ks[2], (D, 3 * H), dtype=jnp.float32) * (1.0 / np.sqrt(D))
    Uiuo = jax.random.normal(ks[3], (H, 3 * H), dtype=jnp.float32) * (1.0 / np.sqrt(H))
    biuo = jnp.zeros((1, 3 * H), dtype=jnp.float32)
    Uf_w = jax.random.normal(ks[4], (H, H), dtype=jnp.float32) * (1.0 / np.sqrt(H))
    Uf_b = jnp.zeros((H,), dtype=jnp.float32)
    return {"x": x, "edge_index": edge_index, "Wiuo": Wiuo, "Uiuo": Uiuo,
            "biuo": biuo, "Uf_w": Uf_w, "Uf_b": Uf_b}


def reference(x, edge_index, Wiuo, Uiuo, biuo, Uf_w, Uf_b):
    """TreeLSTM (child-sum) propagation, level-synchronous edge message passing.

    Mirrors DGL prop_nodes_topo semantics: messages carry (h, c) of children;
    reduce sums child h into h_tilda, applies per-child forget gates via Uf,
    sums f*c; apply computes i,u,o gates and new (h, c).
    Leaves (step 0) receive zero messages, matching the DGL leaf case.
    """
    n = x.shape[0]
    src = edge_index[0]
    dst = edge_index[1]
    iuo0 = x @ Wiuo  # dropout is identity at inference
    h = jnp.zeros((n, Uf_w.shape[0]), dtype=x.dtype)
    c = jnp.zeros_like(h)
    for _ in range(NUM_STEPS):
        h_src = h[src]                                  # gather
        c_src = c[src]                                  # gather
        h_tilda = jax.ops.segment_sum(h_src, dst, num_segments=n)  # scatter-add
        f = jax.nn.sigmoid(h_src @ Uf_w + Uf_b)         # per-edge forget gate
        c_agg = jax.ops.segment_sum(f * c_src, dst, num_segments=n)
        iuo = iuo0 + h_tilda @ Uiuo + biuo
        i, u, o = jnp.split(iuo, 3, axis=1)
        i = jax.nn.sigmoid(i)
        u = jnp.tanh(u)
        o = jax.nn.sigmoid(o)
        c = i * u + c_agg
        h = o * jnp.tanh(c)
    return h, c

if __name__ == "__main__":
    import jax
    _d = setup_inputs()
    print(jax.jit(kernel)(*tuple(_d.values())))

</pallas_src>

<mosaic_0001>
#map = affine_map<(d0, d1) -> (0, 0)>
#map1 = affine_map<(d0, d1) -> (0, 0, 0)>
module attributes {stable_mosaic.version = 14 : i64} {
  func.func @k(%arg0: i32, %arg1: i32, %arg2: memref<10000x128xf32, #tpu.memory_space<hbm>>, %arg3: memref<10000x128xf32, #tpu.memory_space<hbm>>, %arg4: memref<10000x128xf32, #tpu.memory_space<hbm>>, %arg5: memref<10000x128xf32, #tpu.memory_space<hbm>>, %arg6: memref<16x80x128xi32, #tpu.memory_space<hbm>>, %arg7: memref<16x80x128xi32, #tpu.memory_space<hbm>>, %arg8: memref<10112x128xf32, #tpu.memory_space<hbm>>, %arg9: memref<4x10112x128xf32, #tpu.memory_space<hbm>>, %arg10: memref<40x128xi32, #tpu.memory_space<vmem>>, %arg11: memref<40x128xi32, #tpu.memory_space<vmem>>, %arg12: memref<128x128xf32, #tpu.memory_space<vmem>>, %arg13: memref<128x128xf32, #tpu.memory_space<vmem>>, %arg14: memref<10112x128xf32, #tpu.memory_space<vmem_shared>>, %arg15: memref<!tpu.dma_semaphore, #tpu.memory_space<semaphore_mem>>, %arg16: memref<!tpu.dma_semaphore, #tpu.memory_space<semaphore_mem>>) attributes {dimension_semantics = [#tpu.dimension_semantics<core_parallel>, #tpu.dimension_semantics<subcore_parallel>], iteration_bounds = array<i64: 2, 16>, scalar_prefetch = 0 : i64, scratch_operands = 7 : i64, tpu.core_type = #tpu.core_type<sc_vector_subcore>, window_params = [{transform_indices = #map}, {transform_indices = #map}, {transform_indices = #map}, {transform_indices = #map}, {transform_indices = #map1}, {transform_indices = #map1}, {transform_indices = #map}, {transform_indices = #map1}]} {
    %eq3A = arith.constant 0 : i32
    %eq3A_0 = arith.cmpi eq, %arg0, %eq3A : i32
    %convert_element_type3A = arith.extui %eq3A_0 : i1 to i32
    %cond3A = arith.constant 0 : i32
    %cond3A_1 = arith.cmpi ne, %convert_element_type3A, %cond3A : i32
    scf.if %cond3A_1 {
      %mul3A = arith.constant 632 : i32
      %mul3A_7 = arith.muli %arg1, %mul3A : i32
      %mul3A_8 = arith.constant 632 : i32
      %mul3A_9 = arith.muli %arg1, %mul3A_8 : i32
      "tpu.region"() ({
        %run_scoped3A_78 = tpu.sem_alloc : memref<!tpu.dma_semaphore, #tpu.memory_space<semaphore_mem>>
        %dma_start3A_79 = arith.constant 0 : i32
        %dma_start3A_80 = tpu.memref_slice %arg14[%mul3A_9, %dma_start3A_79] : memref<10112x128xf32, #tpu.memory_space<vmem_shared>> -> memref<632x128xf32, #tpu.memory_space<vmem_shared>>
        %dma_start3A_81 = arith.constant 0 : i32
        %dma_start3A_82 = tpu.memref_slice %arg8[%mul3A_7, %dma_start3A_81] : memref<10112x128xf32, #tpu.memory_space<hbm>> -> memref<632x128xf32, #tpu.memory_space<hbm>>
        tpu.enqueue_dma source(%dma_start3A_82 : memref<632x128xf32, #tpu.memory_space<hbm>>) target(%dma_start3A_80 : memref<632x128xf32, #tpu.memory_space<vmem_shared>>) target_semaphore(%run_scoped3A_78 : memref<!tpu.dma_semaphore, #tpu.memory_space<semaphore_mem>>)
        %dma_wait3A = arith.constant 0 : i32
        %dma_wait3A_83 = tpu.memref_slice %arg14[%mul3A_9, %dma_wait3A] : memref<10112x128xf32, #tpu.memory_space<vmem_shared>> -> memref<632x128xf32, #tpu.memory_space<vmem_shared>>
        %dma_wait3A_84 = arith.constant 0 : i32
        %dma_wait3A_85 = tpu.memref_slice %arg8[%mul3A_7, %dma_wait3A_84] : memref<10112x128xf32, #tpu.memory_space<hbm>> -> memref<632x128xf32, #tpu.memory_space<hbm>>
        tpu.wait_dma2 semaphore(%run_scoped3A_78 : memref<!tpu.dma_semaphore, #tpu.memory_space<semaphore_mem>>) src(%dma_wait3A_85 : memref<632x128xf32, #tpu.memory_space<hbm>>) dst(%dma_wait3A_83 : memref<632x128xf32, #tpu.memory_space<vmem_shared>>)
        tpu.yield
      }) : () -> ()
      %barrier3A = arith.constant 0 : index
      tpu.barrier barrier_id(%barrier3A)
      "tpu.region"() ({
        %run_scoped3A_78 = tpu.sem_alloc : memref<!tpu.dma_semaphore, #tpu.memory_space<semaphore_mem>>
        %dma_start3A_79 = arith.constant 0 : i32
        %dma_start3A_80 = arith.constant 0 : i32
        %dma_start3A_81 = tpu.memref_slice %arg6[%arg1, %dma_start3A_79, %dma_start3A_80] : memref<16x80x128xi32, #tpu.memory_space<hbm>> -> memref<1x40x128xi32, #tpu.memory_space<hbm>>
        %dma_start3A_82 = tpu.memref_squeeze %dma_start3A_81 : memref<1x40x128xi32, #tpu.memory_space<hbm>> -> memref<40x128xi32, #tpu.memory_space<hbm>>
        %dma_start3A_83 = arith.constant 0 : i32
        %dma_start3A_84 = arith.constant 0 : i32
        %dma_start3A_85 = tpu.memref_slice %arg6[%arg1, %dma_start3A_83, %dma_start3A_84] : memref<16x80x128xi32, #tpu.memory_space<hbm>> -> memref<1x40x128xi32, #tpu.memory_space<hbm>>
        %dma_start3A_86 = tpu.memref_squeeze %dma_start3A_85 : memref<1x40x128xi32, #tpu.memory_space<hbm>> -> memref<40x128xi32, #tpu.memory_space<hbm>>
        tpu.enqueue_dma source(%dma_start3A_86 : memref<40x128xi32, #tpu.memory_space<hbm>>) target(%arg10 : memref<40x128xi32, #tpu.memory_space<vmem>>) target_semaphore(%run_scoped3A_78 : memref<!tpu.dma_semaphore, #tpu.memory_space<semaphore_mem>>)
        %dma_wait3A = arith.constant 0 : i32
        %dma_wait3A_87 = arith.constant 0 : i32
        %dma_wait3A_88 = tpu.memref_slice %arg6[%arg1, %dma_wait3A, %dma_wait3A_87] : memref<16x80x128xi32, #tpu.memory_space<hbm>> -> memref<1x40x128xi32, #tpu.memory_space<hbm>>
        %dma_wait3A_89 = tpu.memref_squeeze %dma_wait3A_88 : memref<1x40x128xi32, #tpu.memory_space<hbm>> -> memref<40x128xi32, #tpu.memory_space<hbm>>
        %dma_wait3A_90 = arith.constant 0 : i32
        %dma_wait3A_91 = arith.constant 0 : i32
        %dma_wait3A_92 = tpu.memref_slice %arg6[%arg1, %dma_wait3A_90, %dma_wait3A_91] : memref<16x80x128xi32, #tpu.memory_space<hbm>> -> memref<1x40x128xi32, #tpu.memory_space<hbm>>
        %dma_wait3A_93 = tpu.memref_squeeze %dma_wait3A_92 : memref<1x40x128xi32, #tpu.memory_space<hbm>> -> memref<40x128xi32, #tpu.memory_space<hbm>>
        tpu.wait_dma2 semaphore(%run_scoped3A_78 : memref<!tpu.dma_semaphore, #tpu.memory_space<semaphore_mem>>) src(%dma_wait3A_93 : memref<40x128xi32, #tpu.memory_space<hbm>>) dst(%arg10 : memref<40x128xi32, #tpu.memory_space<vmem>>)
        tpu.yield
      }) : () -> ()
      "tpu.region"() ({
        %run_scoped3A_78 = tpu.sem_alloc : memref<!tpu.dma_semaphore, #tpu.memory_space<semaphore_mem>>
        %dma_start3A_79 = arith.constant 0 : i32
        %dma_start3A_80 = arith.constant 0 : i32
        %dma_start3A_81 = tpu.memref_slice %arg7[%arg1, %dma_start3A_79, %dma_start3A_80] : memref<16x80x128xi32, #tpu.memory_space<hbm>> -> memref<1x40x128xi32, #tpu.memory_space<hbm>>
        %dma_start3A_82 = tpu.memref_squeeze %dma_start3A_81 : memref<1x40x128xi32, #tpu.memory_space<hbm>> -> memref<40x128xi32, #tpu.memory_space<hbm>>
        %dma_start3A_83 = arith.constant 0 : i32
        %dma_start3A_84 = arith.constant 0 : i32
        %dma_start3A_85 = tpu.memref_slice %arg7[%arg1, %dma_start3A_83, %dma_start3A_84] : memref<16x80x128xi32, #tpu.memory_space<hbm>> -> memref<1x40x128xi32, #tpu.memory_space<hbm>>
        %dma_start3A_86 = tpu.memref_squeeze %dma_start3A_85 : memref<1x40x128xi32, #tpu.memory_space<hbm>> -> memref<40x128xi32, #tpu.memory_space<hbm>>
        tpu.enqueue_dma source(%dma_start3A_86 : memref<40x128xi32, #tpu.memory_space<hbm>>) target(%arg11 : memref<40x128xi32, #tpu.memory_space<vmem>>) target_semaphore(%run_scoped3A_78 : memref<!tpu.dma_semaphore, #tpu.memory_space<semaphore_mem>>)
        %dma_wait3A = arith.constant 0 : i32
        %dma_wait3A_87 = arith.constant 0 : i32
        %dma_wait3A_88 = tpu.memref_slice %arg7[%arg1, %dma_wait3A, %dma_wait3A_87] : memref<16x80x128xi32, #tpu.memory_space<hbm>> -> memref<1x40x128xi32, #tpu.memory_space<hbm>>
        %dma_wait3A_89 = tpu.memref_squeeze %dma_wait3A_88 : memref<1x40x128xi32, #tpu.memory_space<hbm>> -> memref<40x128xi32, #tpu.memory_space<hbm>>
        %dma_wait3A_90 = arith.constant 0 : i32
        %dma_wait3A_91 = arith.constant 0 : i32
        %dma_wait3A_92 = tpu.memref_slice %arg7[%arg1, %dma_wait3A_90, %dma_wait3A_91] : memref<16x80x128xi32, #tpu.memory_space<hbm>> -> memref<1x40x128xi32, #tpu.memory_space<hbm>>
        %dma_wait3A_93 = tpu.memref_squeeze %dma_wait3A_92 : memref<1x40x128xi32, #tpu.memory_space<hbm>> -> memref<40x128xi32, #tpu.memory_space<hbm>>
        tpu.wait_dma2 semaphore(%run_scoped3A_78 : memref<!tpu.dma_semaphore, #tpu.memory_space<semaphore_mem>>) src(%dma_wait3A_93 : memref<40x128xi32, #tpu.memory_space<hbm>>) dst(%arg11 : memref<40x128xi32, #tpu.memory_space<vmem>>)
        tpu.yield
      }) : () -> ()
      %dma_start3A = arith.constant 0 : i32
      %dma_start3A_10 = arith.constant 0 : i32
      %dma_start3A_11 = tpu.memref_slice %arg10[%dma_start3A, %dma_start3A_10] : memref<40x128xi32, #tpu.memory_space<vmem>> -> memref<1x128xi32, #tpu.memory_space<vmem>>
      %dma_start3A_12 = tpu.memref_squeeze %dma_start3A_11 : memref<1x128xi32, #tpu.memory_space<vmem>> -> memref<128xi32, #tpu.memory_space<vmem>>
      %dma_start3A_13 = arith.constant 0 : i32
      %dma_start3A_14 = arith.constant 0 : i32
      %dma_start3A_15 = tpu.memref_slice %arg2[%dma_start3A_13, %dma_start3A_14] : memref<10000x128xf32, #tpu.memory_space<hbm>> -> memref<10000x128xf32, #tpu.memory_space<hbm>>
      tpu.enqueue_indirect_dma source(%dma_start3A_15 : memref<10000x128xf32, #tpu.memory_space<hbm>>) target(%arg12 : memref<128x128xf32, #tpu.memory_space<vmem>>) offsets(%dma_start3A_12 : memref<128xi32, #tpu.memory_space<vmem>>) semaphore(%arg15 : memref<!tpu.dma_semaphore, #tpu.memory_space<semaphore_mem>>)
      %scan3A = arith.constant 0 : i32
      %scan3A_16 = arith.constant 0 : i32
      %scan3A_17 = arith.constant 20 : i32
      %scan3A_18 = arith.addi %scan3A_16, %scan3A_17 : i32
      %scan3A_19 = arith.constant 1 : i32
      scf.for %scan3A_78 = %scan3A_16 to %scan3A_18 step %scan3A_19  : i32 {
        %mul3A_79 = arith.constant 2 : i32
        %mul3A_80 = arith.muli %mul3A_79, %scan3A_78 : i32
        %mul3A_81 = arith.constant 2 : i32
        %mul3A_82 = arith.muli %mul3A_81, %scan3A_78 : i32
        %add3A = arith.constant 1 : i32
        %add3A_83 = arith.addi %mul3A_82, %add3A : i32
        %dma_start3A_84 = arith.constant 0 : i32
        %dma_start3A_85 = tpu.memref_slice %arg10[%add3A_83, %dma_start3A_84] : memref<40x128xi32, #tpu.memory_space<vmem>> -> memref<1x128xi32, #tpu.memory_space<vmem>>
        %dma_start3A_86 = tpu.memref_squeeze %dma_start3A_85 : memref<1x128xi32, #tpu.memory_space<vmem>> -> memref<128xi32, #tpu.memory_space<vmem>>
        %dma_start3A_87 = arith.constant 0 : i32
        %dma_start3A_88 = arith.constant 0 : i32
        %dma_start3A_89 = tpu.memref_slice %arg2[%dma_start3A_87, %dma_start3A_88] : memref<10000x128xf32, #tpu.memory_space<hbm>> -> memref<10000x128xf32, #tpu.memory_space<hbm>>
        tpu.enqueue_indirect_dma source(%dma_start3A_89 : memref<10000x128xf32, #tpu.memory_space<hbm>>) target(%arg13 : memref<128x128xf32, #tpu.memory_space<vmem>>) offsets(%dma_start3A_86 : memref<128xi32, #tpu.memory_space<vmem>>) semaphore(%arg16 : memref<!tpu.dma_semaphore, #tpu.memory_space<semaphore_mem>>)
        %dma_wait3A = arith.constant 0 : i32
        %dma_wait3A_90 = tpu.memref_slice %arg10[%mul3A_80, %dma_wait3A] : memref<40x128xi32, #tpu.memory_space<vmem>> -> memref<1x128xi32, #tpu.memory_space<vmem>>
        %dma_wait3A_91 = tpu.memref_squeeze %dma_wait3A_90 : memref<1x128xi32, #tpu.memory_space<vmem>> -> memref<128xi32, #tpu.memory_space<vmem>>
        %dma_wait3A_92 = arith.constant 0 : i32
        %dma_wait3A_93 = arith.constant 0 : i32
        %dma_wait3A_94 = tpu.memref_slice %arg2[%dma_wait3A_92, %dma_wait3A_93] : memref<10000x128xf32, #tpu.memory_space<hbm>> -> memref<10000x128xf32, #tpu.memory_space<hbm>>
        tpu.wait_indirect_dma semaphore(%arg15 : memref<!tpu.dma_semaphore, #tpu.memory_space<semaphore_mem>>) src(%dma_wait3A_94 : memref<10000x128xf32, #tpu.memory_space<hbm>>) dst(%arg12 : memref<128x128xf32, #tpu.memory_space<vmem>>)
        "tpu.region"() ({
          %run_scoped3A_107 = tpu.sem_alloc : memref<!tpu.dma_semaphore, #tpu.memory_space<semaphore_mem>>
          %dma_start3A_108 = arith.constant 0 : i32
          %dma_start3A_109 = tpu.memref_slice %arg11[%mul3A_80, %dma_start3A_108] : memref<40x128xi32, #tpu.memory_space<vmem>> -> memref<1x128xi32, #tpu.memory_space<vmem>>
          %dma_start3A_110 = tpu.memref_squeeze %dma_start3A_109 : memref<1x128xi32, #tpu.memory_space<vmem>> -> memref<128xi32, #tpu.memory_space<vmem>>
          %dma_start3A_111 = arith.constant 0 : i32
          %dma_start3A_112 = arith.constant 0 : i32
          %dma_start3A_113 = tpu.memref_slice %arg14[%dma_start3A_111, %dma_start3A_112] : memref<10112x128xf32, #tpu.memory_space<vmem_shared>> -> memref<10112x128xf32, #tpu.memory_space<vmem_shared>>
          tpu.enqueue_indirect_dma source(%arg12 : memref<128x128xf32, #tpu.memory_space<vmem>>) target(%dma_start3A_113 : memref<10112x128xf32, #tpu.memory_space<vmem_shared>>) offsets(%dma_start3A_110 : memref<128xi32, #tpu.memory_space<vmem>>) semaphore(%run_scoped3A_107 : memref<!tpu.dma_semaphore, #tpu.memory_space<semaphore_mem>>) {add = true}
          %dma_wait3A_114 = arith.constant 0 : i32
          %dma_wait3A_115 = tpu.memref_slice %arg11[%mul3A_80, %dma_wait3A_114] : memref<40x128xi32, #tpu.memory_space<vmem>> -> memref<1x128xi32, #tpu.memory_space<vmem>>
          %dma_wait3A_116 = tpu.memref_squeeze %dma_wait3A_115 : memref<1x128xi32, #tpu.memory_space<vmem>> -> memref<128xi32, #tpu.memory_space<vmem>>
          %dma_wait3A_117 = arith.constant 0 : i32
          %dma_wait3A_118 = arith.constant 0 : i32
          %dma_wait3A_119 = tpu.memref_slice %arg14[%dma_wait3A_117, %dma_wait3A_118] : memref<10112x128xf32, #tpu.memory_space<vmem_shared>> -> memref<10112x128xf32, #tpu.memory_space<vmem_shared>>
          tpu.wait_indirect_dma semaphore(%run_scoped3A_107 : memref<!tpu.dma_semaphore, #tpu.memory_space<semaphore_mem>>) src(%arg12 : memref<128x128xf32, #tpu.memory_space<vmem>>) dst(%dma_wait3A_119 : memref<10112x128xf32, #tpu.memory_space<vmem_shared>>)
          tpu.yield
        }) : () -> ()
        %add3A_95 = arith.constant 1 : i32
        %add3A_96 = arith.addi %add3A_83, %add3A_95 : i32
        %lt3A = arith.constant 40 : i32
        %lt3A_97 = arith.cmpi slt, %add3A_96, %lt3A : i32
        %convert_element_type3A_98 = arith.extui %lt3A_97 : i1 to i32
        %cond3A_99 = arith.constant 0 : i32
        %cond3A_100 = arith.cmpi ne, %convert_element_type3A_98, %cond3A_99 : i32
        scf.if %cond3A_100 {
          %add3A_107 = arith.constant 1 : i32
          %add3A_108 = arith.addi %add3A_83, %add3A_107 : i32
          %dma_start3A_109 = arith.constant 0 : i32
          %dma_start3A_110 = tpu.memref_slice %arg10[%add3A_108, %dma_start3A_109] : memref<40x128xi32, #tpu.memory_space<vmem>> -> memref<1x128xi32, #tpu.memory_space<vmem>>
          %dma_start3A_111 = tpu.memref_squeeze %dma_start3A_110 : memref<1x128xi32, #tpu.memory_space<vmem>> -> memref<128xi32, #tpu.memory_space<vmem>>
          %dma_start3A_112 = arith.constant 0 : i32
          %dma_start3A_113 = arith.constant 0 : i32
          %dma_start3A_114 = tpu.memref_slice %arg2[%dma_start3A_112, %dma_start3A_113] : memref<10000x128xf32, #tpu.memory_space<hbm>> -> memref<10000x128xf32, #tpu.memory_space<hbm>>
          tpu.enqueue_indirect_dma source(%dma_start3A_114 : memref<10000x128xf32, #tpu.memory_space<hbm>>) target(%arg12 : memref<128x128xf32, #tpu.memory_space<vmem>>) offsets(%dma_start3A_111 : memref<128xi32, #tpu.memory_space<vmem>>) semaphore(%arg15 : memref<!tpu.dma_semaphore, #tpu.memory_space<semaphore_mem>>)
        } else {
        }
        %dma_wait3A_101 = arith.constant 0 : i32
        %dma_wait3A_102 = tpu.memref_slice %arg10[%add3A_83, %dma_wait3A_101] : memref<40x128xi32, #tpu.memory_space<vmem>> -> memref<1x128xi32, #tpu.memory_space<vmem>>
        %dma_wait3A_103 = tpu.memref_squeeze %dma_wait3A_102 : memref<1x128xi32, #tpu.memory_space<vmem>> -> memref<128xi32, #tpu.memory_space<vmem>>
        %dma_wait3A_104 = arith.constant 0 : i32
        %dma_wait3A_105 = arith.constant 0 : i32
        %dma_wait3A_106 = tpu.memref_slice %arg2[%dma_wait3A_104, %dma_wait3A_105] : memref<10000x128xf32, #tpu.memory_space<hbm>> -> memref<10000x128xf32, #tpu.memory_space<hbm>>
        tpu.wait_indirect_dma semaphore(%arg16 : memref<!tpu.dma_semaphore, #tpu.memory_space<semaphore_mem>>) src(%dma_wait3A_106 : memref<10000x128xf32, #tpu.memory_space<hbm>>) dst(%arg13 : memref<128x128xf32, #tpu.memory_space<vmem>>)
        "tpu.region"() ({
          %run_scoped3A_107 = tpu.sem_alloc : memref<!tpu.dma_semaphore, #tpu.memory_space<semaphore_mem>>
          %dma_start3A_108 = arith.constant 0 : i32
          %dma_start3A_109 = tpu.memref_slice %arg11[%add3A_83, %dma_start3A_108] : memref<40x128xi32, #tpu.memory_space<vmem>> -> memref<1x128xi32, #tpu.memory_space<vmem>>
          %dma_start3A_110 = tpu.memref_squeeze %dma_start3A_109 : memref<1x128xi32, #tpu.memory_space<vmem>> -> memref<128xi32, #tpu.memory_space<vmem>>
          %dma_start3A_111 = arith.constant 0 : i32
          %dma_start3A_112 = arith.constant 0 : i32
          %dma_start3A_113 = tpu.memref_slice %arg14[%dma_start3A_111, %dma_start3A_112] : memref<10112x128xf32, #tpu.memory_space<vmem_shared>> -> memref<10112x128xf32, #tpu.memory_space<vmem_shared>>
          tpu.enqueue_indirect_dma source(%arg13 : memref<128x128xf32, #tpu.memory_space<vmem>>) target(%dma_start3A_113 : memref<10112x128xf32, #tpu.memory_space<vmem_shared>>) offsets(%dma_start3A_110 : memref<128xi32, #tpu.memory_space<vmem>>) semaphore(%run_scoped3A_107 : memref<!tpu.dma_semaphore, #tpu.memory_space<semaphore_mem>>) {add = true}
          %dma_wait3A_114 = arith.constant 0 : i32
          %dma_wait3A_115 = tpu.memref_slice %arg11[%add3A_83, %dma_wait3A_114] : memref<40x128xi32, #tpu.memory_space<vmem>> -> memref<1x128xi32, #tpu.memory_space<vmem>>
          %dma_wait3A_116 = tpu.memref_squeeze %dma_wait3A_115 : memref<1x128xi32, #tpu.memory_space<vmem>> -> memref<128xi32, #tpu.memory_space<vmem>>
          %dma_wait3A_117 = arith.constant 0 : i32
          %dma_wait3A_118 = arith.constant 0 : i32
          %dma_wait3A_119 = tpu.memref_slice %arg14[%dma_wait3A_117, %dma_wait3A_118] : memref<10112x128xf32, #tpu.memory_space<vmem_shared>> -> memref<10112x128xf32, #tpu.memory_space<vmem_shared>>
          tpu.wait_indirect_dma semaphore(%run_scoped3A_107 : memref<!tpu.dma_semaphore, #tpu.memory_space<semaphore_mem>>) src(%arg13 : memref<128x128xf32, #tpu.memory_space<vmem>>) dst(%dma_wait3A_119 : memref<10112x128xf32, #tpu.memory_space<vmem_shared>>)
          tpu.yield
        }) : () -> ()
      }
      %scan3A_20 = arith.constant 20 : i32
      "tpu.region"() ({
        %run_scoped3A_78 = tpu.sem_alloc : memref<!tpu.dma_semaphore, #tpu.memory_space<semaphore_mem>>
        %dma_start3A_79 = arith.constant 40 : i32
        %dma_start3A_80 = arith.constant 0 : i32
        %dma_start3A_81 = tpu.memref_slice %arg6[%arg1, %dma_start3A_79, %dma_start3A_80] : memref<16x80x128xi32, #tpu.memory_space<hbm>> -> memref<1x40x128xi32, #tpu.memory_space<hbm>>
        %dma_start3A_82 = tpu.memref_squeeze %dma_start3A_81 : memref<1x40x128xi32, #tpu.memory_space<hbm>> -> memref<40x128xi32, #tpu.memory_space<hbm>>
        %dma_start3A_83 = arith.constant 40 : i32
        %dma_start3A_84 = arith.constant 0 : i32
        %dma_start3A_85 = tpu.memref_slice %arg6[%arg1, %dma_start3A_83, %dma_start3A_84] : memref<16x80x128xi32, #tpu.memory_space<hbm>> -> memref<1x40x128xi32, #tpu.memory_space<hbm>>
        %dma_start3A_86 = tpu.memref_squeeze %dma_start3A_85 : memref<1x40x128xi32, #tpu.memory_space<hbm>> -> memref<40x128xi32, #tpu.memory_space<hbm>>
        tpu.enqueue_dma source(%dma_start3A_86 : memref<40x128xi32, #tpu.memory_space<hbm>>) target(%arg10 : memref<40x128xi32, #tpu.memory_space<vmem>>) target_semaphore(%run_scoped3A_78 : memref<!tpu.dma_semaphore, #tpu.memory_space<semaphore_mem>>)
        %dma_wait3A = arith.constant 40 : i32
        %dma_wait3A_87 = arith.constant 0 : i32
        %dma_wait3A_88 = tpu.memref_slice %arg6[%arg1, %dma_wait3A, %dma_wait3A_87] : memref<16x80x128xi32, #tpu.memory_space<hbm>> -> memref<1x40x128xi32, #tpu.memory_space<hbm>>
        %dma_wait3A_89 = tpu.memref_squeeze %dma_wait3A_88 : memref<1x40x128xi32, #tpu.memory_space<hbm>> -> memref<40x128xi32, #tpu.memory_space<hbm>>
        %dma_wait3A_90 = arith.constant 40 : i32
        %dma_wait3A_91 = arith.constant 0 : i32
        %dma_wait3A_92 = tpu.memref_slice %arg6[%arg1, %dma_wait3A_90, %dma_wait3A_91] : memref<16x80x128xi32, #tpu.memory_space<hbm>> -> memref<1x40x128xi32, #tpu.memory_space<hbm>>
        %dma_wait3A_93 = tpu.memref_squeeze %dma_wait3A_92 : memref<1x40x128xi32, #tpu.memory_space<hbm>> -> memref<40x128xi32, #tpu.memory_space<hbm>>
        tpu.wait_dma2 semaphore(%run_scoped3A_78 : memref<!tpu.dma_semaphore, #tpu.memory_space<semaphore_mem>>) src(%dma_wait3A_93 : memref<40x128xi32, #tpu.memory_space<hbm>>) dst(%arg10 : memref<40x128xi32, #tpu.memory_space<vmem>>)
        tpu.yield
      }) : () -> ()
      "tpu.region"() ({
        %run_scoped3A_78 = tpu.sem_alloc : memref<!tpu.dma_semaphore, #tpu.memory_space<semaphore_mem>>
        %dma_start3A_79 = arith.constant 40 : i32
        %dma_start3A_80 = arith.constant 0 : i32
        %dma_start3A_81 = tpu.memref_slice %arg7[%arg1, %dma_start3A_79, %dma_start3A_80] : memref<16x80x128xi32, #tpu.memory_space<hbm>> -> memref<1x40x128xi32, #tpu.memory_space<hbm>>
        %dma_start3A_82 = tpu.memref_squeeze %dma_start3A_81 : memref<1x40x128xi32, #tpu.memory_space<hbm>> -> memref<40x128xi32, #tpu.memory_space<hbm>>
        %dma_start3A_83 = arith.constant 40 : i32
        %dma_start3A_84 = arith.constant 0 : i32
        %dma_start3A_85 = tpu.memref_slice %arg7[%arg1, %dma_start3A_83, %dma_start3A_84] : memref<16x80x128xi32, #tpu.memory_space<hbm>> -> memref<1x40x128xi32, #tpu.memory_space<hbm>>
        %dma_start3A_86 = tpu.memref_squeeze %dma_start3A_85 : memref<1x40x128xi32, #tpu.memory_space<hbm>> -> memref<40x128xi32, #tpu.memory_space<hbm>>
        tpu.enqueue_dma source(%dma_start3A_86 : memref<40x128xi32, #tpu.memory_space<hbm>>) target(%arg11 : memref<40x128xi32, #tpu.memory_space<vmem>>) target_semaphore(%run_scoped3A_78 : memref<!tpu.dma_semaphore, #tpu.memory_space<semaphore_mem>>)
        %dma_wait3A = arith.constant 40 : i32
        %dma_wait3A_87 = arith.constant 0 : i32
        %dma_wait3A_88 = tpu.memref_slice %arg7[%arg1, %dma_wait3A, %dma_wait3A_87] : memref<16x80x128xi32, #tpu.memory_space<hbm>> -> memref<1x40x128xi32, #tpu.memory_space<hbm>>
        %dma_wait3A_89 = tpu.memref_squeeze %dma_wait3A_88 : memref<1x40x128xi32, #tpu.memory_space<hbm>> -> memref<40x128xi32, #tpu.memory_space<hbm>>
        %dma_wait3A_90 = arith.constant 40 : i32
        %dma_wait3A_91 = arith.constant 0 : i32
        %dma_wait3A_92 = tpu.memref_slice %arg7[%arg1, %dma_wait3A_90, %dma_wait3A_91] : memref<16x80x128xi32, #tpu.memory_space<hbm>> -> memref<1x40x128xi32, #tpu.memory_space<hbm>>
        %dma_wait3A_93 = tpu.memref_squeeze %dma_wait3A_92 : memref<1x40x128xi32, #tpu.memory_space<hbm>> -> memref<40x128xi32, #tpu.memory_space<hbm>>
        tpu.wait_dma2 semaphore(%run_scoped3A_78 : memref<!tpu.dma_semaphore, #tpu.memory_space<semaphore_mem>>) src(%dma_wait3A_93 : memref<40x128xi32, #tpu.memory_space<hbm>>) dst(%arg11 : memref<40x128xi32, #tpu.memory_space<vmem>>)
        tpu.yield
      }) : () -> ()
      %dma_start3A_21 = arith.constant 0 : i32
      %dma_start3A_22 = arith.constant 0 : i32
      %dma_start3A_23 = tpu.memref_slice %arg10[%dma_start3A_21, %dma_start3A_22] : memref<40x128xi32, #tpu.memory_space<vmem>> -> memref<1x128xi32, #tpu.memory_space<vmem>>
      %dma_start3A_24 = tpu.memref_squeeze %dma_start3A_23 : memref<1x128xi32, #tpu.memory_space<vmem>> -> memref<128xi32, #tpu.memory_space<vmem>>
      %dma_start3A_25 = arith.constant 0 : i32
      %dma_start3A_26 = arith.constant 0 : i32
      %dma_start3A_27 = tpu.memref_slice %arg2[%dma_start3A_25, %dma_start3A_26] : memref<10000x128xf32, #tpu.memory_space<hbm>> -> memref<10000x128xf32, #tpu.memory_space<hbm>>
      tpu.enqueue_indirect_dma source(%dma_start3A_27 : memref<10000x128xf32, #tpu.memory_space<hbm>>) target(%arg12 : memref<128x128xf32, #tpu.memory_space<vmem>>) offsets(%dma_start3A_24 : memref<128xi32, #tpu.memory_space<vmem>>) semaphore(%arg15 : memref<!tpu.dma_semaphore, #tpu.memory_space<semaphore_mem>>)
      %scan3A_28 = arith.constant 0 : i32
      %scan3A_29 = arith.constant 0 : i32
      %scan3A_30 = arith.constant 20 : i32
      %scan3A_31 = arith.addi %scan3A_29, %scan3A_30 : i32
      %scan3A_32 = arith.constant 1 : i32
      scf.for %scan3A_78 = %scan3A_29 to %scan3A_31 step %scan3A_32  : i32 {
        %mul3A_79 = arith.constant 2 : i32
        %mul3A_80 = arith.muli %mul3A_79, %scan3A_78 : i32
        %mul3A_81 = arith.constant 2 : i32
        %mul3A_82 = arith.muli %mul3A_81, %scan3A_78 : i32
        %add3A = arith.constant 1 : i32
        %add3A_83 = arith.addi %mul3A_82, %add3A : i32
        %dma_start3A_84 = arith.constant 0 : i32
        %dma_start3A_85 = tpu.memref_slice %arg10[%add3A_83, %dma_start3A_84] : memref<40x128xi32, #tpu.memory_space<vmem>> -> memref<1x128xi32, #tpu.memory_space<vmem>>
        %dma_start3A_86 = tpu.memref_squeeze %dma_start3A_85 : memref<1x128xi32, #tpu.memory_space<vmem>> -> memref<128xi32, #tpu.memory_space<vmem>>
        %dma_start3A_87 = arith.constant 0 : i32
        %dma_start3A_88 = arith.constant 0 : i32
        %dma_start3A_89 = tpu.memref_slice %arg2[%dma_start3A_87, %dma_start3A_88] : memref<10000x128xf32, #tpu.memory_space<hbm>> -> memref<10000x128xf32, #tpu.memory_space<hbm>>
        tpu.enqueue_indirect_dma source(%dma_start3A_89 : memref<10000x128xf32, #tpu.memory_space<hbm>>) target(%arg13 : memref<128x128xf32, #tpu.memory_space<vmem>>) offsets(%dma_start3A_86 : memref<128xi32, #tpu.memory_space<vmem>>) semaphore(%arg16 : memref<!tpu.dma_semaphore, #tpu.memory_space<semaphore_mem>>)
        %dma_wait3A = arith.constant 0 : i32
        %dma_wait3A_90 = tpu.memref_slice %arg10[%mul3A_80, %dma_wait3A] : memref<40x128xi32, #tpu.memory_space<vmem>> -> memref<1x128xi32, #tpu.memory_space<vmem>>
        %dma_wait3A_91 = tpu.memref_squeeze %dma_wait3A_90 : memref<1x128xi32, #tpu.memory_space<vmem>> -> memref<128xi32, #tpu.memory_space<vmem>>
        %dma_wait3A_92 = arith.constant 0 : i32
        %dma_wait3A_93 = arith.constant 0 : i32
        %dma_wait3A_94 = tpu.memref_slice %arg2[%dma_wait3A_92, %dma_wait3A_93] : memref<10000x128xf32, #tpu.memory_space<hbm>> -> memref<10000x128xf32, #tpu.memory_space<hbm>>
        tpu.wait_indirect_dma semaphore(%arg15 : memref<!tpu.dma_semaphore, #tpu.memory_space<semaphore_mem>>) src(%dma_wait3A_94 : memref<10000x128xf32, #tpu.memory_space<hbm>>) dst(%arg12 : memref<128x128xf32, #tpu.memory_space<vmem>>)
        "tpu.region"() ({
          %run_scoped3A_107 = tpu.sem_alloc : memref<!tpu.dma_semaphore, #tpu.memory_space<semaphore_mem>>
          %dma_start3A_108 = arith.constant 0 : i32
          %dma_start3A_109 = tpu.memref_slice %arg11[%mul3A_80, %dma_start3A_108] : memref<40x128xi32, #tpu.memory_space<vmem>> -> memref<1x128xi32, #tpu.memory_space<vmem>>
          %dma_start3A_110 = tpu.memref_squeeze %dma_start3A_109 : memref<1x128xi32, #tpu.memory_space<vmem>> -> memref<128xi32, #tpu.memory_space<vmem>>
          %dma_start3A_111 = arith.constant 0 : i32
          %dma_start3A_112 = arith.constant 0 : i32
          %dma_start3A_113 = tpu.memref_slice %arg14[%dma_start3A_111, %dma_start3A_112] : memref<10112x128xf32, #tpu.memory_space<vmem_shared>> -> memref<10112x128xf32, #tpu.memory_space<vmem_shared>>
          tpu.enqueue_indirect_dma source(%arg12 : memref<128x128xf32, #tpu.memory_space<vmem>>) target(%dma_start3A_113 : memref<10112x128xf32, #tpu.memory_space<vmem_shared>>) offsets(%dma_start3A_110 : memref<128xi32, #tpu.memory_space<vmem>>) semaphore(%run_scoped3A_107 : memref<!tpu.dma_semaphore, #tpu.memory_space<semaphore_mem>>) {add = true}
          %dma_wait3A_114 = arith.constant 0 : i32
          %dma_wait3A_115 = tpu.memref_slice %arg11[%mul3A_80, %dma_wait3A_114] : memref<40x128xi32, #tpu.memory_space<vmem>> -> memref<1x128xi32, #tpu.memory_space<vmem>>
          %dma_wait3A_116 = tpu.memref_squeeze %dma_wait3A_115 : memref<1x128xi32, #tpu.memory_space<vmem>> -> memref<128xi32, #tpu.memory_space<vmem>>
          %dma_wait3A_117 = arith.constant 0 : i32
          %dma_wait3A_118 = arith.constant 0 : i32
          %dma_wait3A_119 = tpu.memref_slice %arg14[%dma_wait3A_117, %dma_wait3A_118] : memref<10112x128xf32, #tpu.memory_space<vmem_shared>> -> memref<10112x128xf32, #tpu.memory_space<vmem_shared>>
          tpu.wait_indirect_dma semaphore(%run_scoped3A_107 : memref<!tpu.dma_semaphore, #tpu.memory_space<semaphore_mem>>) src(%arg12 : memref<128x128xf32, #tpu.memory_space<vmem>>) dst(%dma_wait3A_119 : memref<10112x128xf32, #tpu.memory_space<vmem_shared>>)
          tpu.yield
        }) : () -> ()
        %add3A_95 = arith.constant 1 : i32
        %add3A_96 = arith.addi %add3A_83, %add3A_95 : i32
        %lt3A = arith.constant 40 : i32
        %lt3A_97 = arith.cmpi slt, %add3A_96, %lt3A : i32
        %convert_element_type3A_98 = arith.extui %lt3A_97 : i1 to i32
        %cond3A_99 = arith.constant 0 : i32
        %cond3A_100 = arith.cmpi ne, %convert_element_type3A_98, %cond3A_99 : i32
        scf.if %cond3A_100 {
          %add3A_107 = arith.constant 1 : i32
          %add3A_108 = arith.addi %add3A_83, %add3A_107 : i32
          %dma_start3A_109 = arith.constant 0 : i32
          %dma_start3A_110 = tpu.memref_slice %arg10[%add3A_108, %dma_start3A_109] : memref<40x128xi32, #tpu.memory_space<vmem>> -> memref<1x128xi32, #tpu.memory_space<vmem>>
          %dma_start3A_111 = tpu.memref_squeeze %dma_start3A_110 : memref<1x128xi32, #tpu.memory_space<vmem>> -> memref<128xi32, #tpu.memory_space<vmem>>
          %dma_start3A_112 = arith.constant 0 : i32
          %dma_start3A_113 = arith.constant 0 : i32
          %dma_start3A_114 = tpu.memref_slice %arg2[%dma_start3A_112, %dma_start3A_113] : memref<10000x128xf32, #tpu.memory_space<hbm>> -> memref<10000x128xf32, #tpu.memory_space<hbm>>
          tpu.enqueue_indirect_dma source(%dma_start3A_114 : memref<10000x128xf32, #tpu.memory_space<hbm>>) target(%arg12 : memref<128x128xf32, #tpu.memory_space<vmem>>) offsets(%dma_start3A_111 : memref<128xi32, #tpu.memory_space<vmem>>) semaphore(%arg15 : memref<!tpu.dma_semaphore, #tpu.memory_space<semaphore_mem>>)
        } else {
        }
        %dma_wait3A_101 = arith.constant 0 : i32
        %dma_wait3A_102 = tpu.memref_slice %arg10[%add3A_83, %dma_wait3A_101] : memref<40x128xi32, #tpu.memory_space<vmem>> -> memref<1x128xi32, #tpu.memory_space<vmem>>
        %dma_wait3A_103 = tpu.memref_squeeze %dma_wait3A_102 : memref<1x128xi32, #tpu.memory_space<vmem>> -> memref<128xi32, #tpu.memory_space<vmem>>
        %dma_wait3A_104 = arith.constant 0 : i32
        %dma_wait3A_105 = arith.constant 0 : i32
        %dma_wait3A_106 = tpu.memref_slice %arg2[%dma_wait3A_104, %dma_wait3A_105] : memref<10000x128xf32, #tpu.memory_space<hbm>> -> memref<10000x128xf32, #tpu.memory_space<hbm>>
        tpu.wait_indirect_dma semaphore(%arg16 : memref<!tpu.dma_semaphore, #tpu.memory_space<semaphore_mem>>) src(%dma_wait3A_106 : memref<10000x128xf32, #tpu.memory_space<hbm>>) dst(%arg13 : memref<128x128xf32, #tpu.memory_space<vmem>>)
        "tpu.region"() ({
          %run_scoped3A_107 = tpu.sem_alloc : memref<!tpu.dma_semaphore, #tpu.memory_space<semaphore_mem>>
          %dma_start3A_108 = arith.constant 0 : i32
          %dma_start3A_109 = tpu.memref_slice %arg11[%add3A_83, %dma_start3A_108] : memref<40x128xi32, #tpu.memory_space<vmem>> -> memref<1x128xi32, #tpu.memory_space<vmem>>
          %dma_start3A_110 = tpu.memref_squeeze %dma_start3A_109 : memref<1x128xi32, #tpu.memory_space<vmem>> -> memref<128xi32, #tpu.memory_space<vmem>>
          %dma_start3A_111 = arith.constant 0 : i32
          %dma_start3A_112 = arith.constant 0 : i32
          %dma_start3A_113 = tpu.memref_slice %arg14[%dma_start3A_111, %dma_start3A_112] : memref<10112x128xf32, #tpu.memory_space<vmem_shared>> -> memref<10112x128xf32, #tpu.memory_space<vmem_shared>>
          tpu.enqueue_indirect_dma source(%arg13 : memref<128x128xf32, #tpu.memory_space<vmem>>) target(%dma_start3A_113 : memref<10112x128xf32, #tpu.memory_space<vmem_shared>>) offsets(%dma_start3A_110 : memref<128xi32, #tpu.memory_space<vmem>>) semaphore(%run_scoped3A_107 : memref<!tpu.dma_semaphore, #tpu.memory_space<semaphore_mem>>) {add = true}
          %dma_wait3A_114 = arith.constant 0 : i32
          %dma_wait3A_115 = tpu.memref_slice %arg11[%add3A_83, %dma_wait3A_114] : memref<40x128xi32, #tpu.memory_space<vmem>> -> memref<1x128xi32, #tpu.memory_space<vmem>>
          %dma_wait3A_116 = tpu.memref_squeeze %dma_wait3A_115 : memref<1x128xi32, #tpu.memory_space<vmem>> -> memref<128xi32, #tpu.memory_space<vmem>>
          %dma_wait3A_117 = arith.constant 0 : i32
          %dma_wait3A_118 = arith.constant 0 : i32
          %dma_wait3A_119 = tpu.memref_slice %arg14[%dma_wait3A_117, %dma_wait3A_118] : memref<10112x128xf32, #tpu.memory_space<vmem_shared>> -> memref<10112x128xf32, #tpu.memory_space<vmem_shared>>
          tpu.wait_indirect_dma semaphore(%run_scoped3A_107 : memref<!tpu.dma_semaphore, #tpu.memory_space<semaphore_mem>>) src(%arg13 : memref<128x128xf32, #tpu.memory_space<vmem>>) dst(%dma_wait3A_119 : memref<10112x128xf32, #tpu.memory_space<vmem_shared>>)
          tpu.yield
        }) : () -> ()
      }
      %scan3A_33 = arith.constant 20 : i32
      %barrier3A_34 = arith.constant 0 : index
      tpu.barrier barrier_id(%barrier3A_34)
      %mul3A_35 = arith.constant 632 : i32
      %mul3A_36 = arith.muli %arg1, %mul3A_35 : i32
      %mul3A_37 = arith.constant 632 : i32
      %mul3A_38 = arith.muli %arg1, %mul3A_37 : i32
      %run_scoped3A = arith.constant 0 : i32
      "tpu.region"() ({
        %run_scoped3A_78 = tpu.sem_alloc : memref<!tpu.dma_semaphore, #tpu.memory_space<semaphore_mem>>
        %dma_start3A_79 = arith.constant 0 : i32
        %dma_start3A_80 = tpu.memref_slice %arg9[%run_scoped3A, %mul3A_38, %dma_start3A_79] : memref<4x10112x128xf32, #tpu.memory_space<hbm>> -> memref<1x632x128xf32, #tpu.memory_space<hbm>>
        %dma_start3A_81 = tpu.memref_squeeze %dma_start3A_80 : memref<1x632x128xf32, #tpu.memory_space<hbm>> -> memref<632x128xf32, #tpu.memory_space<hbm>>
        %dma_start3A_82 = arith.constant 0 : i32
        %dma_start3A_83 = tpu.memref_slice %arg14[%mul3A_36, %dma_start3A_82] : memref<10112x128xf32, #tpu.memory_space<vmem_shared>> -> memref<632x128xf32, #tpu.memory_space<vmem_shared>>
        tpu.enqueue_dma source(%dma_start3A_83 : memref<632x128xf32, #tpu.memory_space<vmem_shared>>) target(%dma_start3A_81 : memref<632x128xf32, #tpu.memory_space<hbm>>) target_semaphore(%run_scoped3A_78 : memref<!tpu.dma_semaphore, #tpu.memory_space<semaphore_mem>>)
        %dma_wait3A = arith.constant 0 : i32
        %dma_wait3A_84 = tpu.memref_slice %arg9[%run_scoped3A, %mul3A_38, %dma_wait3A] : memref<4x10112x128xf32, #tpu.memory_space<hbm>> -> memref<1x632x128xf32, #tpu.memory_space<hbm>>
        %dma_wait3A_85 = tpu.memref_squeeze %dma_wait3A_84 : memref<1x632x128xf32, #tpu.memory_space<hbm>> -> memref<632x128xf32, #tpu.memory_space<hbm>>
        %dma_wait3A_86 = arith.constant 0 : i32
        %dma_wait3A_87 = tpu.memref_slice %arg14[%mul3A_36, %dma_wait3A_86] : memref<10112x128xf32, #tpu.memory_space<vmem_shared>> -> memref<632x128xf32, #tpu.memory_space<vmem_shared>>
        tpu.wait_dma2 semaphore(%run_scoped3A_78 : memref<!tpu.dma_semaphore, #tpu.memory_space<semaphore_mem>>) src(%dma_wait3A_87 : memref<632x128xf32, #tpu.memory_space<vmem_shared>>) dst(%dma_wait3A_85 : memref<632x128xf32, #tpu.memory_space<hbm>>)
        tpu.yield
      }) : () -> ()
      %barrier3A_39 = arith.constant 0 : index
      tpu.barrier barrier_id(%barrier3A_39)
      %mul3A_40 = arith.constant 632 : i32
      %mul3A_41 = arith.muli %arg1, %mul3A_40 : i32
      %mul3A_42 = arith.constant 632 : i32
      %mul3A_43 = arith.muli %arg1, %mul3A_42 : i32
      "tpu.region"() ({
        %run_scoped3A_78 = tpu.sem_alloc : memref<!tpu.dma_semaphore, #tpu.memory_space<semaphore_mem>>
        %dma_start3A_79 = arith.constant 0 : i32
        %dma_start3A_80 = tpu.memref_slice %arg14[%mul3A_43, %dma_start3A_79] : memref<10112x128xf32, #tpu.memory_space<vmem_shared>> -> memref<632x128xf32, #tpu.memory_space<vmem_shared>>
        %dma_start3A_81 = arith.constant 0 : i32
        %dma_start3A_82 = tpu.memref_slice %arg8[%mul3A_41, %dma_start3A_81] : memref<10112x128xf32, #tpu.memory_space<hbm>> -> memref<632x128xf32, #tpu.memory_space<hbm>>
        tpu.enqueue_dma source(%dma_start3A_82 : memref<632x128xf32, #tpu.memory_space<hbm>>) target(%dma_start3A_80 : memref<632x128xf32, #tpu.memory_space<vmem_shared>>) target_semaphore(%run_scoped3A_78 : memref<!tpu.dma_semaphore, #tpu.memory_space<semaphore_mem>>)
        %dma_wait3A = arith.constant 0 : i32
        %dma_wait3A_83 = tpu.memref_slice %arg14[%mul3A_43, %dma_wait3A] : memref<10112x128xf32, #tpu.memory_space<vmem_shared>> -> memref<632x128xf32, #tpu.memory_space<vmem_shared>>
        %dma_wait3A_84 = arith.constant 0 : i32
        %dma_wait3A_85 = tpu.memref_slice %arg8[%mul3A_41, %dma_wait3A_84] : memref<10112x128xf32, #tpu.memory_space<hbm>> -> memref<632x128xf32, #tpu.memory_space<hbm>>
        tpu.wait_dma2 semaphore(%run_scoped3A_78 : memref<!tpu.dma_semaphore, #tpu.memory_space<semaphore_mem>>) src(%dma_wait3A_85 : memref<632x128xf32, #tpu.memory_space<hbm>>) dst(%dma_wait3A_83 : memref<632x128xf32, #tpu.memory_space<vmem_shared>>)
        tpu.yield
      }) : () -> ()
      %barrier3A_44 = arith.constant 0 : index
      tpu.barrier barrier_id(%barrier3A_44)
      "tpu.region"() ({
        %run_scoped3A_78 = tpu.sem_alloc : memref<!tpu.dma_semaphore, #tpu.memory_space<semaphore_mem>>
        %dma_start3A_79 = arith.constant 0 : i32
        %dma_start3A_80 = arith.constant 0 : i32
        %dma_start3A_81 = tpu.memref_slice %arg6[%arg1, %dma_start3A_79, %dma_start3A_80] : memref<16x80x128xi32, #tpu.memory_space<hbm>> -> memref<1x40x128xi32, #tpu.memory_space<hbm>>
        %dma_start3A_82 = tpu.memref_squeeze %dma_start3A_81 : memref<1x40x128xi32, #tpu.memory_space<hbm>> -> memref<40x128xi32, #tpu.memory_space<hbm>>
        %dma_start3A_83 = arith.constant 0 : i32
        %dma_start3A_84 = arith.constant 0 : i32
        %dma_start3A_85 = tpu.memref_slice %arg6[%arg1, %dma_start3A_83, %dma_start3A_84] : memref<16x80x128xi32, #tpu.memory_space<hbm>> -> memref<1x40x128xi32, #tpu.memory_space<hbm>>
        %dma_start3A_86 = tpu.memref_squeeze %dma_start3A_85 : memref<1x40x128xi32, #tpu.memory_space<hbm>> -> memref<40x128xi32, #tpu.memory_space<hbm>>
        tpu.enqueue_dma source(%dma_start3A_86 : memref<40x128xi32, #tpu.memory_space<hbm>>) target(%arg10 : memref<40x128xi32, #tpu.memory_space<vmem>>) target_semaphore(%run_scoped3A_78 : memref<!tpu.dma_semaphore, #tpu.memory_space<semaphore_mem>>)
        %dma_wait3A = arith.constant 0 : i32
        %dma_wait3A_87 = arith.constant 0 : i32
        %dma_wait3A_88 = tpu.memref_slice %arg6[%arg1, %dma_wait3A, %dma_wait3A_87] : memref<16x80x128xi32, #tpu.memory_space<hbm>> -> memref<1x40x128xi32, #tpu.memory_space<hbm>>
        %dma_wait3A_89 = tpu.memref_squeeze %dma_wait3A_88 : memref<1x40x128xi32, #tpu.memory_space<hbm>> -> memref<40x128xi32, #tpu.memory_space<hbm>>
        %dma_wait3A_90 = arith.constant 0 : i32
        %dma_wait3A_91 = arith.constant 0 : i32
        %dma_wait3A_92 = tpu.memref_slice %arg6[%arg1, %dma_wait3A_90, %dma_wait3A_91] : memref<16x80x128xi32, #tpu.memory_space<hbm>> -> memref<1x40x128xi32, #tpu.memory_space<hbm>>
        %dma_wait3A_93 = tpu.memref_squeeze %dma_wait3A_92 : memref<1x40x128xi32, #tpu.memory_space<hbm>> -> memref<40x128xi32, #tpu.memory_space<hbm>>
        tpu.wait_dma2 semaphore(%run_scoped3A_78 : memref<!tpu.dma_semaphore, #tpu.memory_space<semaphore_mem>>) src(%dma_wait3A_93 : memref<40x128xi32, #tpu.memory_space<hbm>>) dst(%arg10 : memref<40x128xi32, #tpu.memory_space<vmem>>)
        tpu.yield
      }) : () -> ()
      "tpu.region"() ({
        %run_scoped3A_78 = tpu.sem_alloc : memref<!tpu.dma_semaphore, #tpu.memory_space<semaphore_mem>>
        %dma_start3A_79 = arith.constant 0 : i32
        %dma_start3A_80 = arith.constant 0 : i32
        %dma_start3A_81 = tpu.memref_slice %arg7[%arg1, %dma_start3A_79, %dma_start3A_80] : memref<16x80x128xi32, #tpu.memory_space<hbm>> -> memref<1x40x128xi32, #tpu.memory_space<hbm>>
        %dma_start3A_82 = tpu.memref_squeeze %dma_start3A_81 : memref<1x40x128xi32, #tpu.memory_space<hbm>> -> memref<40x128xi32, #tpu.memory_space<hbm>>
        %dma_start3A_83 = arith.constant 0 : i32
        %dma_start3A_84 = arith.constant 0 : i32
        %dma_start3A_85 = tpu.memref_slice %arg7[%arg1, %dma_start3A_83, %dma_start3A_84] : memref<16x80x128xi32, #tpu.memory_space<hbm>> -> memref<1x40x128xi32, #tpu.memory_space<hbm>>
        %dma_start3A_86 = tpu.memref_squeeze %dma_start3A_85 : memref<1x40x128xi32, #tpu.memory_space<hbm>> -> memref<40x128xi32, #tpu.memory_space<hbm>>
        tpu.enqueue_dma source(%dma_start3A_86 : memref<40x128xi32, #tpu.memory_space<hbm>>) target(%arg11 : memref<40x128xi32, #tpu.memory_space<vmem>>) target_semaphore(%run_scoped3A_78 : memref<!tpu.dma_semaphore, #tpu.memory_space<semaphore_mem>>)
        %dma_wait3A = arith.constant 0 : i32
        %dma_wait3A_87 = arith.constant 0 : i32
        %dma_wait3A_88 = tpu.memref_slice %arg7[%arg1, %dma_wait3A, %dma_wait3A_87] : memref<16x80x128xi32, #tpu.memory_space<hbm>> -> memref<1x40x128xi32, #tpu.memory_space<hbm>>
        %dma_wait3A_89 = tpu.memref_squeeze %dma_wait3A_88 : memref<1x40x128xi32, #tpu.memory_space<hbm>> -> memref<40x128xi32, #tpu.memory_space<hbm>>
        %dma_wait3A_90 = arith.constant 0 : i32
        %dma_wait3A_91 = arith.constant 0 : i32
        %dma_wait3A_92 = tpu.memref_slice %arg7[%arg1, %dma_wait3A_90, %dma_wait3A_91] : memref<16x80x128xi32, #tpu.memory_space<hbm>> -> memref<1x40x128xi32, #tpu.memory_space<hbm>>
        %dma_wait3A_93 = tpu.memref_squeeze %dma_wait3A_92 : memref<1x40x128xi32, #tpu.memory_space<hbm>> -> memref<40x128xi32, #tpu.memory_space<hbm>>
        tpu.wait_dma2 semaphore(%run_scoped3A_78 : memref<!tpu.dma_semaphore, #tpu.memory_space<semaphore_mem>>) src(%dma_wait3A_93 : memref<40x128xi32, #tpu.memory_space<hbm>>) dst(%arg11 : memref<40x128xi32, #tpu.memory_space<vmem>>)
        tpu.yield
      }) : () -> ()
      %dma_start3A_45 = arith.constant 0 : i32
      %dma_start3A_46 = arith.constant 0 : i32
      %dma_start3A_47 = tpu.memref_slice %arg10[%dma_start3A_45, %dma_start3A_46] : memref<40x128xi32, #tpu.memory_space<vmem>> -> memref<1x128xi32, #tpu.memory_space<vmem>>
      %dma_start3A_48 = tpu.memref_squeeze %dma_start3A_47 : memref<1x128xi32, #tpu.memory_space<vmem>> -> memref<128xi32, #tpu.memory_space<vmem>>
      %dma_start3A_49 = arith.constant 0 : i32
      %dma_start3A_50 = arith.constant 0 : i32
      %dma_start3A_51 = tpu.memref_slice %arg4[%dma_start3A_49, %dma_start3A_50] : memref<10000x128xf32, #tpu.memory_space<hbm>> -> memref<10000x128xf32, #tpu.memory_space<hbm>>
      tpu.enqueue_indirect_dma source(%dma_start3A_51 : memref<10000x128xf32, #tpu.memory_space<hbm>>) target(%arg12 : memref<128x128xf32, #tpu.memory_space<vmem>>) offsets(%dma_start3A_48 : memref<128xi32, #tpu.memory_space<vmem>>) semaphore(%arg15 : memref<!tpu.dma_semaphore, #tpu.memory_space<semaphore_mem>>)
      %scan3A_52 = arith.constant 0 : i32
      %scan3A_53 = arith.constant 0 : i32
      %scan3A_54 = arith.constant 20 : i32
      %scan3A_55 = arith.addi %scan3A_53, %scan3A_54 : i32
      %scan3A_56 = arith.constant 1 : i32
      scf.for %scan3A_78 = %scan3A_53 to %scan3A_55 step %scan3A_56  : i32 {
        %mul3A_79 = arith.constant 2 : i32
        %mul3A_80 = arith.muli %mul3A_79, %scan3A_78 : i32
        %mul3A_81 = arith.constant 2 : i32
        %mul3A_82 = arith.muli %mul3A_81, %scan3A_78 : i32
        %add3A = arith.constant 1 : i32
        %add3A_83 = arith.addi %mul3A_82, %add3A : i32
        %dma_start3A_84 = arith.constant 0 : i32
        %dma_start3A_85 = tpu.memref_slice %arg10[%add3A_83, %dma_start3A_84] : memref<40x128xi32, #tpu.memory_space<vmem>> -> memref<1x128xi32, #tpu.memory_space<vmem>>
        %dma_start3A_86 = tpu.memref_squeeze %dma_start3A_85 : memref<1x128xi32, #tpu.memory_space<vmem>> -> memref<128xi32, #tpu.memory_space<vmem>>
        %dma_start3A_87 = arith.constant 0 : i32
        %dma_start3A_88 = arith.constant 0 : i32
        %dma_start3A_89 = tpu.memref_slice %arg4[%dma_start3A_87, %dma_start3A_88] : memref<10000x128xf32, #tpu.memory_space<hbm>> -> memref<10000x128xf32, #tpu.memory_space<hbm>>
        tpu.enqueue_indirect_dma source(%dma_start3A_89 : memref<10000x128xf32, #tpu.memory_space<hbm>>) target(%arg13 : memref<128x128xf32, #tpu.memory_space<vmem>>) offsets(%dma_start3A_86 : memref<128xi32, #tpu.memory_space<vmem>>) semaphore(%arg16 : memref<!tpu.dma_semaphore, #tpu.memory_space<semaphore_mem>>)
        %dma_wait3A = arith.constant 0 : i32
        %dma_wait3A_90 = tpu.memref_slice %arg10[%mul3A_80, %dma_wait3A] : memref<40x128xi32, #tpu.memory_space<vmem>> -> memref<1x128xi32, #tpu.memory_space<vmem>>
        %dma_wait3A_91 = tpu.memref_squeeze %dma_wait3A_90 : memref<1x128xi32, #tpu.memory_space<vmem>> -> memref<128xi32, #tpu.memory_space<vmem>>
        %dma_wait3A_92 = arith.constant 0 : i32
        %dma_wait3A_93 = arith.constant 0 : i32
        %dma_wait3A_94 = tpu.memref_slice %arg4[%dma_wait3A_92, %dma_wait3A_93] : memref<10000x128xf32, #tpu.memory_space<hbm>> -> memref<10000x128xf32, #tpu.memory_space<hbm>>
        tpu.wait_indirect_dma semaphore(%arg15 : memref<!tpu.dma_semaphore, #tpu.memory_space<semaphore_mem>>) src(%dma_wait3A_94 : memref<10000x128xf32, #tpu.memory_space<hbm>>) dst(%arg12 : memref<128x128xf32, #tpu.memory_space<vmem>>)
        "tpu.region"() ({
          %run_scoped3A_107 = tpu.sem_alloc : memref<!tpu.dma_semaphore, #tpu.memory_space<semaphore_mem>>
          %dma_start3A_108 = arith.constant 0 : i32
          %dma_start3A_109 = tpu.memref_slice %arg11[%mul3A_80, %dma_start3A_108] : memref<40x128xi32, #tpu.memory_space<vmem>> -> memref<1x128xi32, #tpu.memory_space<vmem>>
          %dma_start3A_110 = tpu.memref_squeeze %dma_start3A_109 : memref<1x128xi32, #tpu.memory_space<vmem>> -> memref<128xi32, #tpu.memory_space<vmem>>
          %dma_start3A_111 = arith.constant 0 : i32
          %dma_start3A_112 = arith.constant 0 : i32
          %dma_start3A_113 = tpu.memref_slice %arg14[%dma_start3A_111, %dma_start3A_112] : memref<10112x128xf32, #tpu.memory_space<vmem_shared>> -> memref<10112x128xf32, #tpu.memory_space<vmem_shared>>
          tpu.enqueue_indirect_dma source(%arg12 : memref<128x128xf32, #tpu.memory_space<vmem>>) target(%dma_start3A_113 : memref<10112x128xf32, #tpu.memory_space<vmem_shared>>) offsets(%dma_start3A_110 : memref<128xi32, #tpu.memory_space<vmem>>) semaphore(%run_scoped3A_107 : memref<!tpu.dma_semaphore, #tpu.memory_space<semaphore_mem>>) {add = true}
          %dma_wait3A_114 = arith.constant 0 : i32
          %dma_wait3A_115 = tpu.memref_slice %arg11[%mul3A_80, %dma_wait3A_114] : memref<40x128xi32, #tpu.memory_space<vmem>> -> memref<1x128xi32, #tpu.memory_space<vmem>>
          %dma_wait3A_116 = tpu.memref_squeeze %dma_wait3A_115 : memref<1x128xi32, #tpu.memory_space<vmem>> -> memref<128xi32, #tpu.memory_space<vmem>>
          %dma_wait3A_117 = arith.constant 0 : i32
          %dma_wait3A_118 = arith.constant 0 : i32
          %dma_wait3A_119 = tpu.memref_slice %arg14[%dma_wait3A_117, %dma_wait3A_118] : memref<10112x128xf32, #tpu.memory_space<vmem_shared>> -> memref<10112x128xf32, #tpu.memory_space<vmem_shared>>
          tpu.wait_indirect_dma semaphore(%run_scoped3A_107 : memref<!tpu.dma_semaphore, #tpu.memory_space<semaphore_mem>>) src(%arg12 : memref<128x128xf32, #tpu.memory_space<vmem>>) dst(%dma_wait3A_119 : memref<10112x128xf32, #tpu.memory_space<vmem_shared>>)
          tpu.yield
        }) : () -> ()
        %add3A_95 = arith.constant 1 : i32
        %add3A_96 = arith.addi %add3A_83, %add3A_95 : i32
        %lt3A = arith.constant 40 : i32
        %lt3A_97 = arith.cmpi slt, %add3A_96, %lt3A : i32
        %convert_element_type3A_98 = arith.extui %lt3A_97 : i1 to i32
        %cond3A_99 = arith.constant 0 : i32
        %cond3A_100 = arith.cmpi ne, %convert_element_type3A_98, %cond3A_99 : i32
        scf.if %cond3A_100 {
          %add3A_107 = arith.constant 1 : i32
          %add3A_108 = arith.addi %add3A_83, %add3A_107 : i32
          %dma_start3A_109 = arith.constant 0 : i32
          %dma_start3A_110 = tpu.memref_slice %arg10[%add3A_108, %dma_start3A_109] : memref<40x128xi32, #tpu.memory_space<vmem>> -> memref<1x128xi32, #tpu.memory_space<vmem>>
          %dma_start3A_111 = tpu.memref_squeeze %dma_start3A_110 : memref<1x128xi32, #tpu.memory_space<vmem>> -> memref<128xi32, #tpu.memory_space<vmem>>
          %dma_start3A_112 = arith.constant 0 : i32
          %dma_start3A_113 = arith.constant 0 : i32
          %dma_start3A_114 = tpu.memref_slice %arg4[%dma_start3A_112, %dma_start3A_113] : memref<10000x128xf32, #tpu.memory_space<hbm>> -> memref<10000x128xf32, #tpu.memory_space<hbm>>
          tpu.enqueue_indirect_dma source(%dma_start3A_114 : memref<10000x128xf32, #tpu.memory_space<hbm>>) target(%arg12 : memref<128x128xf32, #tpu.memory_space<vmem>>) offsets(%dma_start3A_111 : memref<128xi32, #tpu.memory_space<vmem>>) semaphore(%arg15 : memref<!tpu.dma_semaphore, #tpu.memory_space<semaphore_mem>>)
        } else {
        }
        %dma_wait3A_101 = arith.constant 0 : i32
        %dma_wait3A_102 = tpu.memref_slice %arg10[%add3A_83, %dma_wait3A_101] : memref<40x128xi32, #tpu.memory_space<vmem>> -> memref<1x128xi32, #tpu.memory_space<vmem>>
        %dma_wait3A_103 = tpu.memref_squeeze %dma_wait3A_102 : memref<1x128xi32, #tpu.memory_space<vmem>> -> memref<128xi32, #tpu.memory_space<vmem>>
        %dma_wait3A_104 = arith.constant 0 : i32
        %dma_wait3A_105 = arith.constant 0 : i32
        %dma_wait3A_106 = tpu.memref_slice %arg4[%dma_wait3A_104, %dma_wait3A_105] : memref<10000x128xf32, #tpu.memory_space<hbm>> -> memref<10000x128xf32, #tpu.memory_space<hbm>>
        tpu.wait_indirect_dma semaphore(%arg16 : memref<!tpu.dma_semaphore, #tpu.memory_space<semaphore_mem>>) src(%dma_wait3A_106 : memref<10000x128xf32, #tpu.memory_space<hbm>>) dst(%arg13 : memref<128x128xf32, #tpu.memory_space<vmem>>)
        "tpu.region"() ({
          %run_scoped3A_107 = tpu.sem_alloc : memref<!tpu.dma_semaphore, #tpu.memory_space<semaphore_mem>>
          %dma_start3A_108 = arith.constant 0 : i32
          %dma_start3A_109 = tpu.memref_slice %arg11[%add3A_83, %dma_start3A_108] : memref<40x128xi32, #tpu.memory_space<vmem>> -> memref<1x128xi32, #tpu.memory_space<vmem>>
          %dma_start3A_110 = tpu.memref_squeeze %dma_start3A_109 : memref<1x128xi32, #tpu.memory_space<vmem>> -> memref<128xi32, #tpu.memory_space<vmem>>
          %dma_start3A_111 = arith.constant 0 : i32
          %dma_start3A_112 = arith.constant 0 : i32
          %dma_start3A_113 = tpu.memref_slice %arg14[%dma_start3A_111, %dma_start3A_112] : memref<10112x128xf32, #tpu.memory_space<vmem_shared>> -> memref<10112x128xf32, #tpu.memory_space<vmem_shared>>
          tpu.enqueue_indirect_dma source(%arg13 : memref<128x128xf32, #tpu.memory_space<vmem>>) target(%dma_start3A_113 : memref<10112x128xf32, #tpu.memory_space<vmem_shared>>) offsets(%dma_start3A_110 : memref<128xi32, #tpu.memory_space<vmem>>) semaphore(%run_scoped3A_107 : memref<!tpu.dma_semaphore, #tpu.memory_space<semaphore_mem>>) {add = true}
          %dma_wait3A_114 = arith.constant 0 : i32
          %dma_wait3A_115 = tpu.memref_slice %arg11[%add3A_83, %dma_wait3A_114] : memref<40x128xi32, #tpu.memory_space<vmem>> -> memref<1x128xi32, #tpu.memory_space<vmem>>
          %dma_wait3A_116 = tpu.memref_squeeze %dma_wait3A_115 : memref<1x128xi32, #tpu.memory_space<vmem>> -> memref<128xi32, #tpu.memory_space<vmem>>
          %dma_wait3A_117 = arith.constant 0 : i32
          %dma_wait3A_118 = arith.constant 0 : i32
          %dma_wait3A_119 = tpu.memref_slice %arg14[%dma_wait3A_117, %dma_wait3A_118] : memref<10112x128xf32, #tpu.memory_space<vmem_shared>> -> memref<10112x128xf32, #tpu.memory_space<vmem_shared>>
          tpu.wait_indirect_dma semaphore(%run_scoped3A_107 : memref<!tpu.dma_semaphore, #tpu.memory_space<semaphore_mem>>) src(%arg13 : memref<128x128xf32, #tpu.memory_space<vmem>>) dst(%dma_wait3A_119 : memref<10112x128xf32, #tpu.memory_space<vmem_shared>>)
          tpu.yield
        }) : () -> ()
      }
      %scan3A_57 = arith.constant 20 : i32
      "tpu.region"() ({
        %run_scoped3A_78 = tpu.sem_alloc : memref<!tpu.dma_semaphore, #tpu.memory_space<semaphore_mem>>
        %dma_start3A_79 = arith.constant 40 : i32
        %dma_start3A_80 = arith.constant 0 : i32
        %dma_start3A_81 = tpu.memref_slice %arg6[%arg1, %dma_start3A_79, %dma_start3A_80] : memref<16x80x128xi32, #tpu.memory_space<hbm>> -> memref<1x40x128xi32, #tpu.memory_space<hbm>>
        %dma_start3A_82 = tpu.memref_squeeze %dma_start3A_81 : memref<1x40x128xi32, #tpu.memory_space<hbm>> -> memref<40x128xi32, #tpu.memory_space<hbm>>
        %dma_start3A_83 = arith.constant 40 : i32
        %dma_start3A_84 = arith.constant 0 : i32
        %dma_start3A_85 = tpu.memref_slice %arg6[%arg1, %dma_start3A_83, %dma_start3A_84] : memref<16x80x128xi32, #tpu.memory_space<hbm>> -> memref<1x40x128xi32, #tpu.memory_space<hbm>>
        %dma_start3A_86 = tpu.memref_squeeze %dma_start3A_85 : memref<1x40x128xi32, #tpu.memory_space<hbm>> -> memref<40x128xi32, #tpu.memory_space<hbm>>
        tpu.enqueue_dma source(%dma_start3A_86 : memref<40x128xi32, #tpu.memory_space<hbm>>) target(%arg10 : memref<40x128xi32, #tpu.memory_space<vmem>>) target_semaphore(%run_scoped3A_78 : memref<!tpu.dma_semaphore, #tpu.memory_space<semaphore_mem>>)
        %dma_wait3A = arith.constant 40 : i32
        %dma_wait3A_87 = arith.constant 0 : i32
        %dma_wait3A_88 = tpu.memref_slice %arg6[%arg1, %dma_wait3A, %dma_wait3A_87] : memref<16x80x128xi32, #tpu.memory_space<hbm>> -> memref<1x40x128xi32, #tpu.memory_space<hbm>>
        %dma_wait3A_89 = tpu.memref_squeeze %dma_wait3A_88 : memref<1x40x128xi32, #tpu.memory_space<hbm>> -> memref<40x128xi32, #tpu.memory_space<hbm>>
        %dma_wait3A_90 = arith.constant 40 : i32
        %dma_wait3A_91 = arith.constant 0 : i32
        %dma_wait3A_92 = tpu.memref_slice %arg6[%arg1, %dma_wait3A_90, %dma_wait3A_91] : memref<16x80x128xi32, #tpu.memory_space<hbm>> -> memref<1x40x128xi32, #tpu.memory_space<hbm>>
        %dma_wait3A_93 = tpu.memref_squeeze %dma_wait3A_92 : memref<1x40x128xi32, #tpu.memory_space<hbm>> -> memref<40x128xi32, #tpu.memory_space<hbm>>
        tpu.wait_dma2 semaphore(%run_scoped3A_78 : memref<!tpu.dma_semaphore, #tpu.memory_space<semaphore_mem>>) src(%dma_wait3A_93 : memref<40x128xi32, #tpu.memory_space<hbm>>) dst(%arg10 : memref<40x128xi32, #tpu.memory_space<vmem>>)
        tpu.yield
      }) : () -> ()
      "tpu.region"() ({
        %run_scoped3A_78 = tpu.sem_alloc : memref<!tpu.dma_semaphore, #tpu.memory_space<semaphore_mem>>
        %dma_start3A_79 = arith.constant 40 : i32
        %dma_start3A_80 = arith.constant 0 : i32
        %dma_start3A_81 = tpu.memref_slice %arg7[%arg1, %dma_start3A_79, %dma_start3A_80] : memref<16x80x128xi32, #tpu.memory_space<hbm>> -> memref<1x40x128xi32, #tpu.memory_space<hbm>>
        %dma_start3A_82 = tpu.memref_squeeze %dma_start3A_81 : memref<1x40x128xi32, #tpu.memory_space<hbm>> -> memref<40x128xi32, #tpu.memory_space<hbm>>
        %dma_start3A_83 = arith.constant 40 : i32
        %dma_start3A_84 = arith.constant 0 : i32
        %dma_start3A_85 = tpu.memref_slice %arg7[%arg1, %dma_start3A_83, %dma_start3A_84] : memref<16x80x128xi32, #tpu.memory_space<hbm>> -> memref<1x40x128xi32, #tpu.memory_space<hbm>>
        %dma_start3A_86 = tpu.memref_squeeze %dma_start3A_85 : memref<1x40x128xi32, #tpu.memory_space<hbm>> -> memref<40x128xi32, #tpu.memory_space<hbm>>
        tpu.enqueue_dma source(%dma_start3A_86 : memref<40x128xi32, #tpu.memory_space<hbm>>) target(%arg11 : memref<40x128xi32, #tpu.memory_space<vmem>>) target_semaphore(%run_scoped3A_78 : memref<!tpu.dma_semaphore, #tpu.memory_space<semaphore_mem>>)
        %dma_wait3A = arith.constant 40 : i32
        %dma_wait3A_87 = arith.constant 0 : i32
        %dma_wait3A_88 = tpu.memref_slice %arg7[%arg1, %dma_wait3A, %dma_wait3A_87] : memref<16x80x128xi32, #tpu.memory_space<hbm>> -> memref<1x40x128xi32, #tpu.memory_space<hbm>>
        %dma_wait3A_89 = tpu.memref_squeeze %dma_wait3A_88 : memref<1x40x128xi32, #tpu.memory_space<hbm>> -> memref<40x128xi32, #tpu.memory_space<hbm>>
        %dma_wait3A_90 = arith.constant 40 : i32
        %dma_wait3A_91 = arith.constant 0 : i32
        %dma_wait3A_92 = tpu.memref_slice %arg7[%arg1, %dma_wait3A_90, %dma_wait3A_91] : memref<16x80x128xi32, #tpu.memory_space<hbm>> -> memref<1x40x128xi32, #tpu.memory_space<hbm>>
        %dma_wait3A_93 = tpu.memref_squeeze %dma_wait3A_92 : memref<1x40x128xi32, #tpu.memory_space<hbm>> -> memref<40x128xi32, #tpu.memory_space<hbm>>
        tpu.wait_dma2 semaphore(%run_scoped3A_78 : memref<!tpu.dma_semaphore, #tpu.memory_space<semaphore_mem>>) src(%dma_wait3A_93 : memref<40x128xi32, #tpu.memory_space<hbm>>) dst(%arg11 : memref<40x128xi32, #tpu.memory_space<vmem>>)
        tpu.yield
      }) : () -> ()
      %dma_start3A_58 = arith.constant 0 : i32
      %dma_start3A_59 = arith.constant 0 : i32
      %dma_start3A_60 = tpu.memref_slice %arg10[%dma_start3A_58, %dma_start3A_59] : memref<40x128xi32, #tpu.memory_space<vmem>> -> memref<1x128xi32, #tpu.memory_space<vmem>>
      %dma_start3A_61 = tpu.memref_squeeze %dma_start3A_60 : memref<1x128xi32, #tpu.memory_space<vmem>> -> memref<128xi32, #tpu.memory_space<vmem>>
      %dma_start3A_62 = arith.constant 0 : i32
      %dma_start3A_63 = arith.constant 0 : i32
      %dma_start3A_64 = tpu.memref_slice %arg4[%dma_start3A_62, %dma_start3A_63] : memref<10000x128xf32, #tpu.memory_space<hbm>> -> memref<10000x128xf32, #tpu.memory_space<hbm>>
      tpu.enqueue_indirect_dma source(%dma_start3A_64 : memref<10000x128xf32, #tpu.memory_space<hbm>>) target(%arg12 : memref<128x128xf32, #tpu.memory_space<vmem>>) offsets(%dma_start3A_61 : memref<128xi32, #tpu.memory_space<vmem>>) semaphore(%arg15 : memref<!tpu.dma_semaphore, #tpu.memory_space<semaphore_mem>>)
      %scan3A_65 = arith.constant 0 : i32
      %scan3A_66 = arith.constant 0 : i32
      %scan3A_67 = arith.constant 20 : i32
      %scan3A_68 = arith.addi %scan3A_66, %scan3A_67 : i32
      %scan3A_69 = arith.constant 1 : i32
      scf.for %scan3A_78 = %scan3A_66 to %scan3A_68 step %scan3A_69  : i32 {
        %mul3A_79 = arith.constant 2 : i32
        %mul3A_80 = arith.muli %mul3A_79, %scan3A_78 : i32
        %mul3A_81 = arith.constant 2 : i32
        %mul3A_82 = arith.muli %mul3A_81, %scan3A_78 : i32
        %add3A = arith.constant 1 : i32
        %add3A_83 = arith.addi %mul3A_82, %add3A : i32
        %dma_start3A_84 = arith.constant 0 : i32
        %dma_start3A_85 = tpu.memref_slice %arg10[%add3A_83, %dma_start3A_84] : memref<40x128xi32, #tpu.memory_space<vmem>> -> memref<1x128xi32, #tpu.memory_space<vmem>>
        %dma_start3A_86 = tpu.memref_squeeze %dma_start3A_85 : memref<1x128xi32, #tpu.memory_space<vmem>> -> memref<128xi32, #tpu.memory_space<vmem>>
        %dma_start3A_87 = arith.constant 0 : i32
        %dma_start3A_88 = arith.constant 0 : i32
        %dma_start3A_89 = tpu.memref_slice %arg4[%dma_start3A_87, %dma_start3A_88] : memref<10000x128xf32, #tpu.memory_space<hbm>> -> memref<10000x128xf32, #tpu.memory_space<hbm>>
        tpu.enqueue_indirect_dma source(%dma_start3A_89 : memref<10000x128xf32, #tpu.memory_space<hbm>>) target(%arg13 : memref<128x128xf32, #tpu.memory_space<vmem>>) offsets(%dma_start3A_86 : memref<128xi32, #tpu.memory_space<vmem>>) semaphore(%arg16 : memref<!tpu.dma_semaphore, #tpu.memory_space<semaphore_mem>>)
        %dma_wait3A = arith.constant 0 : i32
        %dma_wait3A_90 = tpu.memref_slice %arg10[%mul3A_80, %dma_wait3A] : memref<40x128xi32, #tpu.memory_space<vmem>> -> memref<1x128xi32, #tpu.memory_space<vmem>>
        %dma_wait3A_91 = tpu.memref_squeeze %dma_wait3A_90 : memref<1x128xi32, #tpu.memory_space<vmem>> -> memref<128xi32, #tpu.memory_space<vmem>>
        %dma_wait3A_92 = arith.constant 0 : i32
        %dma_wait3A_93 = arith.constant 0 : i32
        %dma_wait3A_94 = tpu.memref_slice %arg4[%dma_wait3A_92, %dma_wait3A_93] : memref<10000x128xf32, #tpu.memory_space<hbm>> -> memref<10000x128xf32, #tpu.memory_space<hbm>>
        tpu.wait_indirect_dma semaphore(%arg15 : memref<!tpu.dma_semaphore, #tpu.memory_space<semaphore_mem>>) src(%dma_wait3A_94 : memref<10000x128xf32, #tpu.memory_space<hbm>>) dst(%arg12 : memref<128x128xf32, #tpu.memory_space<vmem>>)
        "tpu.region"() ({
          %run_scoped3A_107 = tpu.sem_alloc : memref<!tpu.dma_semaphore, #tpu.memory_space<semaphore_mem>>
          %dma_start3A_108 = arith.constant 0 : i32
          %dma_start3A_109 = tpu.memref_slice %arg11[%mul3A_80, %dma_start3A_108] : memref<40x128xi32, #tpu.memory_space<vmem>> -> memref<1x128xi32, #tpu.memory_space<vmem>>
          %dma_start3A_110 = tpu.memref_squeeze %dma_start3A_109 : memref<1x128xi32, #tpu.memory_space<vmem>> -> memref<128xi32, #tpu.memory_space<vmem>>
          %dma_start3A_111 = arith.constant 0 : i32
          %dma_start3A_112 = arith.constant 0 : i32
          %dma_start3A_113 = tpu.memref_slice %arg14[%dma_start3A_111, %dma_start3A_112] : memref<10112x128xf32, #tpu.memory_space<vmem_shared>> -> memref<10112x128xf32, #tpu.memory_space<vmem_shared>>
          tpu.enqueue_indirect_dma source(%arg12 : memref<128x128xf32, #tpu.memory_space<vmem>>) target(%dma_start3A_113 : memref<10112x128xf32, #tpu.memory_space<vmem_shared>>) offsets(%dma_start3A_110 : memref<128xi32, #tpu.memory_space<vmem>>) semaphore(%run_scoped3A_107 : memref<!tpu.dma_semaphore, #tpu.memory_space<semaphore_mem>>) {add = true}
          %dma_wait3A_114 = arith.constant 0 : i32
          %dma_wait3A_115 = tpu.memref_slice %arg11[%mul3A_80, %dma_wait3A_114] : memref<40x128xi32, #tpu.memory_space<vmem>> -> memref<1x128xi32, #tpu.memory_space<vmem>>
          %dma_wait3A_116 = tpu.memref_squeeze %dma_wait3A_115 : memref<1x128xi32, #tpu.memory_space<vmem>> -> memref<128xi32, #tpu.memory_space<vmem>>
          %dma_wait3A_117 = arith.constant 0 : i32
          %dma_wait3A_118 = arith.constant 0 : i32
          %dma_wait3A_119 = tpu.memref_slice %arg14[%dma_wait3A_117, %dma_wait3A_118] : memref<10112x128xf32, #tpu.memory_space<vmem_shared>> -> memref<10112x128xf32, #tpu.memory_space<vmem_shared>>
          tpu.wait_indirect_dma semaphore(%run_scoped3A_107 : memref<!tpu.dma_semaphore, #tpu.memory_space<semaphore_mem>>) src(%arg12 : memref<128x128xf32, #tpu.memory_space<vmem>>) dst(%dma_wait3A_119 : memref<10112x128xf32, #tpu.memory_space<vmem_shared>>)
          tpu.yield
        }) : () -> ()
        %add3A_95 = arith.constant 1 : i32
        %add3A_96 = arith.addi %add3A_83, %add3A_95 : i32
        %lt3A = arith.constant 40 : i32
        %lt3A_97 = arith.cmpi slt, %add3A_96, %lt3A : i32
        %convert_element_type3A_98 = arith.extui %lt3A_97 : i1 to i32
        %cond3A_99 = arith.constant 0 : i32
        %cond3A_100 = arith.cmpi ne, %convert_element_type3A_98, %cond3A_99 : i32
        scf.if %cond3A_100 {
          %add3A_107 = arith.constant 1 : i32
          %add3A_108 = arith.addi %add3A_83, %add3A_107 : i32
          %dma_start3A_109 = arith.constant 0 : i32
          %dma_start3A_110 = tpu.memref_slice %arg10[%add3A_108, %dma_start3A_109] : memref<40x128xi32, #tpu.memory_space<vmem>> -> memref<1x128xi32, #tpu.memory_space<vmem>>
          %dma_start3A_111 = tpu.memref_squeeze %dma_start3A_110 : memref<1x128xi32, #tpu.memory_space<vmem>> -> memref<128xi32, #tpu.memory_space<vmem>>
          %dma_start3A_112 = arith.constant 0 : i32
          %dma_start3A_113 = arith.constant 0 : i32
          %dma_start3A_114 = tpu.memref_slice %arg4[%dma_start3A_112, %dma_start3A_113] : memref<10000x128xf32, #tpu.memory_space<hbm>> -> memref<10000x128xf32, #tpu.memory_space<hbm>>
          tpu.enqueue_indirect_dma source(%dma_start3A_114 : memref<10000x128xf32, #tpu.memory_space<hbm>>) target(%arg12 : memref<128x128xf32, #tpu.memory_space<vmem>>) offsets(%dma_start3A_111 : memref<128xi32, #tpu.memory_space<vmem>>) semaphore(%arg15 : memref<!tpu.dma_semaphore, #tpu.memory_space<semaphore_mem>>)
        } else {
        }
        %dma_wait3A_101 = arith.constant 0 : i32
        %dma_wait3A_102 = tpu.memref_slice %arg10[%add3A_83, %dma_wait3A_101] : memref<40x128xi32, #tpu.memory_space<vmem>> -> memref<1x128xi32, #tpu.memory_space<vmem>>
        %dma_wait3A_103 = tpu.memref_squeeze %dma_wait3A_102 : memref<1x128xi32, #tpu.memory_space<vmem>> -> memref<128xi32, #tpu.memory_space<vmem>>
        %dma_wait3A_104 = arith.constant 0 : i32
        %dma_wait3A_105 = arith.constant 0 : i32
        %dma_wait3A_106 = tpu.memref_slice %arg4[%dma_wait3A_104, %dma_wait3A_105] : memref<10000x128xf32, #tpu.memory_space<hbm>> -> memref<10000x128xf32, #tpu.memory_space<hbm>>
        tpu.wait_indirect_dma semaphore(%arg16 : memref<!tpu.dma_semaphore, #tpu.memory_space<semaphore_mem>>) src(%dma_wait3A_106 : memref<10000x128xf32, #tpu.memory_space<hbm>>) dst(%arg13 : memref<128x128xf32, #tpu.memory_space<vmem>>)
        "tpu.region"() ({
          %run_scoped3A_107 = tpu.sem_alloc : memref<!tpu.dma_semaphore, #tpu.memory_space<semaphore_mem>>
          %dma_start3A_108 = arith.constant 0 : i32
          %dma_start3A_109 = tpu.memref_slice %arg11[%add3A_83, %dma_start3A_108] : memref<40x128xi32, #tpu.memory_space<vmem>> -> memref<1x128xi32, #tpu.memory_space<vmem>>
          %dma_start3A_110 = tpu.memref_squeeze %dma_start3A_109 : memref<1x128xi32, #tpu.memory_space<vmem>> -> memref<128xi32, #tpu.memory_space<vmem>>
          %dma_start3A_111 = arith.constant 0 : i32
          %dma_start3A_112 = arith.constant 0 : i32
          %dma_start3A_113 = tpu.memref_slice %arg14[%dma_start3A_111, %dma_start3A_112] : memref<10112x128xf32, #tpu.memory_space<vmem_shared>> -> memref<10112x128xf32, #tpu.memory_space<vmem_shared>>
          tpu.enqueue_indirect_dma source(%arg13 : memref<128x128xf32, #tpu.memory_space<vmem>>) target(%dma_start3A_113 : memref<10112x128xf32, #tpu.memory_space<vmem_shared>>) offsets(%dma_start3A_110 : memref<128xi32, #tpu.memory_space<vmem>>) semaphore(%run_scoped3A_107 : memref<!tpu.dma_semaphore, #tpu.memory_space<semaphore_mem>>) {add = true}
          %dma_wait3A_114 = arith.constant 0 : i32
          %dma_wait3A_115 = tpu.memref_slice %arg11[%add3A_83, %dma_wait3A_114] : memref<40x128xi32, #tpu.memory_space<vmem>> -> memref<1x128xi32, #tpu.memory_space<vmem>>
          %dma_wait3A_116 = tpu.memref_squeeze %dma_wait3A_115 : memref<1x128xi32, #tpu.memory_space<vmem>> -> memref<128xi32, #tpu.memory_space<vmem>>
          %dma_wait3A_117 = arith.constant 0 : i32
          %dma_wait3A_118 = arith.constant 0 : i32
          %dma_wait3A_119 = tpu.memref_slice %arg14[%dma_wait3A_117, %dma_wait3A_118] : memref<10112x128xf32, #tpu.memory_space<vmem_shared>> -> memref<10112x128xf32, #tpu.memory_space<vmem_shared>>
          tpu.wait_indirect_dma semaphore(%run_scoped3A_107 : memref<!tpu.dma_semaphore, #tpu.memory_space<semaphore_mem>>) src(%arg13 : memref<128x128xf32, #tpu.memory_space<vmem>>) dst(%dma_wait3A_119 : memref<10112x128xf32, #tpu.memory_space<vmem_shared>>)
          tpu.yield
        }) : () -> ()
      }
      %scan3A_70 = arith.constant 20 : i32
      %barrier3A_71 = arith.constant 0 : index
      tpu.barrier barrier_id(%barrier3A_71)
      %mul3A_72 = arith.constant 632 : i32
      %mul3A_73 = arith.muli %arg1, %mul3A_72 : i32
      %mul3A_74 = arith.constant 632 : i32
      %mul3A_75 = arith.muli %arg1, %mul3A_74 : i32
      %run_scoped3A_76 = arith.constant 2 : i32
      "tpu.region"() ({
        %run_scoped3A_78 = tpu.sem_alloc : memref<!tpu.dma_semaphore, #tpu.memory_space<semaphore_mem>>
        %dma_start3A_79 = arith.constant 0 : i32
        %dma_start3A_80 = tpu.memref_slice %arg9[%run_scoped3A_76, %mul3A_75, %dma_start3A_79] : memref<4x10112x128xf32, #tpu.memory_space<hbm>> -> memref<1x632x128xf32, #tpu.memory_space<hbm>>
        %dma_start3A_81 = tpu.memref_squeeze %dma_start3A_80 : memref<1x632x128xf32, #tpu.memory_space<hbm>> -> memref<632x128xf32, #tpu.memory_space<hbm>>
        %dma_start3A_82 = arith.constant 0 : i32
        %dma_start3A_83 = tpu.memref_slice %arg14[%mul3A_73, %dma_start3A_82] : memref<10112x128xf32, #tpu.memory_space<vmem_shared>> -> memref<632x128xf32, #tpu.memory_space<vmem_shared>>
        tpu.enqueue_dma source(%dma_start3A_83 : memref<632x128xf32, #tpu.memory_space<vmem_shared>>) target(%dma_start3A_81 : memref<632x128xf32, #tpu.memory_space<hbm>>) target_semaphore(%run_scoped3A_78 : memref<!tpu.dma_semaphore, #tpu.memory_space<semaphore_mem>>)
        %dma_wait3A = arith.constant 0 : i32
        %dma_wait3A_84 = tpu.memref_slice %arg9[%run_scoped3A_76, %mul3A_75, %dma_wait3A] : memref<4x10112x128xf32, #tpu.memory_space<hbm>> -> memref<1x632x128xf32, #tpu.memory_space<hbm>>
        %dma_wait3A_85 = tpu.memref_squeeze %dma_wait3A_84 : memref<1x632x128xf32, #tpu.memory_space<hbm>> -> memref<632x128xf32, #tpu.memory_space<hbm>>
        %dma_wait3A_86 = arith.constant 0 : i32
        %dma_wait3A_87 = tpu.memref_slice %arg14[%mul3A_73, %dma_wait3A_86] : memref<10112x128xf32, #tpu.memory_space<vmem_shared>> -> memref<632x128xf32, #tpu.memory_space<vmem_shared>>
        tpu.wait_dma2 semaphore(%run_scoped3A_78 : memref<!tpu.dma_semaphore, #tpu.memory_space<semaphore_mem>>) src(%dma_wait3A_87 : memref<632x128xf32, #tpu.memory_space<vmem_shared>>) dst(%dma_wait3A_85 : memref<632x128xf32, #tpu.memory_space<hbm>>)
        tpu.yield
      }) : () -> ()
      %barrier3A_77 = arith.constant 0 : index
      tpu.barrier barrier_id(%barrier3A_77)
    } else {
    }
    %eq3A_2 = arith.constant 1 : i32
    %eq3A_3 = arith.cmpi eq, %arg0, %eq3A_2 : i32
    %convert_element_type3A_4 = arith.extui %eq3A_3 : i1 to i32
    %cond3A_5 = arith.constant 0 : i32
    %cond3A_6 = arith.cmpi ne, %convert_element_type3A_4, %cond3A_5 : i32
    scf.if %cond3A_6 {
      %mul3A = arith.constant 632 : i32
      %mul3A_7 = arith.muli %arg1, %mul3A : i32
      %mul3A_8 = arith.constant 632 : i32
      %mul3A_9 = arith.muli %arg1, %mul3A_8 : i32
      "tpu.region"() ({
        %run_scoped3A_78 = tpu.sem_alloc : memref<!tpu.dma_semaphore, #tpu.memory_space<semaphore_mem>>
        %dma_start3A_79 = arith.constant 0 : i32
        %dma_start3A_80 = tpu.memref_slice %arg14[%mul3A_9, %dma_start3A_79] : memref<10112x128xf32, #tpu.memory_space<vmem_shared>> -> memref<632x128xf32, #tpu.memory_space<vmem_shared>>
        %dma_start3A_81 = arith.constant 0 : i32
        %dma_start3A_82 = tpu.memref_slice %arg8[%mul3A_7, %dma_start3A_81] : memref<10112x128xf32, #tpu.memory_space<hbm>> -> memref<632x128xf32, #tpu.memory_space<hbm>>
        tpu.enqueue_dma source(%dma_start3A_82 : memref<632x128xf32, #tpu.memory_space<hbm>>) target(%dma_start3A_80 : memref<632x128xf32, #tpu.memory_space<vmem_shared>>) target_semaphore(%run_scoped3A_78 : memref<!tpu.dma_semaphore, #tpu.memory_space<semaphore_mem>>)
        %dma_wait3A = arith.constant 0 : i32
        %dma_wait3A_83 = tpu.memref_slice %arg14[%mul3A_9, %dma_wait3A] : memref<10112x128xf32, #tpu.memory_space<vmem_shared>> -> memref<632x128xf32, #tpu.memory_space<vmem_shared>>
        %dma_wait3A_84 = arith.constant 0 : i32
        %dma_wait3A_85 = tpu.memref_slice %arg8[%mul3A_7, %dma_wait3A_84] : memref<10112x128xf32, #tpu.memory_space<hbm>> -> memref<632x128xf32, #tpu.memory_space<hbm>>
        tpu.wait_dma2 semaphore(%run_scoped3A_78 : memref<!tpu.dma_semaphore, #tpu.memory_space<semaphore_mem>>) src(%dma_wait3A_85 : memref<632x128xf32, #tpu.memory_space<hbm>>) dst(%dma_wait3A_83 : memref<632x128xf32, #tpu.memory_space<vmem_shared>>)
        tpu.yield
      }) : () -> ()
      %barrier3A = arith.constant 0 : index
      tpu.barrier barrier_id(%barrier3A)
      "tpu.region"() ({
        %run_scoped3A_78 = tpu.sem_alloc : memref<!tpu.dma_semaphore, #tpu.memory_space<semaphore_mem>>
        %dma_start3A_79 = arith.constant 0 : i32
        %dma_start3A_80 = arith.constant 0 : i32
        %dma_start3A_81 = tpu.memref_slice %arg6[%arg1, %dma_start3A_79, %dma_start3A_80] : memref<16x80x128xi32, #tpu.memory_space<hbm>> -> memref<1x40x128xi32, #tpu.memory_space<hbm>>
        %dma_start3A_82 = tpu.memref_squeeze %dma_start3A_81 : memref<1x40x128xi32, #tpu.memory_space<hbm>> -> memref<40x128xi32, #tpu.memory_space<hbm>>
        %dma_start3A_83 = arith.constant 0 : i32
        %dma_start3A_84 = arith.constant 0 : i32
        %dma_start3A_85 = tpu.memref_slice %arg6[%arg1, %dma_start3A_83, %dma_start3A_84] : memref<16x80x128xi32, #tpu.memory_space<hbm>> -> memref<1x40x128xi32, #tpu.memory_space<hbm>>
        %dma_start3A_86 = tpu.memref_squeeze %dma_start3A_85 : memref<1x40x128xi32, #tpu.memory_space<hbm>> -> memref<40x128xi32, #tpu.memory_space<hbm>>
        tpu.enqueue_dma source(%dma_start3A_86 : memref<40x128xi32, #tpu.memory_space<hbm>>) target(%arg10 : memref<40x128xi32, #tpu.memory_space<vmem>>) target_semaphore(%run_scoped3A_78 : memref<!tpu.dma_semaphore, #tpu.memory_space<semaphore_mem>>)
        %dma_wait3A = arith.constant 0 : i32
        %dma_wait3A_87 = arith.constant 0 : i32
        %dma_wait3A_88 = tpu.memref_slice %arg6[%arg1, %dma_wait3A, %dma_wait3A_87] : memref<16x80x128xi32, #tpu.memory_space<hbm>> -> memref<1x40x128xi32, #tpu.memory_space<hbm>>
        %dma_wait3A_89 = tpu.memref_squeeze %dma_wait3A_88 : memref<1x40x128xi32, #tpu.memory_space<hbm>> -> memref<40x128xi32, #tpu.memory_space<hbm>>
        %dma_wait3A_90 = arith.constant 0 : i32
        %dma_wait3A_91 = arith.constant 0 : i32
        %dma_wait3A_92 = tpu.memref_slice %arg6[%arg1, %dma_wait3A_90, %dma_wait3A_91] : memref<16x80x128xi32, #tpu.memory_space<hbm>> -> memref<1x40x128xi32, #tpu.memory_space<hbm>>
        %dma_wait3A_93 = tpu.memref_squeeze %dma_wait3A_92 : memref<1x40x128xi32, #tpu.memory_space<hbm>> -> memref<40x128xi32, #tpu.memory_space<hbm>>
        tpu.wait_dma2 semaphore(%run_scoped3A_78 : memref<!tpu.dma_semaphore, #tpu.memory_space<semaphore_mem>>) src(%dma_wait3A_93 : memref<40x128xi32, #tpu.memory_space<hbm>>) dst(%arg10 : memref<40x128xi32, #tpu.memory_space<vmem>>)
        tpu.yield
      }) : () -> ()
      "tpu.region"() ({
        %run_scoped3A_78 = tpu.sem_alloc : memref<!tpu.dma_semaphore, #tpu.memory_space<semaphore_mem>>
        %dma_start3A_79 = arith.constant 0 : i32
        %dma_start3A_80 = arith.constant 0 : i32
        %dma_start3A_81 = tpu.memref_slice %arg7[%arg1, %dma_start3A_79, %dma_start3A_80] : memref<16x80x128xi32, #tpu.memory_space<hbm>> -> memref<1x40x128xi32, #tpu.memory_space<hbm>>
        %dma_start3A_82 = tpu.memref_squeeze %dma_start3A_81 : memref<1x40x128xi32, #tpu.memory_space<hbm>> -> memref<40x128xi32, #tpu.memory_space<hbm>>
        %dma_start3A_83 = arith.constant 0 : i32
        %dma_start3A_84 = arith.constant 0 : i32
        %dma_start3A_85 = tpu.memref_slice %arg7[%arg1, %dma_start3A_83, %dma_start3A_84] : memref<16x80x128xi32, #tpu.memory_space<hbm>> -> memref<1x40x128xi32, #tpu.memory_space<hbm>>
        %dma_start3A_86 = tpu.memref_squeeze %dma_start3A_85 : memref<1x40x128xi32, #tpu.memory_space<hbm>> -> memref<40x128xi32, #tpu.memory_space<hbm>>
        tpu.enqueue_dma source(%dma_start3A_86 : memref<40x128xi32, #tpu.memory_space<hbm>>) target(%arg11 : memref<40x128xi32, #tpu.memory_space<vmem>>) target_semaphore(%run_scoped3A_78 : memref<!tpu.dma_semaphore, #tpu.memory_space<semaphore_mem>>)
        %dma_wait3A = arith.constant 0 : i32
        %dma_wait3A_87 = arith.constant 0 : i32
        %dma_wait3A_88 = tpu.memref_slice %arg7[%arg1, %dma_wait3A, %dma_wait3A_87] : memref<16x80x128xi32, #tpu.memory_space<hbm>> -> memref<1x40x128xi32, #tpu.memory_space<hbm>>
        %dma_wait3A_89 = tpu.memref_squeeze %dma_wait3A_88 : memref<1x40x128xi32, #tpu.memory_space<hbm>> -> memref<40x128xi32, #tpu.memory_space<hbm>>
        %dma_wait3A_90 = arith.constant 0 : i32
        %dma_wait3A_91 = arith.constant 0 : i32
        %dma_wait3A_92 = tpu.memref_slice %arg7[%arg1, %dma_wait3A_90, %dma_wait3A_91] : memref<16x80x128xi32, #tpu.memory_space<hbm>> -> memref<1x40x128xi32, #tpu.memory_space<hbm>>
        %dma_wait3A_93 = tpu.memref_squeeze %dma_wait3A_92 : memref<1x40x128xi32, #tpu.memory_space<hbm>> -> memref<40x128xi32, #tpu.memory_space<hbm>>
        tpu.wait_dma2 semaphore(%run_scoped3A_78 : memref<!tpu.dma_semaphore, #tpu.memory_space<semaphore_mem>>) src(%dma_wait3A_93 : memref<40x128xi32, #tpu.memory_space<hbm>>) dst(%arg11 : memref<40x128xi32, #tpu.memory_space<vmem>>)
        tpu.yield
      }) : () -> ()
      %dma_start3A = arith.constant 0 : i32
      %dma_start3A_10 = arith.constant 0 : i32
      %dma_start3A_11 = tpu.memref_slice %arg10[%dma_start3A, %dma_start3A_10] : memref<40x128xi32, #tpu.memory_space<vmem>> -> memref<1x128xi32, #tpu.memory_space<vmem>>
      %dma_start3A_12 = tpu.memref_squeeze %dma_start3A_11 : memref<1x128xi32, #tpu.memory_space<vmem>> -> memref<128xi32, #tpu.memory_space<vmem>>
      %dma_start3A_13 = arith.constant 0 : i32
      %dma_start3A_14 = arith.constant 0 : i32
      %dma_start3A_15 = tpu.memref_slice %arg3[%dma_start3A_13, %dma_start3A_14] : memref<10000x128xf32, #tpu.memory_space<hbm>> -> memref<10000x128xf32, #tpu.memory_space<hbm>>
      tpu.enqueue_indirect_dma source(%dma_start3A_15 : memref<10000x128xf32, #tpu.memory_space<hbm>>) target(%arg12 : memref<128x128xf32, #tpu.memory_space<vmem>>) offsets(%dma_start3A_12 : memref<128xi32, #tpu.memory_space<vmem>>) semaphore(%arg15 : memref<!tpu.dma_semaphore, #tpu.memory_space<semaphore_mem>>)
      %scan3A = arith.constant 0 : i32
      %scan3A_16 = arith.constant 0 : i32
      %scan3A_17 = arith.constant 20 : i32
      %scan3A_18 = arith.addi %scan3A_16, %scan3A_17 : i32
      %scan3A_19 = arith.constant 1 : i32
      scf.for %scan3A_78 = %scan3A_16 to %scan3A_18 step %scan3A_19  : i32 {
        %mul3A_79 = arith.constant 2 : i32
        %mul3A_80 = arith.muli %mul3A_79, %scan3A_78 : i32
        %mul3A_81 = arith.constant 2 : i32
        %mul3A_82 = arith.muli %mul3A_81, %scan3A_78 : i32
        %add3A = arith.constant 1 : i32
        %add3A_83 = arith.addi %mul3A_82, %add3A : i32
        %dma_start3A_84 = arith.constant 0 : i32
        %dma_start3A_85 = tpu.memref_slice %arg10[%add3A_83, %dma_start3A_84] : memref<40x128xi32, #tpu.memory_space<vmem>> -> memref<1x128xi32, #tpu.memory_space<vmem>>
        %dma_start3A_86 = tpu.memref_squeeze %dma_start3A_85 : memref<1x128xi32, #tpu.memory_space<vmem>> -> memref<128xi32, #tpu.memory_space<vmem>>
        %dma_start3A_87 = arith.constant 0 : i32
        %dma_start3A_88 = arith.constant 0 : i32
        %dma_start3A_89 = tpu.memref_slice %arg3[%dma_start3A_87, %dma_start3A_88] : memref<10000x128xf32, #tpu.memory_space<hbm>> -> memref<10000x128xf32, #tpu.memory_space<hbm>>
        tpu.enqueue_indirect_dma source(%dma_start3A_89 : memref<10000x128xf32, #tpu.memory_space<hbm>>) target(%arg13 : memref<128x128xf32, #tpu.memory_space<vmem>>) offsets(%dma_start3A_86 : memref<128xi32, #tpu.memory_space<vmem>>) semaphore(%arg16 : memref<!tpu.dma_semaphore, #tpu.memory_space<semaphore_mem>>)
        %dma_wait3A = arith.constant 0 : i32
        %dma_wait3A_90 = tpu.memref_slice %arg10[%mul3A_80, %dma_wait3A] : memref<40x128xi32, #tpu.memory_space<vmem>> -> memref<1x128xi32, #tpu.memory_space<vmem>>
        %dma_wait3A_91 = tpu.memref_squeeze %dma_wait3A_90 : memref<1x128xi32, #tpu.memory_space<vmem>> -> memref<128xi32, #tpu.memory_space<vmem>>
        %dma_wait3A_92 = arith.constant 0 : i32
        %dma_wait3A_93 = arith.constant 0 : i32
        %dma_wait3A_94 = tpu.memref_slice %arg3[%dma_wait3A_92, %dma_wait3A_93] : memref<10000x128xf32, #tpu.memory_space<hbm>> -> memref<10000x128xf32, #tpu.memory_space<hbm>>
        tpu.wait_indirect_dma semaphore(%arg15 : memref<!tpu.dma_semaphore, #tpu.memory_space<semaphore_mem>>) src(%dma_wait3A_94 : memref<10000x128xf32, #tpu.memory_space<hbm>>) dst(%arg12 : memref<128x128xf32, #tpu.memory_space<vmem>>)
        "tpu.region"() ({
          %run_scoped3A_107 = tpu.sem_alloc : memref<!tpu.dma_semaphore, #tpu.memory_space<semaphore_mem>>
          %dma_start3A_108 = arith.constant 0 : i32
          %dma_start3A_109 = tpu.memref_slice %arg11[%mul3A_80, %dma_start3A_108] : memref<40x128xi32, #tpu.memory_space<vmem>> -> memref<1x128xi32, #tpu.memory_space<vmem>>
          %dma_start3A_110 = tpu.memref_squeeze %dma_start3A_109 : memref<1x128xi32, #tpu.memory_space<vmem>> -> memref<128xi32, #tpu.memory_space<vmem>>
          %dma_start3A_111 = arith.constant 0 : i32
          %dma_start3A_112 = arith.constant 0 : i32
          %dma_start3A_113 = tpu.memref_slice %arg14[%dma_start3A_111, %dma_start3A_112] : memref<10112x128xf32, #tpu.memory_space<vmem_shared>> -> memref<10112x128xf32, #tpu.memory_space<vmem_shared>>
          tpu.enqueue_indirect_dma source(%arg12 : memref<128x128xf32, #tpu.memory_space<vmem>>) target(%dma_start3A_113 : memref<10112x128xf32, #tpu.memory_space<vmem_shared>>) offsets(%dma_start3A_110 : memref<128xi32, #tpu.memory_space<vmem>>) semaphore(%run_scoped3A_107 : memref<!tpu.dma_semaphore, #tpu.memory_space<semaphore_mem>>) {add = true}
          %dma_wait3A_114 = arith.constant 0 : i32
          %dma_wait3A_115 = tpu.memref_slice %arg11[%mul3A_80, %dma_wait3A_114] : memref<40x128xi32, #tpu.memory_space<vmem>> -> memref<1x128xi32, #tpu.memory_space<vmem>>
          %dma_wait3A_116 = tpu.memref_squeeze %dma_wait3A_115 : memref<1x128xi32, #tpu.memory_space<vmem>> -> memref<128xi32, #tpu.memory_space<vmem>>
          %dma_wait3A_117 = arith.constant 0 : i32
          %dma_wait3A_118 = arith.constant 0 : i32
          %dma_wait3A_119 = tpu.memref_slice %arg14[%dma_wait3A_117, %dma_wait3A_118] : memref<10112x128xf32, #tpu.memory_space<vmem_shared>> -> memref<10112x128xf32, #tpu.memory_space<vmem_shared>>
          tpu.wait_indirect_dma semaphore(%run_scoped3A_107 : memref<!tpu.dma_semaphore, #tpu.memory_space<semaphore_mem>>) src(%arg12 : memref<128x128xf32, #tpu.memory_space<vmem>>) dst(%dma_wait3A_119 : memref<10112x128xf32, #tpu.memory_space<vmem_shared>>)
          tpu.yield
        }) : () -> ()
        %add3A_95 = arith.constant 1 : i32
        %add3A_96 = arith.addi %add3A_83, %add3A_95 : i32
        %lt3A = arith.constant 40 : i32
        %lt3A_97 = arith.cmpi slt, %add3A_96, %lt3A : i32
        %convert_element_type3A_98 = arith.extui %lt3A_97 : i1 to i32
        %cond3A_99 = arith.constant 0 : i32
        %cond3A_100 = arith.cmpi ne, %convert_element_type3A_98, %cond3A_99 : i32
        scf.if %cond3A_100 {
          %add3A_107 = arith.constant 1 : i32
          %add3A_108 = arith.addi %add3A_83, %add3A_107 : i32
          %dma_start3A_109 = arith.constant 0 : i32
          %dma_start3A_110 = tpu.memref_slice %arg10[%add3A_108, %dma_start3A_109] : memref<40x128xi32, #tpu.memory_space<vmem>> -> memref<1x128xi32, #tpu.memory_space<vmem>>
          %dma_start3A_111 = tpu.memref_squeeze %dma_start3A_110 : memref<1x128xi32, #tpu.memory_space<vmem>> -> memref<128xi32, #tpu.memory_space<vmem>>
          %dma_start3A_112 = arith.constant 0 : i32
          %dma_start3A_113 = arith.constant 0 : i32
          %dma_start3A_114 = tpu.memref_slice %arg3[%dma_start3A_112, %dma_start3A_113] : memref<10000x128xf32, #tpu.memory_space<hbm>> -> memref<10000x128xf32, #tpu.memory_space<hbm>>
          tpu.enqueue_indirect_dma source(%dma_start3A_114 : memref<10000x128xf32, #tpu.memory_space<hbm>>) target(%arg12 : memref<128x128xf32, #tpu.memory_space<vmem>>) offsets(%dma_start3A_111 : memref<128xi32, #tpu.memory_space<vmem>>) semaphore(%arg15 : memref<!tpu.dma_semaphore, #tpu.memory_space<semaphore_mem>>)
        } else {
        }
        %dma_wait3A_101 = arith.constant 0 : i32
        %dma_wait3A_102 = tpu.memref_slice %arg10[%add3A_83, %dma_wait3A_101] : memref<40x128xi32, #tpu.memory_space<vmem>> -> memref<1x128xi32, #tpu.memory_space<vmem>>
        %dma_wait3A_103 = tpu.memref_squeeze %dma_wait3A_102 : memref<1x128xi32, #tpu.memory_space<vmem>> -> memref<128xi32, #tpu.memory_space<vmem>>
        %dma_wait3A_104 = arith.constant 0 : i32
        %dma_wait3A_105 = arith.constant 0 : i32
        %dma_wait3A_106 = tpu.memref_slice %arg3[%dma_wait3A_104, %dma_wait3A_105] : memref<10000x128xf32, #tpu.memory_space<hbm>> -> memref<10000x128xf32, #tpu.memory_space<hbm>>
        tpu.wait_indirect_dma semaphore(%arg16 : memref<!tpu.dma_semaphore, #tpu.memory_space<semaphore_mem>>) src(%dma_wait3A_106 : memref<10000x128xf32, #tpu.memory_space<hbm>>) dst(%arg13 : memref<128x128xf32, #tpu.memory_space<vmem>>)
        "tpu.region"() ({
          %run_scoped3A_107 = tpu.sem_alloc : memref<!tpu.dma_semaphore, #tpu.memory_space<semaphore_mem>>
          %dma_start3A_108 = arith.constant 0 : i32
          %dma_start3A_109 = tpu.memref_slice %arg11[%add3A_83, %dma_start3A_108] : memref<40x128xi32, #tpu.memory_space<vmem>> -> memref<1x128xi32, #tpu.memory_space<vmem>>
          %dma_start3A_110 = tpu.memref_squeeze %dma_start3A_109 : memref<1x128xi32, #tpu.memory_space<vmem>> -> memref<128xi32, #tpu.memory_space<vmem>>
          %dma_start3A_111 = arith.constant 0 : i32
          %dma_start3A_112 = arith.constant 0 : i32
          %dma_start3A_113 = tpu.memref_slice %arg14[%dma_start3A_111, %dma_start3A_112] : memref<10112x128xf32, #tpu.memory_space<vmem_shared>> -> memref<10112x128xf32, #tpu.memory_space<vmem_shared>>
          tpu.enqueue_indirect_dma source(%arg13 : memref<128x128xf32, #tpu.memory_space<vmem>>) target(%dma_start3A_113 : memref<10112x128xf32, #tpu.memory_space<vmem_shared>>) offsets(%dma_start3A_110 : memref<128xi32, #tpu.memory_space<vmem>>) semaphore(%run_scoped3A_107 : memref<!tpu.dma_semaphore, #tpu.memory_space<semaphore_mem>>) {add = true}
          %dma_wait3A_114 = arith.constant 0 : i32
          %dma_wait3A_115 = tpu.memref_slice %arg11[%add3A_83, %dma_wait3A_114] : memref<40x128xi32, #tpu.memory_space<vmem>> -> memref<1x128xi32, #tpu.memory_space<vmem>>
          %dma_wait3A_116 = tpu.memref_squeeze %dma_wait3A_115 : memref<1x128xi32, #tpu.memory_space<vmem>> -> memref<128xi32, #tpu.memory_space<vmem>>
          %dma_wait3A_117 = arith.constant 0 : i32
          %dma_wait3A_118 = arith.constant 0 : i32
          %dma_wait3A_119 = tpu.memref_slice %arg14[%dma_wait3A_117, %dma_wait3A_118] : memref<10112x128xf32, #tpu.memory_space<vmem_shared>> -> memref<10112x128xf32, #tpu.memory_space<vmem_shared>>
          tpu.wait_indirect_dma semaphore(%run_scoped3A_107 : memref<!tpu.dma_semaphore, #tpu.memory_space<semaphore_mem>>) src(%arg13 : memref<128x128xf32, #tpu.memory_space<vmem>>) dst(%dma_wait3A_119 : memref<10112x128xf32, #tpu.memory_space<vmem_shared>>)
          tpu.yield
        }) : () -> ()
      }
      %scan3A_20 = arith.constant 20 : i32
      "tpu.region"() ({
        %run_scoped3A_78 = tpu.sem_alloc : memref<!tpu.dma_semaphore, #tpu.memory_space<semaphore_mem>>
        %dma_start3A_79 = arith.constant 40 : i32
        %dma_start3A_80 = arith.constant 0 : i32
        %dma_start3A_81 = tpu.memref_slice %arg6[%arg1, %dma_start3A_79, %dma_start3A_80] : memref<16x80x128xi32, #tpu.memory_space<hbm>> -> memref<1x40x128xi32, #tpu.memory_space<hbm>>
        %dma_start3A_82 = tpu.memref_squeeze %dma_start3A_81 : memref<1x40x128xi32, #tpu.memory_space<hbm>> -> memref<40x128xi32, #tpu.memory_space<hbm>>
        %dma_start3A_83 = arith.constant 40 : i32
        %dma_start3A_84 = arith.constant 0 : i32
        %dma_start3A_85 = tpu.memref_slice %arg6[%arg1, %dma_start3A_83, %dma_start3A_84] : memref<16x80x128xi32, #tpu.memory_space<hbm>> -> memref<1x40x128xi32, #tpu.memory_space<hbm>>
        %dma_start3A_86 = tpu.memref_squeeze %dma_start3A_85 : memref<1x40x128xi32, #tpu.memory_space<hbm>> -> memref<40x128xi32, #tpu.memory_space<hbm>>
        tpu.enqueue_dma source(%dma_start3A_86 : memref<40x128xi32, #tpu.memory_space<hbm>>) target(%arg10 : memref<40x128xi32, #tpu.memory_space<vmem>>) target_semaphore(%run_scoped3A_78 : memref<!tpu.dma_semaphore, #tpu.memory_space<semaphore_mem>>)
        %dma_wait3A = arith.constant 40 : i32
        %dma_wait3A_87 = arith.constant 0 : i32
        %dma_wait3A_88 = tpu.memref_slice %arg6[%arg1, %dma_wait3A, %dma_wait3A_87] : memref<16x80x128xi32, #tpu.memory_space<hbm>> -> memref<1x40x128xi32, #tpu.memory_space<hbm>>
        %dma_wait3A_89 = tpu.memref_squeeze %dma_wait3A_88 : memref<1x40x128xi32, #tpu.memory_space<hbm>> -> memref<40x128xi32, #tpu.memory_space<hbm>>
        %dma_wait3A_90 = arith.constant 40 : i32
        %dma_wait3A_91 = arith.constant 0 : i32
        %dma_wait3A_92 = tpu.memref_slice %arg6[%arg1, %dma_wait3A_90, %dma_wait3A_91] : memref<16x80x128xi32, #tpu.memory_space<hbm>> -> memref<1x40x128xi32, #tpu.memory_space<hbm>>
        %dma_wait3A_93 = tpu.memref_squeeze %dma_wait3A_92 : memref<1x40x128xi32, #tpu.memory_space<hbm>> -> memref<40x128xi32, #tpu.memory_space<hbm>>
        tpu.wait_dma2 semaphore(%run_scoped3A_78 : memref<!tpu.dma_semaphore, #tpu.memory_space<semaphore_mem>>) src(%dma_wait3A_93 : memref<40x128xi32, #tpu.memory_space<hbm>>) dst(%arg10 : memref<40x128xi32, #tpu.memory_space<vmem>>)
        tpu.yield
      }) : () -> ()
      "tpu.region"() ({
        %run_scoped3A_78 = tpu.sem_alloc : memref<!tpu.dma_semaphore, #tpu.memory_space<semaphore_mem>>
        %dma_start3A_79 = arith.constant 40 : i32
        %dma_start3A_80 = arith.constant 0 : i32
        %dma_start3A_81 = tpu.memref_slice %arg7[%arg1, %dma_start3A_79, %dma_start3A_80] : memref<16x80x128xi32, #tpu.memory_space<hbm>> -> memref<1x40x128xi32, #tpu.memory_space<hbm>>
        %dma_start3A_82 = tpu.memref_squeeze %dma_start3A_81 : memref<1x40x128xi32, #tpu.memory_space<hbm>> -> memref<40x128xi32, #tpu.memory_space<hbm>>
        %dma_start3A_83 = arith.constant 40 : i32
        %dma_start3A_84 = arith.constant 0 : i32
        %dma_start3A_85 = tpu.memref_slice %arg7[%arg1, %dma_start3A_83, %dma_start3A_84] : memref<16x80x128xi32, #tpu.memory_space<hbm>> -> memref<1x40x128xi32, #tpu.memory_space<hbm>>
        %dma_start3A_86 = tpu.memref_squeeze %dma_start3A_85 : memref<1x40x128xi32, #tpu.memory_space<hbm>> -> memref<40x128xi32, #tpu.memory_space<hbm>>
        tpu.enqueue_dma source(%dma_start3A_86 : memref<40x128xi32, #tpu.memory_space<hbm>>) target(%arg11 : memref<40x128xi32, #tpu.memory_space<vmem>>) target_semaphore(%run_scoped3A_78 : memref<!tpu.dma_semaphore, #tpu.memory_space<semaphore_mem>>)
        %dma_wait3A = arith.constant 40 : i32
        %dma_wait3A_87 = arith.constant 0 : i32
        %dma_wait3A_88 = tpu.memref_slice %arg7[%arg1, %dma_wait3A, %dma_wait3A_87] : memref<16x80x128xi32, #tpu.memory_space<hbm>> -> memref<1x40x128xi32, #tpu.memory_space<hbm>>
        %dma_wait3A_89 = tpu.memref_squeeze %dma_wait3A_88 : memref<1x40x128xi32, #tpu.memory_space<hbm>> -> memref<40x128xi32, #tpu.memory_space<hbm>>
        %dma_wait3A_90 = arith.constant 40 : i32
        %dma_wait3A_91 = arith.constant 0 : i32
        %dma_wait3A_92 = tpu.memref_slice %arg7[%arg1, %dma_wait3A_90, %dma_wait3A_91] : memref<16x80x128xi32, #tpu.memory_space<hbm>> -> memref<1x40x128xi32, #tpu.memory_space<hbm>>
        %dma_wait3A_93 = tpu.memref_squeeze %dma_wait3A_92 : memref<1x40x128xi32, #tpu.memory_space<hbm>> -> memref<40x128xi32, #tpu.memory_space<hbm>>
        tpu.wait_dma2 semaphore(%run_scoped3A_78 : memref<!tpu.dma_semaphore, #tpu.memory_space<semaphore_mem>>) src(%dma_wait3A_93 : memref<40x128xi32, #tpu.memory_space<hbm>>) dst(%arg11 : memref<40x128xi32, #tpu.memory_space<vmem>>)
        tpu.yield
      }) : () -> ()
      %dma_start3A_21 = arith.constant 0 : i32
      %dma_start3A_22 = arith.constant 0 : i32
      %dma_start3A_23 = tpu.memref_slice %arg10[%dma_start3A_21, %dma_start3A_22] : memref<40x128xi32, #tpu.memory_space<vmem>> -> memref<1x128xi32, #tpu.memory_space<vmem>>
      %dma_start3A_24 = tpu.memref_squeeze %dma_start3A_23 : memref<1x128xi32, #tpu.memory_space<vmem>> -> memref<128xi32, #tpu.memory_space<vmem>>
      %dma_start3A_25 = arith.constant 0 : i32
      %dma_start3A_26 = arith.constant 0 : i32
      %dma_start3A_27 = tpu.memref_slice %arg3[%dma_start3A_25, %dma_start3A_26] : memref<10000x128xf32, #tpu.memory_space<hbm>> -> memref<10000x128xf32, #tpu.memory_space<hbm>>
      tpu.enqueue_indirect_dma source(%dma_start3A_27 : memref<10000x128xf32, #tpu.memory_space<hbm>>) target(%arg12 : memref<128x128xf32, #tpu.memory_space<vmem>>) offsets(%dma_start3A_24 : memref<128xi32, #tpu.memory_space<vmem>>) semaphore(%arg15 : memref<!tpu.dma_semaphore, #tpu.memory_space<semaphore_mem>>)
      %scan3A_28 = arith.constant 0 : i32
      %scan3A_29 = arith.constant 0 : i32
      %scan3A_30 = arith.constant 20 : i32
      %scan3A_31 = arith.addi %scan3A_29, %scan3A_30 : i32
      %scan3A_32 = arith.constant 1 : i32
      scf.for %scan3A_78 = %scan3A_29 to %scan3A_31 step %scan3A_32  : i32 {
        %mul3A_79 = arith.constant 2 : i32
        %mul3A_80 = arith.muli %mul3A_79, %scan3A_78 : i32
        %mul3A_81 = arith.constant 2 : i32
        %mul3A_82 = arith.muli %mul3A_81, %scan3A_78 : i32
        %add3A = arith.constant 1 : i32
        %add3A_83 = arith.addi %mul3A_82, %add3A : i32
        %dma_start3A_84 = arith.constant 0 : i32
        %dma_start3A_85 = tpu.memref_slice %arg10[%add3A_83, %dma_start3A_84] : memref<40x128xi32, #tpu.memory_space<vmem>> -> memref<1x128xi32, #tpu.memory_space<vmem>>
        %dma_start3A_86 = tpu.memref_squeeze %dma_start3A_85 : memref<1x128xi32, #tpu.memory_space<vmem>> -> memref<128xi32, #tpu.memory_space<vmem>>
        %dma_start3A_87 = arith.constant 0 : i32
        %dma_start3A_88 = arith.constant 0 : i32
        %dma_start3A_89 = tpu.memref_slice %arg3[%dma_start3A_87, %dma_start3A_88] : memref<10000x128xf32, #tpu.memory_space<hbm>> -> memref<10000x128xf32, #tpu.memory_space<hbm>>
        tpu.enqueue_indirect_dma source(%dma_start3A_89 : memref<10000x128xf32, #tpu.memory_space<hbm>>) target(%arg13 : memref<128x128xf32, #tpu.memory_space<vmem>>) offsets(%dma_start3A_86 : memref<128xi32, #tpu.memory_space<vmem>>) semaphore(%arg16 : memref<!tpu.dma_semaphore, #tpu.memory_space<semaphore_mem>>)
        %dma_wait3A = arith.constant 0 : i32
        %dma_wait3A_90 = tpu.memref_slice %arg10[%mul3A_80, %dma_wait3A] : memref<40x128xi32, #tpu.memory_space<vmem>> -> memref<1x128xi32, #tpu.memory_space<vmem>>
        %dma_wait3A_91 = tpu.memref_squeeze %dma_wait3A_90 : memref<1x128xi32, #tpu.memory_space<vmem>> -> memref<128xi32, #tpu.memory_space<vmem>>
        %dma_wait3A_92 = arith.constant 0 : i32
        %dma_wait3A_93 = arith.constant 0 : i32
        %dma_wait3A_94 = tpu.memref_slice %arg3[%dma_wait3A_92, %dma_wait3A_93] : memref<10000x128xf32, #tpu.memory_space<hbm>> -> memref<10000x128xf32, #tpu.memory_space<hbm>>
        tpu.wait_indirect_dma semaphore(%arg15 : memref<!tpu.dma_semaphore, #tpu.memory_space<semaphore_mem>>) src(%dma_wait3A_94 : memref<10000x128xf32, #tpu.memory_space<hbm>>) dst(%arg12 : memref<128x128xf32, #tpu.memory_space<vmem>>)
        "tpu.region"() ({
          %run_scoped3A_107 = tpu.sem_alloc : memref<!tpu.dma_semaphore, #tpu.memory_space<semaphore_mem>>
          %dma_start3A_108 = arith.constant 0 : i32
          %dma_start3A_109 = tpu.memref_slice %arg11[%mul3A_80, %dma_start3A_108] : memref<40x128xi32, #tpu.memory_space<vmem>> -> memref<1x128xi32, #tpu.memory_space<vmem>>
          %dma_start3A_110 = tpu.memref_squeeze %dma_start3A_109 : memref<1x128xi32, #tpu.memory_space<vmem>> -> memref<128xi32, #tpu.memory_space<vmem>>
          %dma_start3A_111 = arith.constant 0 : i32
          %dma_start3A_112 = arith.constant 0 : i32
          %dma_start3A_113 = tpu.memref_slice %arg14[%dma_start3A_111, %dma_start3A_112] : memref<10112x128xf32, #tpu.memory_space<vmem_shared>> -> memref<10112x128xf32, #tpu.memory_space<vmem_shared>>
          tpu.enqueue_indirect_dma source(%arg12 : memref<128x128xf32, #tpu.memory_space<vmem>>) target(%dma_start3A_113 : memref<10112x128xf32, #tpu.memory_space<vmem_shared>>) offsets(%dma_start3A_110 : memref<128xi32, #tpu.memory_space<vmem>>) semaphore(%run_scoped3A_107 : memref<!tpu.dma_semaphore, #tpu.memory_space<semaphore_mem>>) {add = true}
          %dma_wait3A_114 = arith.constant 0 : i32
          %dma_wait3A_115 = tpu.memref_slice %arg11[%mul3A_80, %dma_wait3A_114] : memref<40x128xi32, #tpu.memory_space<vmem>> -> memref<1x128xi32, #tpu.memory_space<vmem>>
          %dma_wait3A_116 = tpu.memref_squeeze %dma_wait3A_115 : memref<1x128xi32, #tpu.memory_space<vmem>> -> memref<128xi32, #tpu.memory_space<vmem>>
          %dma_wait3A_117 = arith.constant 0 : i32
          %dma_wait3A_118 = arith.constant 0 : i32
          %dma_wait3A_119 = tpu.memref_slice %arg14[%dma_wait3A_117, %dma_wait3A_118] : memref<10112x128xf32, #tpu.memory_space<vmem_shared>> -> memref<10112x128xf32, #tpu.memory_space<vmem_shared>>
          tpu.wait_indirect_dma semaphore(%run_scoped3A_107 : memref<!tpu.dma_semaphore, #tpu.memory_space<semaphore_mem>>) src(%arg12 : memref<128x128xf32, #tpu.memory_space<vmem>>) dst(%dma_wait3A_119 : memref<10112x128xf32, #tpu.memory_space<vmem_shared>>)
          tpu.yield
        }) : () -> ()
        %add3A_95 = arith.constant 1 : i32
        %add3A_96 = arith.addi %add3A_83, %add3A_95 : i32
        %lt3A = arith.constant 40 : i32
        %lt3A_97 = arith.cmpi slt, %add3A_96, %lt3A : i32
        %convert_element_type3A_98 = arith.extui %lt3A_97 : i1 to i32
        %cond3A_99 = arith.constant 0 : i32
        %cond3A_100 = arith.cmpi ne, %convert_element_type3A_98, %cond3A_99 : i32
        scf.if %cond3A_100 {
          %add3A_107 = arith.constant 1 : i32
          %add3A_108 = arith.addi %add3A_83, %add3A_107 : i32
          %dma_start3A_109 = arith.constant 0 : i32
          %dma_start3A_110 = tpu.memref_slice %arg10[%add3A_108, %dma_start3A_109] : memref<40x128xi32, #tpu.memory_space<vmem>> -> memref<1x128xi32, #tpu.memory_space<vmem>>
          %dma_start3A_111 = tpu.memref_squeeze %dma_start3A_110 : memref<1x128xi32, #tpu.memory_space<vmem>> -> memref<128xi32, #tpu.memory_space<vmem>>
          %dma_start3A_112 = arith.constant 0 : i32
          %dma_start3A_113 = arith.constant 0 : i32
          %dma_start3A_114 = tpu.memref_slice %arg3[%dma_start3A_112, %dma_start3A_113] : memref<10000x128xf32, #tpu.memory_space<hbm>> -> memref<10000x128xf32, #tpu.memory_space<hbm>>
          tpu.enqueue_indirect_dma source(%dma_start3A_114 : memref<10000x128xf32, #tpu.memory_space<hbm>>) target(%arg12 : memref<128x128xf32, #tpu.memory_space<vmem>>) offsets(%dma_start3A_111 : memref<128xi32, #tpu.memory_space<vmem>>) semaphore(%arg15 : memref<!tpu.dma_semaphore, #tpu.memory_space<semaphore_mem>>)
        } else {
        }
        %dma_wait3A_101 = arith.constant 0 : i32
        %dma_wait3A_102 = tpu.memref_slice %arg10[%add3A_83, %dma_wait3A_101] : memref<40x128xi32, #tpu.memory_space<vmem>> -> memref<1x128xi32, #tpu.memory_space<vmem>>
        %dma_wait3A_103 = tpu.memref_squeeze %dma_wait3A_102 : memref<1x128xi32, #tpu.memory_space<vmem>> -> memref<128xi32, #tpu.memory_space<vmem>>
        %dma_wait3A_104 = arith.constant 0 : i32
        %dma_wait3A_105 = arith.constant 0 : i32
        %dma_wait3A_106 = tpu.memref_slice %arg3[%dma_wait3A_104, %dma_wait3A_105] : memref<10000x128xf32, #tpu.memory_space<hbm>> -> memref<10000x128xf32, #tpu.memory_space<hbm>>
        tpu.wait_indirect_dma semaphore(%arg16 : memref<!tpu.dma_semaphore, #tpu.memory_space<semaphore_mem>>) src(%dma_wait3A_106 : memref<10000x128xf32, #tpu.memory_space<hbm>>) dst(%arg13 : memref<128x128xf32, #tpu.memory_space<vmem>>)
        "tpu.region"() ({
          %run_scoped3A_107 = tpu.sem_alloc : memref<!tpu.dma_semaphore, #tpu.memory_space<semaphore_mem>>
          %dma_start3A_108 = arith.constant 0 : i32
          %dma_start3A_109 = tpu.memref_slice %arg11[%add3A_83, %dma_start3A_108] : memref<40x128xi32, #tpu.memory_space<vmem>> -> memref<1x128xi32, #tpu.memory_space<vmem>>
          %dma_start3A_110 = tpu.memref_squeeze %dma_start3A_109 : memref<1x128xi32, #tpu.memory_space<vmem>> -> memref<128xi32, #tpu.memory_space<vmem>>
          %dma_start3A_111 = arith.constant 0 : i32
          %dma_start3A_112 = arith.constant 0 : i32
          %dma_start3A_113 = tpu.memref_slice %arg14[%dma_start3A_111, %dma_start3A_112] : memref<10112x128xf32, #tpu.memory_space<vmem_shared>> -> memref<10112x128xf32, #tpu.memory_space<vmem_shared>>
          tpu.enqueue_indirect_dma source(%arg13 : memref<128x128xf32, #tpu.memory_space<vmem>>) target(%dma_start3A_113 : memref<10112x128xf32, #tpu.memory_space<vmem_shared>>) offsets(%dma_start3A_110 : memref<128xi32, #tpu.memory_space<vmem>>) semaphore(%run_scoped3A_107 : memref<!tpu.dma_semaphore, #tpu.memory_space<semaphore_mem>>) {add = true}
          %dma_wait3A_114 = arith.constant 0 : i32
          %dma_wait3A_115 = tpu.memref_slice %arg11[%add3A_83, %dma_wait3A_114] : memref<40x128xi32, #tpu.memory_space<vmem>> -> memref<1x128xi32, #tpu.memory_space<vmem>>
          %dma_wait3A_116 = tpu.memref_squeeze %dma_wait3A_115 : memref<1x128xi32, #tpu.memory_space<vmem>> -> memref<128xi32, #tpu.memory_space<vmem>>
          %dma_wait3A_117 = arith.constant 0 : i32
          %dma_wait3A_118 = arith.constant 0 : i32
          %dma_wait3A_119 = tpu.memref_slice %arg14[%dma_wait3A_117, %dma_wait3A_118] : memref<10112x128xf32, #tpu.memory_space<vmem_shared>> -> memref<10112x128xf32, #tpu.memory_space<vmem_shared>>
          tpu.wait_indirect_dma semaphore(%run_scoped3A_107 : memref<!tpu.dma_semaphore, #tpu.memory_space<semaphore_mem>>) src(%arg13 : memref<128x128xf32, #tpu.memory_space<vmem>>) dst(%dma_wait3A_119 : memref<10112x128xf32, #tpu.memory_space<vmem_shared>>)
          tpu.yield
        }) : () -> ()
      }
      %scan3A_33 = arith.constant 20 : i32
      %barrier3A_34 = arith.constant 0 : index
      tpu.barrier barrier_id(%barrier3A_34)
      %mul3A_35 = arith.constant 632 : i32
      %mul3A_36 = arith.muli %arg1, %mul3A_35 : i32
      %mul3A_37 = arith.constant 632 : i32
      %mul3A_38 = arith.muli %arg1, %mul3A_37 : i32
      %run_scoped3A = arith.constant 1 : i32
      "tpu.region"() ({
        %run_scoped3A_78 = tpu.sem_alloc : memref<!tpu.dma_semaphore, #tpu.memory_space<semaphore_mem>>
        %dma_start3A_79 = arith.constant 0 : i32
        %dma_start3A_80 = tpu.memref_slice %arg9[%run_scoped3A, %mul3A_38, %dma_start3A_79] : memref<4x10112x128xf32, #tpu.memory_space<hbm>> -> memref<1x632x128xf32, #tpu.memory_space<hbm>>
        %dma_start3A_81 = tpu.memref_squeeze %dma_start3A_80 : memref<1x632x128xf32, #tpu.memory_space<hbm>> -> memref<632x128xf32, #tpu.memory_space<hbm>>
        %dma_start3A_82 = arith.constant 0 : i32
        %dma_start3A_83 = tpu.memref_slice %arg14[%mul3A_36, %dma_start3A_82] : memref<10112x128xf32, #tpu.memory_space<vmem_shared>> -> memref<632x128xf32, #tpu.memory_space<vmem_shared>>
        tpu.enqueue_dma source(%dma_start3A_83 : memref<632x128xf32, #tpu.memory_space<vmem_shared>>) target(%dma_start3A_81 : memref<632x128xf32, #tpu.memory_space<hbm>>) target_semaphore(%run_scoped3A_78 : memref<!tpu.dma_semaphore, #tpu.memory_space<semaphore_mem>>)
        %dma_wait3A = arith.constant 0 : i32
        %dma_wait3A_84 = tpu.memref_slice %arg9[%run_scoped3A, %mul3A_38, %dma_wait3A] : memref<4x10112x128xf32, #tpu.memory_space<hbm>> -> memref<1x632x128xf32, #tpu.memory_space<hbm>>
        %dma_wait3A_85 = tpu.memref_squeeze %dma_wait3A_84 : memref<1x632x128xf32, #tpu.memory_space<hbm>> -> memref<632x128xf32, #tpu.memory_space<hbm>>
        %dma_wait3A_86 = arith.constant 0 : i32
        %dma_wait3A_87 = tpu.memref_slice %arg14[%mul3A_36, %dma_wait3A_86] : memref<10112x128xf32, #tpu.memory_space<vmem_shared>> -> memref<632x128xf32, #tpu.memory_space<vmem_shared>>
        tpu.wait_dma2 semaphore(%run_scoped3A_78 : memref<!tpu.dma_semaphore, #tpu.memory_space<semaphore_mem>>) src(%dma_wait3A_87 : memref<632x128xf32, #tpu.memory_space<vmem_shared>>) dst(%dma_wait3A_85 : memref<632x128xf32, #tpu.memory_space<hbm>>)
        tpu.yield
      }) : () -> ()
      %barrier3A_39 = arith.constant 0 : index
      tpu.barrier barrier_id(%barrier3A_39)
      %mul3A_40 = arith.constant 632 : i32
      %mul3A_41 = arith.muli %arg1, %mul3A_40 : i32
      %mul3A_42 = arith.constant 632 : i32
      %mul3A_43 = arith.muli %arg1, %mul3A_42 : i32
      "tpu.region"() ({
        %run_scoped3A_78 = tpu.sem_alloc : memref<!tpu.dma_semaphore, #tpu.memory_space<semaphore_mem>>
        %dma_start3A_79 = arith.constant 0 : i32
        %dma_start3A_80 = tpu.memref_slice %arg14[%mul3A_43, %dma_start3A_79] : memref<10112x128xf32, #tpu.memory_space<vmem_shared>> -> memref<632x128xf32, #tpu.memory_space<vmem_shared>>
        %dma_start3A_81 = arith.constant 0 : i32
        %dma_start3A_82 = tpu.memref_slice %arg8[%mul3A_41, %dma_start3A_81] : memref<10112x128xf32, #tpu.memory_space<hbm>> -> memref<632x128xf32, #tpu.memory_space<hbm>>
        tpu.enqueue_dma source(%dma_start3A_82 : memref<632x128xf32, #tpu.memory_space<hbm>>) target(%dma_start3A_80 : memref<632x128xf32, #tpu.memory_space<vmem_shared>>) target_semaphore(%run_scoped3A_78 : memref<!tpu.dma_semaphore, #tpu.memory_space<semaphore_mem>>)
        %dma_wait3A = arith.constant 0 : i32
        %dma_wait3A_83 = tpu.memref_slice %arg14[%mul3A_43, %dma_wait3A] : memref<10112x128xf32, #tpu.memory_space<vmem_shared>> -> memref<632x128xf32, #tpu.memory_space<vmem_shared>>
        %dma_wait3A_84 = arith.constant 0 : i32
        %dma_wait3A_85 = tpu.memref_slice %arg8[%mul3A_41, %dma_wait3A_84] : memref<10112x128xf32, #tpu.memory_space<hbm>> -> memref<632x128xf32, #tpu.memory_space<hbm>>
        tpu.wait_dma2 semaphore(%run_scoped3A_78 : memref<!tpu.dma_semaphore, #tpu.memory_space<semaphore_mem>>) src(%dma_wait3A_85 : memref<632x128xf32, #tpu.memory_space<hbm>>) dst(%dma_wait3A_83 : memref<632x128xf32, #tpu.memory_space<vmem_shared>>)
        tpu.yield
      }) : () -> ()
      %barrier3A_44 = arith.constant 0 : index
      tpu.barrier barrier_id(%barrier3A_44)
      "tpu.region"() ({
        %run_scoped3A_78 = tpu.sem_alloc : memref<!tpu.dma_semaphore, #tpu.memory_space<semaphore_mem>>
        %dma_start3A_79 = arith.constant 0 : i32
        %dma_start3A_80 = arith.constant 0 : i32
        %dma_start3A_81 = tpu.memref_slice %arg6[%arg1, %dma_start3A_79, %dma_start3A_80] : memref<16x80x128xi32, #tpu.memory_space<hbm>> -> memref<1x40x128xi32, #tpu.memory_space<hbm>>
        %dma_start3A_82 = tpu.memref_squeeze %dma_start3A_81 : memref<1x40x128xi32, #tpu.memory_space<hbm>> -> memref<40x128xi32, #tpu.memory_space<hbm>>
        %dma_start3A_83 = arith.constant 0 : i32
        %dma_start3A_84 = arith.constant 0 : i32
        %dma_start3A_85 = tpu.memref_slice %arg6[%arg1, %dma_start3A_83, %dma_start3A_84] : memref<16x80x128xi32, #tpu.memory_space<hbm>> -> memref<1x40x128xi32, #tpu.memory_space<hbm>>
        %dma_start3A_86 = tpu.memref_squeeze %dma_start3A_85 : memref<1x40x128xi32, #tpu.memory_space<hbm>> -> memref<40x128xi32, #tpu.memory_space<hbm>>
        tpu.enqueue_dma source(%dma_start3A_86 : memref<40x128xi32, #tpu.memory_space<hbm>>) target(%arg10 : memref<40x128xi32, #tpu.memory_space<vmem>>) target_semaphore(%run_scoped3A_78 : memref<!tpu.dma_semaphore, #tpu.memory_space<semaphore_mem>>)
        %dma_wait3A = arith.constant 0 : i32
        %dma_wait3A_87 = arith.constant 0 : i32
        %dma_wait3A_88 = tpu.memref_slice %arg6[%arg1, %dma_wait3A, %dma_wait3A_87] : memref<16x80x128xi32, #tpu.memory_space<hbm>> -> memref<1x40x128xi32, #tpu.memory_space<hbm>>
        %dma_wait3A_89 = tpu.memref_squeeze %dma_wait3A_88 : memref<1x40x128xi32, #tpu.memory_space<hbm>> -> memref<40x128xi32, #tpu.memory_space<hbm>>
        %dma_wait3A_90 = arith.constant 0 : i32
        %dma_wait3A_91 = arith.constant 0 : i32
        %dma_wait3A_92 = tpu.memref_slice %arg6[%arg1, %dma_wait3A_90, %dma_wait3A_91] : memref<16x80x128xi32, #tpu.memory_space<hbm>> -> memref<1x40x128xi32, #tpu.memory_space<hbm>>
        %dma_wait3A_93 = tpu.memref_squeeze %dma_wait3A_92 : memref<1x40x128xi32, #tpu.memory_space<hbm>> -> memref<40x128xi32, #tpu.memory_space<hbm>>
        tpu.wait_dma2 semaphore(%run_scoped3A_78 : memref<!tpu.dma_semaphore, #tpu.memory_space<semaphore_mem>>) src(%dma_wait3A_93 : memref<40x128xi32, #tpu.memory_space<hbm>>) dst(%arg10 : memref<40x128xi32, #tpu.memory_space<vmem>>)
        tpu.yield
      }) : () -> ()
      "tpu.region"() ({
        %run_scoped3A_78 = tpu.sem_alloc : memref<!tpu.dma_semaphore, #tpu.memory_space<semaphore_mem>>
        %dma_start3A_79 = arith.constant 0 : i32
        %dma_start3A_80 = arith.constant 0 : i32
        %dma_start3A_81 = tpu.memref_slice %arg7[%arg1, %dma_start3A_79, %dma_start3A_80] : memref<16x80x128xi32, #tpu.memory_space<hbm>> -> memref<1x40x128xi32, #tpu.memory_space<hbm>>
        %dma_start3A_82 = tpu.memref_squeeze %dma_start3A_81 : memref<1x40x128xi32, #tpu.memory_space<hbm>> -> memref<40x128xi32, #tpu.memory_space<hbm>>
        %dma_start3A_83 = arith.constant 0 : i32
        %dma_start3A_84 = arith.constant 0 : i32
        %dma_start3A_85 = tpu.memref_slice %arg7[%arg1, %dma_start3A_83, %dma_start3A_84] : memref<16x80x128xi32, #tpu.memory_space<hbm>> -> memref<1x40x128xi32, #tpu.memory_space<hbm>>
        %dma_start3A_86 = tpu.memref_squeeze %dma_start3A_85 : memref<1x40x128xi32, #tpu.memory_space<hbm>> -> memref<40x128xi32, #tpu.memory_space<hbm>>
        tpu.enqueue_dma source(%dma_start3A_86 : memref<40x128xi32, #tpu.memory_space<hbm>>) target(%arg11 : memref<40x128xi32, #tpu.memory_space<vmem>>) target_semaphore(%run_scoped3A_78 : memref<!tpu.dma_semaphore, #tpu.memory_space<semaphore_mem>>)
        %dma_wait3A = arith.constant 0 : i32
        %dma_wait3A_87 = arith.constant 0 : i32
        %dma_wait3A_88 = tpu.memref_slice %arg7[%arg1, %dma_wait3A, %dma_wait3A_87] : memref<16x80x128xi32, #tpu.memory_space<hbm>> -> memref<1x40x128xi32, #tpu.memory_space<hbm>>
        %dma_wait3A_89 = tpu.memref_squeeze %dma_wait3A_88 : memref<1x40x128xi32, #tpu.memory_space<hbm>> -> memref<40x128xi32, #tpu.memory_space<hbm>>
        %dma_wait3A_90 = arith.constant 0 : i32
        %dma_wait3A_91 = arith.constant 0 : i32
        %dma_wait3A_92 = tpu.memref_slice %arg7[%arg1, %dma_wait3A_90, %dma_wait3A_91] : memref<16x80x128xi32, #tpu.memory_space<hbm>> -> memref<1x40x128xi32, #tpu.memory_space<hbm>>
        %dma_wait3A_93 = tpu.memref_squeeze %dma_wait3A_92 : memref<1x40x128xi32, #tpu.memory_space<hbm>> -> memref<40x128xi32, #tpu.memory_space<hbm>>
        tpu.wait_dma2 semaphore(%run_scoped3A_78 : memref<!tpu.dma_semaphore, #tpu.memory_space<semaphore_mem>>) src(%dma_wait3A_93 : memref<40x128xi32, #tpu.memory_space<hbm>>) dst(%arg11 : memref<40x128xi32, #tpu.memory_space<vmem>>)
        tpu.yield
      }) : () -> ()
      %dma_start3A_45 = arith.constant 0 : i32
      %dma_start3A_46 = arith.constant 0 : i32
      %dma_start3A_47 = tpu.memref_slice %arg10[%dma_start3A_45, %dma_start3A_46] : memref<40x128xi32, #tpu.memory_space<vmem>> -> memref<1x128xi32, #tpu.memory_space<vmem>>
      %dma_start3A_48 = tpu.memref_squeeze %dma_start3A_47 : memref<1x128xi32, #tpu.memory_space<vmem>> -> memref<128xi32, #tpu.memory_space<vmem>>
      %dma_start3A_49 = arith.constant 0 : i32
      %dma_start3A_50 = arith.constant 0 : i32
      %dma_start3A_51 = tpu.memref_slice %arg5[%dma_start3A_49, %dma_start3A_50] : memref<10000x128xf32, #tpu.memory_space<hbm>> -> memref<10000x128xf32, #tpu.memory_space<hbm>>
      tpu.enqueue_indirect_dma source(%dma_start3A_51 : memref<10000x128xf32, #tpu.memory_space<hbm>>) target(%arg12 : memref<128x128xf32, #tpu.memory_space<vmem>>) offsets(%dma_start3A_48 : memref<128xi32, #tpu.memory_space<vmem>>) semaphore(%arg15 : memref<!tpu.dma_semaphore, #tpu.memory_space<semaphore_mem>>)
      %scan3A_52 = arith.constant 0 : i32
      %scan3A_53 = arith.constant 0 : i32
      %scan3A_54 = arith.constant 20 : i32
      %scan3A_55 = arith.addi %scan3A_53, %scan3A_54 : i32
      %scan3A_56 = arith.constant 1 : i32
      scf.for %scan3A_78 = %scan3A_53 to %scan3A_55 step %scan3A_56  : i32 {
        %mul3A_79 = arith.constant 2 : i32
        %mul3A_80 = arith.muli %mul3A_79, %scan3A_78 : i32
        %mul3A_81 = arith.constant 2 : i32
        %mul3A_82 = arith.muli %mul3A_81, %scan3A_78 : i32
        %add3A = arith.constant 1 : i32
        %add3A_83 = arith.addi %mul3A_82, %add3A : i32
        %dma_start3A_84 = arith.constant 0 : i32
        %dma_start3A_85 = tpu.memref_slice %arg10[%add3A_83, %dma_start3A_84] : memref<40x128xi32, #tpu.memory_space<vmem>> -> memref<1x128xi32, #tpu.memory_space<vmem>>
        %dma_start3A_86 = tpu.memref_squeeze %dma_start3A_85 : memref<1x128xi32, #tpu.memory_space<vmem>> -> memref<128xi32, #tpu.memory_space<vmem>>
        %dma_start3A_87 = arith.constant 0 : i32
        %dma_start3A_88 = arith.constant 0 : i32
        %dma_start3A_89 = tpu.memref_slice %arg5[%dma_start3A_87, %dma_start3A_88] : memref<10000x128xf32, #tpu.memory_space<hbm>> -> memref<10000x128xf32, #tpu.memory_space<hbm>>
        tpu.enqueue_indirect_dma source(%dma_start3A_89 : memref<10000x128xf32, #tpu.memory_space<hbm>>) target(%arg13 : memref<128x128xf32, #tpu.memory_space<vmem>>) offsets(%dma_start3A_86 : memref<128xi32, #tpu.memory_space<vmem>>) semaphore(%arg16 : memref<!tpu.dma_semaphore, #tpu.memory_space<semaphore_mem>>)
        %dma_wait3A = arith.constant 0 : i32
        %dma_wait3A_90 = tpu.memref_slice %arg10[%mul3A_80, %dma_wait3A] : memref<40x128xi32, #tpu.memory_space<vmem>> -> memref<1x128xi32, #tpu.memory_space<vmem>>
        %dma_wait3A_91 = tpu.memref_squeeze %dma_wait3A_90 : memref<1x128xi32, #tpu.memory_space<vmem>> -> memref<128xi32, #tpu.memory_space<vmem>>
        %dma_wait3A_92 = arith.constant 0 : i32
        %dma_wait3A_93 = arith.constant 0 : i32
        %dma_wait3A_94 = tpu.memref_slice %arg5[%dma_wait3A_92, %dma_wait3A_93] : memref<10000x128xf32, #tpu.memory_space<hbm>> -> memref<10000x128xf32, #tpu.memory_space<hbm>>
        tpu.wait_indirect_dma semaphore(%arg15 : memref<!tpu.dma_semaphore, #tpu.memory_space<semaphore_mem>>) src(%dma_wait3A_94 : memref<10000x128xf32, #tpu.memory_space<hbm>>) dst(%arg12 : memref<128x128xf32, #tpu.memory_space<vmem>>)
        "tpu.region"() ({
          %run_scoped3A_107 = tpu.sem_alloc : memref<!tpu.dma_semaphore, #tpu.memory_space<semaphore_mem>>
          %dma_start3A_108 = arith.constant 0 : i32
          %dma_start3A_109 = tpu.memref_slice %arg11[%mul3A_80, %dma_start3A_108] : memref<40x128xi32, #tpu.memory_space<vmem>> -> memref<1x128xi32, #tpu.memory_space<vmem>>
          %dma_start3A_110 = tpu.memref_squeeze %dma_start3A_109 : memref<1x128xi32, #tpu.memory_space<vmem>> -> memref<128xi32, #tpu.memory_space<vmem>>
          %dma_start3A_111 = arith.constant 0 : i32
          %dma_start3A_112 = arith.constant 0 : i32
          %dma_start3A_113 = tpu.memref_slice %arg14[%dma_start3A_111, %dma_start3A_112] : memref<10112x128xf32, #tpu.memory_space<vmem_shared>> -> memref<10112x128xf32, #tpu.memory_space<vmem_shared>>
          tpu.enqueue_indirect_dma source(%arg12 : memref<128x128xf32, #tpu.memory_space<vmem>>) target(%dma_start3A_113 : memref<10112x128xf32, #tpu.memory_space<vmem_shared>>) offsets(%dma_start3A_110 : memref<128xi32, #tpu.memory_space<vmem>>) semaphore(%run_scoped3A_107 : memref<!tpu.dma_semaphore, #tpu.memory_space<semaphore_mem>>) {add = true}
          %dma_wait3A_114 = arith.constant 0 : i32
          %dma_wait3A_115 = tpu.memref_slice %arg11[%mul3A_80, %dma_wait3A_114] : memref<40x128xi32, #tpu.memory_space<vmem>> -> memref<1x128xi32, #tpu.memory_space<vmem>>
          %dma_wait3A_116 = tpu.memref_squeeze %dma_wait3A_115 : memref<1x128xi32, #tpu.memory_space<vmem>> -> memref<128xi32, #tpu.memory_space<vmem>>
          %dma_wait3A_117 = arith.constant 0 : i32
          %dma_wait3A_118 = arith.constant 0 : i32
          %dma_wait3A_119 = tpu.memref_slice %arg14[%dma_wait3A_117, %dma_wait3A_118] : memref<10112x128xf32, #tpu.memory_space<vmem_shared>> -> memref<10112x128xf32, #tpu.memory_space<vmem_shared>>
          tpu.wait_indirect_dma semaphore(%run_scoped3A_107 : memref<!tpu.dma_semaphore, #tpu.memory_space<semaphore_mem>>) src(%arg12 : memref<128x128xf32, #tpu.memory_space<vmem>>) dst(%dma_wait3A_119 : memref<10112x128xf32, #tpu.memory_space<vmem_shared>>)
          tpu.yield
        }) : () -> ()
        %add3A_95 = arith.constant 1 : i32
        %add3A_96 = arith.addi %add3A_83, %add3A_95 : i32
        %lt3A = arith.constant 40 : i32
        %lt3A_97 = arith.cmpi slt, %add3A_96, %lt3A : i32
        %convert_element_type3A_98 = arith.extui %lt3A_97 : i1 to i32
        %cond3A_99 = arith.constant 0 : i32
        %cond3A_100 = arith.cmpi ne, %convert_element_type3A_98, %cond3A_99 : i32
        scf.if %cond3A_100 {
          %add3A_107 = arith.constant 1 : i32
          %add3A_108 = arith.addi %add3A_83, %add3A_107 : i32
          %dma_start3A_109 = arith.constant 0 : i32
          %dma_start3A_110 = tpu.memref_slice %arg10[%add3A_108, %dma_start3A_109] : memref<40x128xi32, #tpu.memory_space<vmem>> -> memref<1x128xi32, #tpu.memory_space<vmem>>
          %dma_start3A_111 = tpu.memref_squeeze %dma_start3A_110 : memref<1x128xi32, #tpu.memory_space<vmem>> -> memref<128xi32, #tpu.memory_space<vmem>>
          %dma_start3A_112 = arith.constant 0 : i32
          %dma_start3A_113 = arith.constant 0 : i32
          %dma_start3A_114 = tpu.memref_slice %arg5[%dma_start3A_112, %dma_start3A_113] : memref<10000x128xf32, #tpu.memory_space<hbm>> -> memref<10000x128xf32, #tpu.memory_space<hbm>>
          tpu.enqueue_indirect_dma source(%dma_start3A_114 : memref<10000x128xf32, #tpu.memory_space<hbm>>) target(%arg12 : memref<128x128xf32, #tpu.memory_space<vmem>>) offsets(%dma_start3A_111 : memref<128xi32, #tpu.memory_space<vmem>>) semaphore(%arg15 : memref<!tpu.dma_semaphore, #tpu.memory_space<semaphore_mem>>)
        } else {
        }
        %dma_wait3A_101 = arith.constant 0 : i32
        %dma_wait3A_102 = tpu.memref_slice %arg10[%add3A_83, %dma_wait3A_101] : memref<40x128xi32, #tpu.memory_space<vmem>> -> memref<1x128xi32, #tpu.memory_space<vmem>>
        %dma_wait3A_103 = tpu.memref_squeeze %dma_wait3A_102 : memref<1x128xi32, #tpu.memory_space<vmem>> -> memref<128xi32, #tpu.memory_space<vmem>>
        %dma_wait3A_104 = arith.constant 0 : i32
        %dma_wait3A_105 = arith.constant 0 : i32
        %dma_wait3A_106 = tpu.memref_slice %arg5[%dma_wait3A_104, %dma_wait3A_105] : memref<10000x128xf32, #tpu.memory_space<hbm>> -> memref<10000x128xf32, #tpu.memory_space<hbm>>
        tpu.wait_indirect_dma semaphore(%arg16 : memref<!tpu.dma_semaphore, #tpu.memory_space<semaphore_mem>>) src(%dma_wait3A_106 : memref<10000x128xf32, #tpu.memory_space<hbm>>) dst(%arg13 : memref<128x128xf32, #tpu.memory_space<vmem>>)
        "tpu.region"() ({
          %run_scoped3A_107 = tpu.sem_alloc : memref<!tpu.dma_semaphore, #tpu.memory_space<semaphore_mem>>
          %dma_start3A_108 = arith.constant 0 : i32
          %dma_start3A_109 = tpu.memref_slice %arg11[%add3A_83, %dma_start3A_108] : memref<40x128xi32, #tpu.memory_space<vmem>> -> memref<1x128xi32, #tpu.memory_space<vmem>>
          %dma_start3A_110 = tpu.memref_squeeze %dma_start3A_109 : memref<1x128xi32, #tpu.memory_space<vmem>> -> memref<128xi32, #tpu.memory_space<vmem>>
          %dma_start3A_111 = arith.constant 0 : i32
          %dma_start3A_112 = arith.constant 0 : i32
          %dma_start3A_113 = tpu.memref_slice %arg14[%dma_start3A_111, %dma_start3A_112] : memref<10112x128xf32, #tpu.memory_space<vmem_shared>> -> memref<10112x128xf32, #tpu.memory_space<vmem_shared>>
          tpu.enqueue_indirect_dma source(%arg13 : memref<128x128xf32, #tpu.memory_space<vmem>>) target(%dma_start3A_113 : memref<10112x128xf32, #tpu.memory_space<vmem_shared>>) offsets(%dma_start3A_110 : memref<128xi32, #tpu.memory_space<vmem>>) semaphore(%run_scoped3A_107 : memref<!tpu.dma_semaphore, #tpu.memory_space<semaphore_mem>>) {add = true}
          %dma_wait3A_114 = arith.constant 0 : i32
          %dma_wait3A_115 = tpu.memref_slice %arg11[%add3A_83, %dma_wait3A_114] : memref<40x128xi32, #tpu.memory_space<vmem>> -> memref<1x128xi32, #tpu.memory_space<vmem>>
          %dma_wait3A_116 = tpu.memref_squeeze %dma_wait3A_115 : memref<1x128xi32, #tpu.memory_space<vmem>> -> memref<128xi32, #tpu.memory_space<vmem>>
          %dma_wait3A_117 = arith.constant 0 : i32
          %dma_wait3A_118 = arith.constant 0 : i32
          %dma_wait3A_119 = tpu.memref_slice %arg14[%dma_wait3A_117, %dma_wait3A_118] : memref<10112x128xf32, #tpu.memory_space<vmem_shared>> -> memref<10112x128xf32, #tpu.memory_space<vmem_shared>>
          tpu.wait_indirect_dma semaphore(%run_scoped3A_107 : memref<!tpu.dma_semaphore, #tpu.memory_space<semaphore_mem>>) src(%arg13 : memref<128x128xf32, #tpu.memory_space<vmem>>) dst(%dma_wait3A_119 : memref<10112x128xf32, #tpu.memory_space<vmem_shared>>)
          tpu.yield
        }) : () -> ()
      }
      %scan3A_57 = arith.constant 20 : i32
      "tpu.region"() ({
        %run_scoped3A_78 = tpu.sem_alloc : memref<!tpu.dma_semaphore, #tpu.memory_space<semaphore_mem>>
        %dma_start3A_79 = arith.constant 40 : i32
        %dma_start3A_80 = arith.constant 0 : i32
        %dma_start3A_81 = tpu.memref_slice %arg6[%arg1, %dma_start3A_79, %dma_start3A_80] : memref<16x80x128xi32, #tpu.memory_space<hbm>> -> memref<1x40x128xi32, #tpu.memory_space<hbm>>
        %dma_start3A_82 = tpu.memref_squeeze %dma_start3A_81 : memref<1x40x128xi32, #tpu.memory_space<hbm>> -> memref<40x128xi32, #tpu.memory_space<hbm>>
        %dma_start3A_83 = arith.constant 40 : i32
        %dma_start3A_84 = arith.constant 0 : i32
        %dma_start3A_85 = tpu.memref_slice %arg6[%arg1, %dma_start3A_83, %dma_start3A_84] : memref<16x80x128xi32, #tpu.memory_space<hbm>> -> memref<1x40x128xi32, #tpu.memory_space<hbm>>
        %dma_start3A_86 = tpu.memref_squeeze %dma_start3A_85 : memref<1x40x128xi32, #tpu.memory_space<hbm>> -> memref<40x128xi32, #tpu.memory_space<hbm>>
        tpu.enqueue_dma source(%dma_start3A_86 : memref<40x128xi32, #tpu.memory_space<hbm>>) target(%arg10 : memref<40x128xi32, #tpu.memory_space<vmem>>) target_semaphore(%run_scoped3A_78 : memref<!tpu.dma_semaphore, #tpu.memory_space<semaphore_mem>>)
        %dma_wait3A = arith.constant 40 : i32
        %dma_wait3A_87 = arith.constant 0 : i32
        %dma_wait3A_88 = tpu.memref_slice %arg6[%arg1, %dma_wait3A, %dma_wait3A_87] : memref<16x80x128xi32, #tpu.memory_space<hbm>> -> memref<1x40x128xi32, #tpu.memory_space<hbm>>
        %dma_wait3A_89 = tpu.memref_squeeze %dma_wait3A_88 : memref<1x40x128xi32, #tpu.memory_space<hbm>> -> memref<40x128xi32, #tpu.memory_space<hbm>>
        %dma_wait3A_90 = arith.constant 40 : i32
        %dma_wait3A_91 = arith.constant 0 : i32
        %dma_wait3A_92 = tpu.memref_slice %arg6[%arg1, %dma_wait3A_90, %dma_wait3A_91] : memref<16x80x128xi32, #tpu.memory_space<hbm>> -> memref<1x40x128xi32, #tpu.memory_space<hbm>>
        %dma_wait3A_93 = tpu.memref_squeeze %dma_wait3A_92 : memref<1x40x128xi32, #tpu.memory_space<hbm>> -> memref<40x128xi32, #tpu.memory_space<hbm>>
        tpu.wait_dma2 semaphore(%run_scoped3A_78 : memref<!tpu.dma_semaphore, #tpu.memory_space<semaphore_mem>>) src(%dma_wait3A_93 : memref<40x128xi32, #tpu.memory_space<hbm>>) dst(%arg10 : memref<40x128xi32, #tpu.memory_space<vmem>>)
        tpu.yield
      }) : () -> ()
      "tpu.region"() ({
        %run_scoped3A_78 = tpu.sem_alloc : memref<!tpu.dma_semaphore, #tpu.memory_space<semaphore_mem>>
        %dma_start3A_79 = arith.constant 40 : i32
        %dma_start3A_80 = arith.constant 0 : i32
        %dma_start3A_81 = tpu.memref_slice %arg7[%arg1, %dma_start3A_79, %dma_start3A_80] : memref<16x80x128xi32, #tpu.memory_space<hbm>> -> memref<1x40x128xi32, #tpu.memory_space<hbm>>
        %dma_start3A_82 = tpu.memref_squeeze %dma_start3A_81 : memref<1x40x128xi32, #tpu.memory_space<hbm>> -> memref<40x128xi32, #tpu.memory_space<hbm>>
        %dma_start3A_83 = arith.constant 40 : i32
        %dma_start3A_84 = arith.constant 0 : i32
        %dma_start3A_85 = tpu.memref_slice %arg7[%arg1, %dma_start3A_83, %dma_start3A_84] : memref<16x80x128xi32, #tpu.memory_space<hbm>> -> memref<1x40x128xi32, #tpu.memory_space<hbm>>
        %dma_start3A_86 = tpu.memref_squeeze %dma_start3A_85 : memref<1x40x128xi32, #tpu.memory_space<hbm>> -> memref<40x128xi32, #tpu.memory_space<hbm>>
        tpu.enqueue_dma source(%dma_start3A_86 : memref<40x128xi32, #tpu.memory_space<hbm>>) target(%arg11 : memref<40x128xi32, #tpu.memory_space<vmem>>) target_semaphore(%run_scoped3A_78 : memref<!tpu.dma_semaphore, #tpu.memory_space<semaphore_mem>>)
        %dma_wait3A = arith.constant 40 : i32
        %dma_wait3A_87 = arith.constant 0 : i32
        %dma_wait3A_88 = tpu.memref_slice %arg7[%arg1, %dma_wait3A, %dma_wait3A_87] : memref<16x80x128xi32, #tpu.memory_space<hbm>> -> memref<1x40x128xi32, #tpu.memory_space<hbm>>
        %dma_wait3A_89 = tpu.memref_squeeze %dma_wait3A_88 : memref<1x40x128xi32, #tpu.memory_space<hbm>> -> memref<40x128xi32, #tpu.memory_space<hbm>>
        %dma_wait3A_90 = arith.constant 40 : i32
        %dma_wait3A_91 = arith.constant 0 : i32
        %dma_wait3A_92 = tpu.memref_slice %arg7[%arg1, %dma_wait3A_90, %dma_wait3A_91] : memref<16x80x128xi32, #tpu.memory_space<hbm>> -> memref<1x40x128xi32, #tpu.memory_space<hbm>>
        %dma_wait3A_93 = tpu.memref_squeeze %dma_wait3A_92 : memref<1x40x128xi32, #tpu.memory_space<hbm>> -> memref<40x128xi32, #tpu.memory_space<hbm>>
        tpu.wait_dma2 semaphore(%run_scoped3A_78 : memref<!tpu.dma_semaphore, #tpu.memory_space<semaphore_mem>>) src(%dma_wait3A_93 : memref<40x128xi32, #tpu.memory_space<hbm>>) dst(%arg11 : memref<40x128xi32, #tpu.memory_space<vmem>>)
        tpu.yield
      }) : () -> ()
      %dma_start3A_58 = arith.constant 0 : i32
      %dma_start3A_59 = arith.constant 0 : i32
      %dma_start3A_60 = tpu.memref_slice %arg10[%dma_start3A_58, %dma_start3A_59] : memref<40x128xi32, #tpu.memory_space<vmem>> -> memref<1x128xi32, #tpu.memory_space<vmem>>
      %dma_start3A_61 = tpu.memref_squeeze %dma_start3A_60 : memref<1x128xi32, #tpu.memory_space<vmem>> -> memref<128xi32, #tpu.memory_space<vmem>>
      %dma_start3A_62 = arith.constant 0 : i32
      %dma_start3A_63 = arith.constant 0 : i32
      %dma_start3A_64 = tpu.memref_slice %arg5[%dma_start3A_62, %dma_start3A_63] : memref<10000x128xf32, #tpu.memory_space<hbm>> -> memref<10000x128xf32, #tpu.memory_space<hbm>>
      tpu.enqueue_indirect_dma source(%dma_start3A_64 : memref<10000x128xf32, #tpu.memory_space<hbm>>) target(%arg12 : memref<128x128xf32, #tpu.memory_space<vmem>>) offsets(%dma_start3A_61 : memref<128xi32, #tpu.memory_space<vmem>>) semaphore(%arg15 : memref<!tpu.dma_semaphore, #tpu.memory_space<semaphore_mem>>)
      %scan3A_65 = arith.constant 0 : i32
      %scan3A_66 = arith.constant 0 : i32
      %scan3A_67 = arith.constant 20 : i32
      %scan3A_68 = arith.addi %scan3A_66, %scan3A_67 : i32
      %scan3A_69 = arith.constant 1 : i32
      scf.for %scan3A_78 = %scan3A_66 to %scan3A_68 step %scan3A_69  : i32 {
        %mul3A_79 = arith.constant 2 : i32
        %mul3A_80 = arith.muli %mul3A_79, %scan3A_78 : i32
        %mul3A_81 = arith.constant 2 : i32
        %mul3A_82 = arith.muli %mul3A_81, %scan3A_78 : i32
        %add3A = arith.constant 1 : i32
        %add3A_83 = arith.addi %mul3A_82, %add3A : i32
        %dma_start3A_84 = arith.constant 0 : i32
        %dma_start3A_85 = tpu.memref_slice %arg10[%add3A_83, %dma_start3A_84] : memref<40x128xi32, #tpu.memory_space<vmem>> -> memref<1x128xi32, #tpu.memory_space<vmem>>
        %dma_start3A_86 = tpu.memref_squeeze %dma_start3A_85 : memref<1x128xi32, #tpu.memory_space<vmem>> -> memref<128xi32, #tpu.memory_space<vmem>>
        %dma_start3A_87 = arith.constant 0 : i32
        %dma_start3A_88 = arith.constant 0 : i32
        %dma_start3A_89 = tpu.memref_slice %arg5[%dma_start3A_87, %dma_start3A_88] : memref<10000x128xf32, #tpu.memory_space<hbm>> -> memref<10000x128xf32, #tpu.memory_space<hbm>>
        tpu.enqueue_indirect_dma source(%dma_start3A_89 : memref<10000x128xf32, #tpu.memory_space<hbm>>) target(%arg13 : memref<128x128xf32, #tpu.memory_space<vmem>>) offsets(%dma_start3A_86 : memref<128xi32, #tpu.memory_space<vmem>>) semaphore(%arg16 : memref<!tpu.dma_semaphore, #tpu.memory_space<semaphore_mem>>)
        %dma_wait3A = arith.constant 0 : i32
        %dma_wait3A_90 = tpu.memref_slice %arg10[%mul3A_80, %dma_wait3A] : memref<40x128xi32, #tpu.memory_space<vmem>> -> memref<1x128xi32, #tpu.memory_space<vmem>>
        %dma_wait3A_91 = tpu.memref_squeeze %dma_wait3A_90 : memref<1x128xi32, #tpu.memory_space<vmem>> -> memref<128xi32, #tpu.memory_space<vmem>>
        %dma_wait3A_92 = arith.constant 0 : i32
        %dma_wait3A_93 = arith.constant 0 : i32
        %dma_wait3A_94 = tpu.memref_slice %arg5[%dma_wait3A_92, %dma_wait3A_93] : memref<10000x128xf32, #tpu.memory_space<hbm>> -> memref<10000x128xf32, #tpu.memory_space<hbm>>
        tpu.wait_indirect_dma semaphore(%arg15 : memref<!tpu.dma_semaphore, #tpu.memory_space<semaphore_mem>>) src(%dma_wait3A_94 : memref<10000x128xf32, #tpu.memory_space<hbm>>) dst(%arg12 : memref<128x128xf32, #tpu.memory_space<vmem>>)
        "tpu.region"() ({
          %run_scoped3A_107 = tpu.sem_alloc : memref<!tpu.dma_semaphore, #tpu.memory_space<semaphore_mem>>
          %dma_start3A_108 = arith.constant 0 : i32
          %dma_start3A_109 = tpu.memref_slice %arg11[%mul3A_80, %dma_start3A_108] : memref<40x128xi32, #tpu.memory_space<vmem>> -> memref<1x128xi32, #tpu.memory_space<vmem>>
          %dma_start3A_110 = tpu.memref_squeeze %dma_start3A_109 : memref<1x128xi32, #tpu.memory_space<vmem>> -> memref<128xi32, #tpu.memory_space<vmem>>
          %dma_start3A_111 = arith.constant 0 : i32
          %dma_start3A_112 = arith.constant 0 : i32
          %dma_start3A_113 = tpu.memref_slice %arg14[%dma_start3A_111, %dma_start3A_112] : memref<10112x128xf32, #tpu.memory_space<vmem_shared>> -> memref<10112x128xf32, #tpu.memory_space<vmem_shared>>
          tpu.enqueue_indirect_dma source(%arg12 : memref<128x128xf32, #tpu.memory_space<vmem>>) target(%dma_start3A_113 : memref<10112x128xf32, #tpu.memory_space<vmem_shared>>) offsets(%dma_start3A_110 : memref<128xi32, #tpu.memory_space<vmem>>) semaphore(%run_scoped3A_107 : memref<!tpu.dma_semaphore, #tpu.memory_space<semaphore_mem>>) {add = true}
          %dma_wait3A_114 = arith.constant 0 : i32
          %dma_wait3A_115 = tpu.memref_slice %arg11[%mul3A_80, %dma_wait3A_114] : memref<40x128xi32, #tpu.memory_space<vmem>> -> memref<1x128xi32, #tpu.memory_space<vmem>>
          %dma_wait3A_116 = tpu.memref_squeeze %dma_wait3A_115 : memref<1x128xi32, #tpu.memory_space<vmem>> -> memref<128xi32, #tpu.memory_space<vmem>>
          %dma_wait3A_117 = arith.constant 0 : i32
          %dma_wait3A_118 = arith.constant 0 : i32
          %dma_wait3A_119 = tpu.memref_slice %arg14[%dma_wait3A_117, %dma_wait3A_118] : memref<10112x128xf32, #tpu.memory_space<vmem_shared>> -> memref<10112x128xf32, #tpu.memory_space<vmem_shared>>
          tpu.wait_indirect_dma semaphore(%run_scoped3A_107 : memref<!tpu.dma_semaphore, #tpu.memory_space<semaphore_mem>>) src(%arg12 : memref<128x128xf32, #tpu.memory_space<vmem>>) dst(%dma_wait3A_119 : memref<10112x128xf32, #tpu.memory_space<vmem_shared>>)
          tpu.yield
        }) : () -> ()
        %add3A_95 = arith.constant 1 : i32
        %add3A_96 = arith.addi %add3A_83, %add3A_95 : i32
        %lt3A = arith.constant 40 : i32
        %lt3A_97 = arith.cmpi slt, %add3A_96, %lt3A : i32
        %convert_element_type3A_98 = arith.extui %lt3A_97 : i1 to i32
        %cond3A_99 = arith.constant 0 : i32
        %cond3A_100 = arith.cmpi ne, %convert_element_type3A_98, %cond3A_99 : i32
        scf.if %cond3A_100 {
          %add3A_107 = arith.constant 1 : i32
          %add3A_108 = arith.addi %add3A_83, %add3A_107 : i32
          %dma_start3A_109 = arith.constant 0 : i32
          %dma_start3A_110 = tpu.memref_slice %arg10[%add3A_108, %dma_start3A_109] : memref<40x128xi32, #tpu.memory_space<vmem>> -> memref<1x128xi32, #tpu.memory_space<vmem>>
          %dma_start3A_111 = tpu.memref_squeeze %dma_start3A_110 : memref<1x128xi32, #tpu.memory_space<vmem>> -> memref<128xi32, #tpu.memory_space<vmem>>
          %dma_start3A_112 = arith.constant 0 : i32
          %dma_start3A_113 = arith.constant 0 : i32
          %dma_start3A_114 = tpu.memref_slice %arg5[%dma_start3A_112, %dma_start3A_113] : memref<10000x128xf32, #tpu.memory_space<hbm>> -> memref<10000x128xf32, #tpu.memory_space<hbm>>
          tpu.enqueue_indirect_dma source(%dma_start3A_114 : memref<10000x128xf32, #tpu.memory_space<hbm>>) target(%arg12 : memref<128x128xf32, #tpu.memory_space<vmem>>) offsets(%dma_start3A_111 : memref<128xi32, #tpu.memory_space<vmem>>) semaphore(%arg15 : memref<!tpu.dma_semaphore, #tpu.memory_space<semaphore_mem>>)
        } else {
        }
        %dma_wait3A_101 = arith.constant 0 : i32
        %dma_wait3A_102 = tpu.memref_slice %arg10[%add3A_83, %dma_wait3A_101] : memref<40x128xi32, #tpu.memory_space<vmem>> -> memref<1x128xi32, #tpu.memory_space<vmem>>
        %dma_wait3A_103 = tpu.memref_squeeze %dma_wait3A_102 : memref<1x128xi32, #tpu.memory_space<vmem>> -> memref<128xi32, #tpu.memory_space<vmem>>
        %dma_wait3A_104 = arith.constant 0 : i32
        %dma_wait3A_105 = arith.constant 0 : i32
        %dma_wait3A_106 = tpu.memref_slice %arg5[%dma_wait3A_104, %dma_wait3A_105] : memref<10000x128xf32, #tpu.memory_space<hbm>> -> memref<10000x128xf32, #tpu.memory_space<hbm>>
        tpu.wait_indirect_dma semaphore(%arg16 : memref<!tpu.dma_semaphore, #tpu.memory_space<semaphore_mem>>) src(%dma_wait3A_106 : memref<10000x128xf32, #tpu.memory_space<hbm>>) dst(%arg13 : memref<128x128xf32, #tpu.memory_space<vmem>>)
        "tpu.region"() ({
          %run_scoped3A_107 = tpu.sem_alloc : memref<!tpu.dma_semaphore, #tpu.memory_space<semaphore_mem>>
          %dma_start3A_108 = arith.constant 0 : i32
          %dma_start3A_109 = tpu.memref_slice %arg11[%add3A_83, %dma_start3A_108] : memref<40x128xi32, #tpu.memory_space<vmem>> -> memref<1x128xi32, #tpu.memory_space<vmem>>
          %dma_start3A_110 = tpu.memref_squeeze %dma_start3A_109 : memref<1x128xi32, #tpu.memory_space<vmem>> -> memref<128xi32, #tpu.memory_space<vmem>>
          %dma_start3A_111 = arith.constant 0 : i32
          %dma_start3A_112 = arith.constant 0 : i32
          %dma_start3A_113 = tpu.memref_slice %arg14[%dma_start3A_111, %dma_start3A_112] : memref<10112x128xf32, #tpu.memory_space<vmem_shared>> -> memref<10112x128xf32, #tpu.memory_space<vmem_shared>>
          tpu.enqueue_indirect_dma source(%arg13 : memref<128x128xf32, #tpu.memory_space<vmem>>) target(%dma_start3A_113 : memref<10112x128xf32, #tpu.memory_space<vmem_shared>>) offsets(%dma_start3A_110 : memref<128xi32, #tpu.memory_space<vmem>>) semaphore(%run_scoped3A_107 : memref<!tpu.dma_semaphore, #tpu.memory_space<semaphore_mem>>) {add = true}
          %dma_wait3A_114 = arith.constant 0 : i32
          %dma_wait3A_115 = tpu.memref_slice %arg11[%add3A_83, %dma_wait3A_114] : memref<40x128xi32, #tpu.memory_space<vmem>> -> memref<1x128xi32, #tpu.memory_space<vmem>>
          %dma_wait3A_116 = tpu.memref_squeeze %dma_wait3A_115 : memref<1x128xi32, #tpu.memory_space<vmem>> -> memref<128xi32, #tpu.memory_space<vmem>>
          %dma_wait3A_117 = arith.constant 0 : i32
          %dma_wait3A_118 = arith.constant 0 : i32
          %dma_wait3A_119 = tpu.memref_slice %arg14[%dma_wait3A_117, %dma_wait3A_118] : memref<10112x128xf32, #tpu.memory_space<vmem_shared>> -> memref<10112x128xf32, #tpu.memory_space<vmem_shared>>
          tpu.wait_indirect_dma semaphore(%run_scoped3A_107 : memref<!tpu.dma_semaphore, #tpu.memory_space<semaphore_mem>>) src(%arg13 : memref<128x128xf32, #tpu.memory_space<vmem>>) dst(%dma_wait3A_119 : memref<10112x128xf32, #tpu.memory_space<vmem_shared>>)
          tpu.yield
        }) : () -> ()
      }
      %scan3A_70 = arith.constant 20 : i32
      %barrier3A_71 = arith.constant 0 : index
      tpu.barrier barrier_id(%barrier3A_71)
      %mul3A_72 = arith.constant 632 : i32
      %mul3A_73 = arith.muli %arg1, %mul3A_72 : i32
      %mul3A_74 = arith.constant 632 : i32
      %mul3A_75 = arith.muli %arg1, %mul3A_74 : i32
      %run_scoped3A_76 = arith.constant 3 : i32
      "tpu.region"() ({
        %run_scoped3A_78 = tpu.sem_alloc : memref<!tpu.dma_semaphore, #tpu.memory_space<semaphore_mem>>
        %dma_start3A_79 = arith.constant 0 : i32
        %dma_start3A_80 = tpu.memref_slice %arg9[%run_scoped3A_76, %mul3A_75, %dma_start3A_79] : memref<4x10112x128xf32, #tpu.memory_space<hbm>> -> memref<1x632x128xf32, #tpu.memory_space<hbm>>
        %dma_start3A_81 = tpu.memref_squeeze %dma_start3A_80 : memref<1x632x128xf32, #tpu.memory_space<hbm>> -> memref<632x128xf32, #tpu.memory_space<hbm>>
        %dma_start3A_82 = arith.constant 0 : i32
        %dma_start3A_83 = tpu.memref_slice %arg14[%mul3A_73, %dma_start3A_82] : memref<10112x128xf32, #tpu.memory_space<vmem_shared>> -> memref<632x128xf32, #tpu.memory_space<vmem_shared>>
        tpu.enqueue_dma source(%dma_start3A_83 : memref<632x128xf32, #tpu.memory_space<vmem_shared>>) target(%dma_start3A_81 : memref<632x128xf32, #tpu.memory_space<hbm>>) target_semaphore(%run_scoped3A_78 : memref<!tpu.dma_semaphore, #tpu.memory_space<semaphore_mem>>)
        %dma_wait3A = arith.constant 0 : i32
        %dma_wait3A_84 = tpu.memref_slice %arg9[%run_scoped3A_76, %mul3A_75, %dma_wait3A] : memref<4x10112x128xf32, #tpu.memory_space<hbm>> -> memref<1x632x128xf32, #tpu.memory_space<hbm>>
        %dma_wait3A_85 = tpu.memref_squeeze %dma_wait3A_84 : memref<1x632x128xf32, #tpu.memory_space<hbm>> -> memref<632x128xf32, #tpu.memory_space<hbm>>
        %dma_wait3A_86 = arith.constant 0 : i32
        %dma_wait3A_87 = tpu.memref_slice %arg14[%mul3A_73, %dma_wait3A_86] : memref<10112x128xf32, #tpu.memory_space<vmem_shared>> -> memref<632x128xf32, #tpu.memory_space<vmem_shared>>
        tpu.wait_dma2 semaphore(%run_scoped3A_78 : memref<!tpu.dma_semaphore, #tpu.memory_space<semaphore_mem>>) src(%dma_wait3A_87 : memref<632x128xf32, #tpu.memory_space<vmem_shared>>) dst(%dma_wait3A_85 : memref<632x128xf32, #tpu.memory_space<hbm>>)
        tpu.yield
      }) : () -> ()
      %barrier3A_77 = arith.constant 0 : index
      tpu.barrier barrier_id(%barrier3A_77)
    } else {
    }
    return
  }
}

module attributes {stable_mosaic.version = 14 : i64} {
  func.func @_dense_a_body(%arg0: i32, %arg1: memref<1000x256xf32, #tpu.memory_space<vmem>>, %arg2: memref<256x768xf32, #tpu.memory_space<vmem>>, %arg3: memref<1x768xf32, #tpu.memory_space<vmem>>, %arg4: memref<256x256xf32, #tpu.memory_space<vmem>>, %arg5: memref<1x256xf32, #tpu.memory_space<vmem>>, %arg6: memref<1000x768xf32, #tpu.memory_space<vmem>>, %arg7: memref<4x1000x128xf32, #tpu.memory_space<vmem>>) attributes {dimension_semantics = [#tpu.dimension_semantics<arbitrary>], iteration_bounds = array<i64: 10>, scalar_prefetch = 0 : i64, scratch_operands = 0 : i64, tpu.core_type = #tpu.core_type<tc>, window_params = [{transform_indices = @transform_0, window_bounds = array<i64: 1000, 256>}, {pipeline_mode = #tpu.pipeline_mode<synchronous>, transform_indices = @transform_1, window_bounds = array<i64: 256, 768>}, {pipeline_mode = #tpu.pipeline_mode<synchronous>, transform_indices = @transform_2, window_bounds = array<i64: 1, 768>}, {pipeline_mode = #tpu.pipeline_mode<synchronous>, transform_indices = @transform_3, window_bounds = array<i64: 256, 256>}, {pipeline_mode = #tpu.pipeline_mode<synchronous>, transform_indices = @transform_4, window_bounds = array<i64: 1, 256>}, {transform_indices = @transform_5, window_bounds = array<i64: 1000, 768>}, {transform_indices = @transform_6, window_bounds = array<i64: 4, 1000, 128>}]} {
    %get3A = arith.constant 0 : index
    %get3A_0 = arith.constant 0 : index
    %get3A_1 = vector.load %arg1[%get3A, %get3A_0] : memref<1000x256xf32, #tpu.memory_space<vmem>>, vector<1000x256xf32>
    %get3A_2 = arith.constant 0 : index
    %get3A_3 = arith.constant 0 : index
    %get3A_4 = vector.load %arg2[%get3A_2, %get3A_3] : memref<256x768xf32, #tpu.memory_space<vmem>>, vector<256x768xf32>
    %dot_general3A = arith.constant dense<0.000000e+00> : vector<1000x768xf32>
    %dot_general3A_5 = tpu.matmul %get3A_1, %get3A_4, %dot_general3A {dimension_numbers = #tpu.dot_dimension_numbers<[1], [0], [0], [1], [0, 0, 1, 1], [], []>, transpose_lhs_hint = false} : vector<1000x256xf32>, vector<256x768xf32>, vector<1000x768xf32> -> vector<1000x768xf32>
    %get3A_6 = arith.constant 0 : index
    %get3A_7 = arith.constant 0 : index
    %get3A_8 = vector.load %arg3[%get3A_6, %get3A_7] : memref<1x768xf32, #tpu.memory_space<vmem>>, vector<1x768xf32>
    %add3A = vector.broadcast %get3A_8 : vector<1x768xf32> to vector<1000x768xf32>
    %add3A_9 = arith.addf %dot_general3A_5, %add3A : vector<1000x768xf32>
    %swap3A = arith.constant 0 : index
    %swap3A_10 = arith.constant 0 : index
    %swap3A_11 = vector.load %arg6[%swap3A, %swap3A_10] : memref<1000x768xf32, #tpu.memory_space<vmem>>, vector<1000x768xf32>
    tpu.vector_store %arg6[%swap3A, %swap3A_10], %add3A_9 {strides = array<i32>} : memref<1000x768xf32, #tpu.memory_space<vmem>>, vector<1000x768xf32>,
    %slice3A = vector.extract_strided_slice %add3A_9 {offsets = [0, 0], sizes = [1000, 256], strides = [1, 1]} : vector<1000x768xf32> to vector<1000x256xf32>
    %logistic3A = arith.negf %slice3A : vector<1000x256xf32>
    %logistic3A_12 = math.exp %logistic3A : vector<1000x256xf32>
    %logistic3A_13 = arith.constant 1.000000e+00 : f32
    %logistic3A_14 = vector.broadcast %logistic3A_13 : f32 to vector<1000x256xf32>
    %logistic3A_15 = arith.addf %logistic3A_14, %logistic3A_12 : vector<1000x256xf32>
    %logistic3A_16 = arith.divf %logistic3A_14, %logistic3A_15 : vector<1000x256xf32>
    %slice3A_17 = vector.extract_strided_slice %add3A_9 {offsets = [0, 256], sizes = [1000, 256], strides = [1, 1]} : vector<1000x768xf32> to vector<1000x256xf32>
    %tanh3A = math.tanh %slice3A_17 : vector<1000x256xf32>
    %slice3A_18 = vector.extract_strided_slice %add3A_9 {offsets = [0, 512], sizes = [1000, 256], strides = [1, 1]} : vector<1000x768xf32> to vector<1000x256xf32>
    %logistic3A_19 = arith.negf %slice3A_18 : vector<1000x256xf32>
    %logistic3A_20 = math.exp %logistic3A_19 : vector<1000x256xf32>
    %logistic3A_21 = arith.constant 1.000000e+00 : f32
    %logistic3A_22 = vector.broadcast %logistic3A_21 : f32 to vector<1000x256xf32>
    %logistic3A_23 = arith.addf %logistic3A_22, %logistic3A_20 : vector<1000x256xf32>
    %logistic3A_24 = arith.divf %logistic3A_22, %logistic3A_23 : vector<1000x256xf32>
    %mul3A = arith.mulf %logistic3A_16, %tanh3A : vector<1000x256xf32>
    %tanh3A_25 = math.tanh %mul3A : vector<1000x256xf32>
    %mul3A_26 = arith.mulf %logistic3A_24, %tanh3A_25 : vector<1000x256xf32>
    %get3A_27 = arith.constant 0 : index
    %get3A_28 = arith.constant 0 : index
    %get3A_29 = vector.load %arg4[%get3A_27, %get3A_28] : memref<256x256xf32, #tpu.memory_space<vmem>>, vector<256x256xf32>
    %dot_general3A_30 = arith.constant dense<0.000000e+00> : vector<1000x256xf32>
    %dot_general3A_31 = tpu.matmul %mul3A_26, %get3A_29, %dot_general3A_30 {dimension_numbers = #tpu.dot_dimension_numbers<[1], [0], [0], [1], [0, 0, 1, 1], [], []>, transpose_lhs_hint = false} : vector<1000x256xf32>, vector<256x256xf32>, vector<1000x256xf32> -> vector<1000x256xf32>
    %get3A_32 = arith.constant 0 : index
    %get3A_33 = arith.constant 0 : index
    %get3A_34 = vector.load %arg5[%get3A_32, %get3A_33] : memref<1x256xf32, #tpu.memory_space<vmem>>, vector<1x256xf32>
    %add3A_35 = vector.broadcast %get3A_34 : vector<1x256xf32> to vector<1000x256xf32>
    %add3A_36 = arith.addf %dot_general3A_31, %add3A_35 : vector<1000x256xf32>
    %logistic3A_37 = arith.negf %add3A_36 : vector<1000x256xf32>
    %logistic3A_38 = math.exp %logistic3A_37 : vector<1000x256xf32>
    %logistic3A_39 = arith.constant 1.000000e+00 : f32
    %logistic3A_40 = vector.broadcast %logistic3A_39 : f32 to vector<1000x256xf32>
    %logistic3A_41 = arith.addf %logistic3A_40, %logistic3A_38 : vector<1000x256xf32>
    %logistic3A_42 = arith.divf %logistic3A_40, %logistic3A_41 : vector<1000x256xf32>
    %mul3A_43 = arith.mulf %logistic3A_42, %mul3A : vector<1000x256xf32>
    %slice3A_44 = vector.extract_strided_slice %mul3A_26 {offsets = [0, 0], sizes = [1000, 128], strides = [1, 1]} : vector<1000x256xf32> to vector<1000x128xf32>
    %swap3A_45 = arith.constant 0 : index
    %swap3A_46 = arith.constant 0 : index
    %swap3A_47 = arith.constant 0 : index
    %swap3A_48 = vector.load %arg7[%swap3A_45, %swap3A_46, %swap3A_47] : memref<4x1000x128xf32, #tpu.memory_space<vmem>>, vector<1x1000x128xf32>
    %swap3A_49 = vector.shape_cast %swap3A_48 : vector<1x1000x128xf32> to vector<1000x128xf32>
    %swap3A_50 = vector.shape_cast %slice3A_44 : vector<1000x128xf32> to vector<1x1000x128xf32>
    tpu.vector_store %arg7[%swap3A_45, %swap3A_46, %swap3A_47], %swap3A_50 {strides = array<i32>} : memref<4x1000x128xf32, #tpu.memory_space<vmem>>, vector<1x1000x128xf32>,
    %slice3A_51 = vector.extract_strided_slice %mul3A_26 {offsets = [0, 128], sizes = [1000, 128], strides = [1, 1]} : vector<1000x256xf32> to vector<1000x128xf32>
    %swap3A_52 = arith.constant 1 : index
    %swap3A_53 = arith.constant 0 : index
    %swap3A_54 = arith.constant 0 : index
    %swap3A_55 = vector.load %arg7[%swap3A_52, %swap3A_53, %swap3A_54] : memref<4x1000x128xf32, #tpu.memory_space<vmem>>, vector<1x1000x128xf32>
    %swap3A_56 = vector.shape_cast %swap3A_55 : vector<1x1000x128xf32> to vector<1000x128xf32>
    %swap3A_57 = vector.shape_cast %slice3A_51 : vector<1000x128xf32> to vector<1x1000x128xf32>
    tpu.vector_store %arg7[%swap3A_52, %swap3A_53, %swap3A_54], %swap3A_57 {strides = array<i32>} : memref<4x1000x128xf32, #tpu.memory_space<vmem>>, vector<1x1000x128xf32>,
    %slice3A_58 = vector.extract_strided_slice %mul3A_43 {offsets = [0, 0], sizes = [1000, 128], strides = [1, 1]} : vector<1000x256xf32> to vector<1000x128xf32>
    %swap3A_59 = arith.constant 2 : index
    %swap3A_60 = arith.constant 0 : index
    %swap3A_61 = arith.constant 0 : index
    %swap3A_62 = vector.load %arg7[%swap3A_59, %swap3A_60, %swap3A_61] : memref<4x1000x128xf32, #tpu.memory_space<vmem>>, vector<1x1000x128xf32>
    %swap3A_63 = vector.shape_cast %swap3A_62 : vector<1x1000x128xf32> to vector<1000x128xf32>
    %swap3A_64 = vector.shape_cast %slice3A_58 : vector<1000x128xf32> to vector<1x1000x128xf32>
    tpu.vector_store %arg7[%swap3A_59, %swap3A_60, %swap3A_61], %swap3A_64 {strides = array<i32>} : memref<4x1000x128xf32, #tpu.memory_space<vmem>>, vector<1x1000x128xf32>,
    %slice3A_65 = vector.extract_strided_slice %mul3A_43 {offsets = [0, 128], sizes = [1000, 128], strides = [1, 1]} : vector<1000x256xf32> to vector<1000x128xf32>
    %swap3A_66 = arith.constant 3 : index
    %swap3A_67 = arith.constant 0 : index
    %swap3A_68 = arith.constant 0 : index
    %swap3A_69 = vector.load %arg7[%swap3A_66, %swap3A_67, %swap3A_68] : memref<4x1000x128xf32, #tpu.memory_space<vmem>>, vector<1x1000x128xf32>
    %swap3A_70 = vector.shape_cast %swap3A_69 : vector<1x1000x128xf32> to vector<1000x128xf32>
    %swap3A_71 = vector.shape_cast %slice3A_65 : vector<1000x128xf32> to vector<1x1000x128xf32>
    tpu.vector_store %arg7[%swap3A_66, %swap3A_67, %swap3A_68], %swap3A_71 {strides = array<i32>} : memref<4x1000x128xf32, #tpu.memory_space<vmem>>, vector<1x1000x128xf32>,
    return
  }
  func.func @transform_0(%arg0: i32) -> (i32, i32) {
    %c0_i32 = arith.constant 0 : i32
    %c0_i32_0 = arith.constant 0 : i32
    return %arg0, %c0_i32 : i32, i32
  }
  func.func @transform_1(%arg0: i32) -> (i32, i32) {
    %c0_i32 = arith.constant 0 : i32
    %c0_i32_0 = arith.constant 0 : i32
    %c0_i32_1 = arith.constant 0 : i32
    return %c0_i32, %c0_i32_0 : i32, i32
  }
  func.func @transform_2(%arg0: i32) -> (i32, i32) {
    %c0_i32 = arith.constant 0 : i32
    %c0_i32_0 = arith.constant 0 : i32
    %c0_i32_1 = arith.constant 0 : i32
    return %c0_i32, %c0_i32_0 : i32, i32
  }
  func.func @transform_3(%arg0: i32) -> (i32, i32) {
    %c0_i32 = arith.constant 0 : i32
    %c0_i32_0 = arith.constant 0 : i32
    %c0_i32_1 = arith.constant 0 : i32
    return %c0_i32, %c0_i32_0 : i32, i32
  }
  func.func @transform_4(%arg0: i32) -> (i32, i32) {
    %c0_i32 = arith.constant 0 : i32
    %c0_i32_0 = arith.constant 0 : i32
    %c0_i32_1 = arith.constant 0 : i32
    return %c0_i32, %c0_i32_0 : i32, i32
  }
  func.func @transform_5(%arg0: i32) -> (i32, i32) {
    %c0_i32 = arith.constant 0 : i32
    %c0_i32_0 = arith.constant 0 : i32
    return %arg0, %c0_i32 : i32, i32
  }
  func.func @transform_6(%arg0: i32) -> (i32, i32, i32) {
    %c0_i32 = arith.constant 0 : i32
    %c0_i32_0 = arith.constant 0 : i32
    %c0_i32_1 = arith.constant 0 : i32
    return %c0_i32, %arg0, %c0_i32_0 : i32, i32, i32
  }
}

module attributes {stable_mosaic.version = 14 : i64} {
  func.func @_dense_b_body(%arg0: i32, %arg1: memref<1000x768xf32, #tpu.memory_space<vmem>>, %arg2: memref<256x768xf32, #tpu.memory_space<vmem>>, %arg3: memref<2x1000x128xf32, #tpu.memory_space<vmem>>, %arg4: memref<2x1000x128xf32, #tpu.memory_space<vmem>>, %arg5: memref<1000x256xf32, #tpu.memory_space<vmem>>, %arg6: memref<1000x256xf32, #tpu.memory_space<vmem>>) attributes {dimension_semantics = [#tpu.dimension_semantics<arbitrary>], iteration_bounds = array<i64: 10>, scalar_prefetch = 0 : i64, scratch_operands = 0 : i64, tpu.core_type = #tpu.core_type<tc>, window_params = [{transform_indices = @transform_0, window_bounds = array<i64: 1000, 768>}, {pipeline_mode = #tpu.pipeline_mode<synchronous>, transform_indices = @transform_1, window_bounds = array<i64: 256, 768>}, {transform_indices = @transform_2, window_bounds = array<i64: 2, 1000, 128>}, {transform_indices = @transform_3, window_bounds = array<i64: 2, 1000, 128>}, {transform_indices = @transform_4, window_bounds = array<i64: 1000, 256>}, {transform_indices = @transform_5, window_bounds = array<i64: 1000, 256>}]} {
    %get3A = arith.constant 0 : index
    %get3A_0 = arith.constant 0 : index
    %get3A_1 = arith.constant 0 : index
    %get3A_2 = vector.load %arg3[%get3A, %get3A_0, %get3A_1] : memref<2x1000x128xf32, #tpu.memory_space<vmem>>, vector<1x1000x128xf32>
    %get3A_3 = vector.shape_cast %get3A_2 : vector<1x1000x128xf32> to vector<1000x128xf32>
    %get3A_4 = arith.constant 1 : index
    %get3A_5 = arith.constant 0 : index
    %get3A_6 = arith.constant 0 : index
    %get3A_7 = vector.load %arg3[%get3A_4, %get3A_5, %get3A_6] : memref<2x1000x128xf32, #tpu.memory_space<vmem>>, vector<1x1000x128xf32>
    %get3A_8 = vector.shape_cast %get3A_7 : vector<1x1000x128xf32> to vector<1000x128xf32>
    %concatenate3A = tpu.concatenate %get3A_3, %get3A_8 in 1 : vector<1000x128xf32>, vector<1000x128xf32> -> vector<1000x256xf32>
    %get3A_9 = arith.constant 0 : index
    %get3A_10 = arith.constant 0 : index
    %get3A_11 = arith.constant 0 : index
    %get3A_12 = vector.load %arg4[%get3A_9, %get3A_10, %get3A_11] : memref<2x1000x128xf32, #tpu.memory_space<vmem>>, vector<1x1000x128xf32>
    %get3A_13 = vector.shape_cast %get3A_12 : vector<1x1000x128xf32> to vector<1000x128xf32>
    %get3A_14 = arith.constant 1 : index
    %get3A_15 = arith.constant 0 : index
    %get3A_16 = arith.constant 0 : index
    %get3A_17 = vector.load %arg4[%get3A_14, %get3A_15, %get3A_16] : memref<2x1000x128xf32, #tpu.memory_space<vmem>>, vector<1x1000x128xf32>
    %get3A_18 = vector.shape_cast %get3A_17 : vector<1x1000x128xf32> to vector<1000x128xf32>
    %concatenate3A_19 = tpu.concatenate %get3A_13, %get3A_18 in 1 : vector<1000x128xf32>, vector<1000x128xf32> -> vector<1000x256xf32>
    %get3A_20 = arith.constant 0 : index
    %get3A_21 = arith.constant 0 : index
    %get3A_22 = vector.load %arg1[%get3A_20, %get3A_21] : memref<1000x768xf32, #tpu.memory_space<vmem>>, vector<1000x768xf32>
    %get3A_23 = arith.constant 0 : index
    %get3A_24 = arith.constant 0 : index
    %get3A_25 = vector.load %arg2[%get3A_23, %get3A_24] : memref<256x768xf32, #tpu.memory_space<vmem>>, vector<256x768xf32>
    %dot_general3A = arith.constant dense<0.000000e+00> : vector<1000x768xf32>
    %dot_general3A_26 = tpu.matmul %concatenate3A, %get3A_25, %dot_general3A {dimension_numbers = #tpu.dot_dimension_numbers<[1], [0], [0], [1], [0, 0, 1, 1], [], []>, transpose_lhs_hint = false} : vector<1000x256xf32>, vector<256x768xf32>, vector<1000x768xf32> -> vector<1000x768xf32>
    %add3A = arith.addf %get3A_22, %dot_general3A_26 : vector<1000x768xf32>
    %slice3A = vector.extract_strided_slice %add3A {offsets = [0, 0], sizes = [1000, 256], strides = [1, 1]} : vector<1000x768xf32> to vector<1000x256xf32>
    %logistic3A = arith.negf %slice3A : vector<1000x256xf32>
    %logistic3A_27 = math.exp %logistic3A : vector<1000x256xf32>
    %logistic3A_28 = arith.constant 1.000000e+00 : f32
    %logistic3A_29 = vector.broadcast %logistic3A_28 : f32 to vector<1000x256xf32>
    %logistic3A_30 = arith.addf %logistic3A_29, %logistic3A_27 : vector<1000x256xf32>
    %logistic3A_31 = arith.divf %logistic3A_29, %logistic3A_30 : vector<1000x256xf32>
    %slice3A_32 = vector.extract_strided_slice %add3A {offsets = [0, 256], sizes = [1000, 256], strides = [1, 1]} : vector<1000x768xf32> to vector<1000x256xf32>
    %tanh3A = math.tanh %slice3A_32 : vector<1000x256xf32>
    %slice3A_33 = vector.extract_strided_slice %add3A {offsets = [0, 512], sizes = [1000, 256], strides = [1, 1]} : vector<1000x768xf32> to vector<1000x256xf32>
    %logistic3A_34 = arith.negf %slice3A_33 : vector<1000x256xf32>
    %logistic3A_35 = math.exp %logistic3A_34 : vector<1000x256xf32>
    %logistic3A_36 = arith.constant 1.000000e+00 : f32
    %logistic3A_37 = vector.broadcast %logistic3A_36 : f32 to vector<1000x256xf32>
    %logistic3A_38 = arith.addf %logistic3A_37, %logistic3A_35 : vector<1000x256xf32>
    %logistic3A_39 = arith.divf %logistic3A_37, %logistic3A_38 : vector<1000x256xf32>
    %mul3A = arith.mulf %logistic3A_31, %tanh3A : vector<1000x256xf32>
    %add3A_40 = arith.addf %mul3A, %concatenate3A_19 : vector<1000x256xf32>
    %swap3A = arith.constant 0 : index
    %swap3A_41 = arith.constant 0 : index
    %swap3A_42 = vector.load %arg6[%swap3A, %swap3A_41] : memref<1000x256xf32, #tpu.memory_space<vmem>>, vector<1000x256xf32>
    tpu.vector_store %arg6[%swap3A, %swap3A_41], %add3A_40 {strides = array<i32>} : memref<1000x256xf32, #tpu.memory_space<vmem>>, vector<1000x256xf32>,
    %tanh3A_43 = math.tanh %add3A_40 : vector<1000x256xf32>
    %mul3A_44 = arith.mulf %logistic3A_39, %tanh3A_43 : vector<1000x256xf32>
    %swap3A_45 = arith.constant 0 : index
    %swap3A_46 = arith.constant 0 : index
    %swap3A_47 = vector.load %arg5[%swap3A_45, %swap3A_46] : memref<1000x256xf32, #tpu.memory_space<vmem>>, vector<1000x256xf32>
    tpu.vector_store %arg5[%swap3A_45, %swap3A_46], %mul3A_44 {strides = array<i32>} : memref<1000x256xf32, #tpu.memory_space<vmem>>, vector<1000x256xf32>,
    return
  }
  func.func @transform_0(%arg0: i32) -> (i32, i32) {
    %c0_i32 = arith.constant 0 : i32
    %c0_i32_0 = arith.constant 0 : i32
    return %arg0, %c0_i32 : i32, i32
  }
  func.func @transform_1(%arg0: i32) -> (i32, i32) {
    %c0_i32 = arith.constant 0 : i32
    %c0_i32_0 = arith.constant 0 : i32
    %c0_i32_1 = arith.constant 0 : i32
    return %c0_i32, %c0_i32_0 : i32, i32
  }
  func.func @transform_2(%arg0: i32) -> (i32, i32, i32) {
    %c0_i32 = arith.constant 0 : i32
    %c0_i32_0 = arith.constant 0 : i32
    %c0_i32_1 = arith.constant 0 : i32
    return %c0_i32, %arg0, %c0_i32_0 : i32, i32, i32
  }
  func.func @transform_3(%arg0: i32) -> (i32, i32, i32) {
    %c1_i32 = arith.constant 1 : i32
    %c0_i32 = arith.constant 0 : i32
    %c0_i32_0 = arith.constant 0 : i32
    return %c1_i32, %arg0, %c0_i32 : i32, i32, i32
  }
  func.func @transform_4(%arg0: i32) -> (i32, i32) {
    %c0_i32 = arith.constant 0 : i32
    %c0_i32_0 = arith.constant 0 : i32
    return %arg0, %c0_i32 : i32, i32
  }
  func.func @transform_5(%arg0: i32) -> (i32, i32) {
    %c0_i32 = arith.constant 0 : i32
    %c0_i32_0 = arith.constant 0 : i32
    return %arg0, %c0_i32 : i32, i32
  }
}

</mosaic_0001>

<sc_bundles>
// kernel: kernel.5.cloned.1.call-start
scs
__scs_entry_jumppad:
0x0: {  	(pc) =	sbr.rel $0x88, $3  }
0x1: {  	(tag) =	ssettag $0x0;
	lr =	simm.s32 $0x1  }
0x2: {  	[smem:$0x3F9A] =	sst lr;
	_ =	strace $0xD0000000  }
0x3: {  	_ = 	snop  }
0x4: {  	_ = 	snop  }
0x5: {  	_ = 	snop  }
0x6: {  	_ = 	snop  }
0x7: {  	_ = 	snop  }
__scs_overlays_trampoline_lowered:
0x8: {  	[smem:$0x3FA9] =	sst s0  }
0x9: {  	[smem:$0x3FAA] =	sst s1  }
0xa: {  	[smem:$0x3FAB] =	sst s2  }
0xb: {  	[smem:$0x3FAC] =	sst s3  }
0xc: {  	[smem:$0x3FAD] =	sst s4  }
0xd: {  	[smem:$0x3FAE] =	sst s5  }
0xe: {  	[smem:$0x3FAF] =	sst s6  }
0xf: {  	[smem:$0x3FB0] =	sst s7  }
0x10: {  	[smem:$0x3FB1] =	sst s8  }
0x11: {  	[smem:$0x3FB2] =	sst s9;
	s0 =	simm.s32 @!p0 $0x0  }
0x12: {  	s1 =	sld [smem:$0x3F98];
	s0 =	simm.s32 @p0 $0x1  }
0x13: {  	[smem:$0x3FB3] =	sst s0;
	s0 =	simm.s32 @!p1 $0x0  }
0x14: {  	s2 =	sld [smem:$0x3F97];
	s0 =	simm.s32 @p1 $0x1  }
0x15: {  	[smem:$0x3FB4] =	sst s0;
	s0 =	simm.s32 @!p2 $0x0  }
0x16: {  	s3 =	sld [smem:$0x3FDB];
	s0 =	simm.s32 @p2 $0x1  }
0x17: {  	s4 =	simm.s32 $0x1BF5;
	[smem:$0x3FB6] =	sst s0  }
0x18: {  	s0 =	sld [smem:$0x3F99];
	_ =	swait.ge [sflag:s4], $0x0  }
0x19: {  	s7 =	sld [smem:$0x3F9A]  }
0x1a: {  	s8 =	sadd.s32 $0xFFFFE003, lr  }
0x1b: {  	s9 =	sadd.s32 $0xFFFFFEF7, lr;
	s5 =	simm.s32 $0xFFFFFFFF;
	p2 =	slt.u32 s8, $0xFFFFF086  }
0x1c: {  	p1 =	slt.u32 s9, $0xF7A;
	s5 =	simm.s32 @!p2 $0x0  }
0x1d: {  	s5 =	simm.s32 @p1 $0x1;
	p0 =	seq.s32 s7, s2  }
0x1e: {  	s7 =	smul.u32 @!p0 $0xF7A, s2;
	p2 =	seq.s32 @!p0 s5, $0x0  }
0x1f: {  	s9 =	smul.u32 $0xF7A, s1;
	s8 =	simm.s32 @!p0 $0x1BF5;
	p2 =	por !p2, p0  }
0x20: {  	[sflag:s8] =	ssyncset.s32 @!p0 $0xFFFFF086;
	s6 =	sadd.s32 @!p0 s3, s7;
	s7 =	simm.s32 @!p0 $0x108  }
0x21: {  	s3 =	sadd.s32 s3, s9;
	s6 =	sadd.s32 @!p0 $0x88, s6;
	s7 =	simm.s32 @p2 $0x1082  }
0x22: {  	[simem:s7], [sflag:s8] =	dma.local @!p0 [hbm:s6], $0xF7A  }
0x23: {  	s9 =	sor.u32 $0xD0000000, s2;
	s6 =	simm.s32 $0x108;
	_ =	swait.ge @!p0 [sflag:s8], $0x0  }
0x24: {  	s3 =	sadd.s32 $0x88, s3;
	s6 =	simm.s32 @!p1 $0x1082;
	[sflag:s4] =	ssyncset.s32 $0xFFFFF086  }
0x25: {  	[simem:s6], [sflag:s4] =	dma.local [hbm:s3], $0xF7A  }
0x26: {  	[smem:$0x3F9A] =	sst s1;
	(tag) =	ssettag s2;
	_ =	strace s9  }
0x27: {  	s1 =	sld [smem:$0x3FAA]  }
0x28: {  	s2 =	sld [smem:$0x3FAB]  }
0x29: {  	s4 =	sld [smem:$0x3FAD]  }
0x2a: {  	p0 =	seq.s32 s5, $0x0;
	s5 =	sld [smem:$0x3FAE]  }
0x2b: {  	s6 =	sld [smem:$0x3FAF]  }
0x2c: {  	s7 =	sld [smem:$0x3FB0]  }
0x2d: {  	s3 =	simm.s32 $0x108;
	s8 =	sld [smem:$0x3FB1]  }
0x2e: {  	s3 =	simm.s32 @!p0 $0x1082;
	s9 =	sld [smem:$0x3FB2]  }
0x2f: {  	lr =	sadd.s32 s0, s3;
	s0 =	sld [smem:$0x3FA9]  }
0x30: {  	s3 =	sld [smem:$0x3FAC]  }
0x31: {  	[smem:$0x3FB5] =	sst s10  }
0x32: {  	s10 =	sld [smem:$0x3FB3];
	_ =	sdelay $0x3  }
0x33: {  	p0 =	seq.s32 s10, $0x1;
	s10 =	sld [smem:$0x3FB5];
	_ =	sdelay $0x3  }
0x34: {  	[smem:$0x3FB5] =	sst s10  }
0x35: {  	s10 =	sld [smem:$0x3FB4];
	_ =	sdelay $0x3  }
0x36: {  	p1 =	seq.s32 s10, $0x1;
	s10 =	sld [smem:$0x3FB5];
	_ =	sdelay $0x3  }
0x37: {  	[smem:$0x3FB5] =	sst s10  }
0x38: {  	s10 =	sld [smem:$0x3FB6]  }
0x39: {  	_ = 	snop;
	(pc) =	sbr.ind lr, $3  }
0x3a: {  	_ = 	snop  }
0x3b: {  	_ = 	snop  }
0x3c: {  	p2 =	seq.s32 s10, $0x1;
	s10 =	sld [smem:$0x3FB5]  }
0x3d: {  	_ =	shalt  }
0x3e: {  	_ =	shalt  }
0x3f: {  	_ =	shalt  }
0x40: {  	_ =	shalt  }
0x41: {  	_ =	shalt  }
0x42: {  	_ =	shalt  }
0x43: {  	_ =	shalt  }
0x44: {  	_ =	shalt  }
0x45: {  	_ =	shalt  }
0x46: {  	_ =	shalt  }
0x47: {  	_ =	shalt  }
0x48: {  	_ =	shalt  }
0x49: {  	_ =	shalt  }
0x4a: {  	_ =	shalt  }
0x4b: {  	_ =	shalt  }
0x4c: {  	_ =	shalt  }
0x4d: {  	_ =	shalt  }
0x4e: {  	_ =	shalt  }
0x4f: {  	_ =	shalt  }
0x50: {  	_ =	shalt  }
0x51: {  	_ =	shalt  }
0x52: {  	_ =	shalt  }
0x53: {  	_ =	shalt  }
0x54: {  	_ =	shalt  }
0x55: {  	_ =	shalt  }
0x56: {  	_ =	shalt  }
0x57: {  	_ =	shalt  }
0x58: {  	_ =	shalt  }
0x59: {  	_ =	shalt  }
0x5a: {  	_ =	shalt  }
0x5b: {  	_ =	shalt  }
0x5c: {  	_ =	shalt  }
0x5d: {  	_ =	shalt  }
0x5e: {  	_ =	shalt  }
0x5f: {  	_ =	shalt  }
0x60: {  	_ =	shalt  }
0x61: {  	_ =	shalt  }
0x62: {  	_ =	shalt  }
0x63: {  	_ =	shalt  }
0x64: {  	_ =	shalt  }
0x65: {  	_ =	shalt  }
0x66: {  	_ =	shalt  }
0x67: {  	_ =	shalt  }
0x68: {  	_ =	shalt  }
0x69: {  	_ =	shalt  }
0x6a: {  	_ =	shalt  }
0x6b: {  	_ =	shalt  }
0x6c: {  	_ =	shalt  }
0x6d: {  	_ =	shalt  }
0x6e: {  	_ =	shalt  }
0x6f: {  	_ =	shalt  }
0x70: {  	_ =	shalt  }
0x71: {  	_ =	shalt  }
0x72: {  	_ =	shalt  }
0x73: {  	_ =	shalt  }
0x74: {  	_ =	shalt  }
0x75: {  	_ =	shalt  }
0x76: {  	_ =	shalt  }
0x77: {  	_ =	shalt  }
0x78: {  	_ =	shalt  }
0x79: {  	_ =	shalt  }
0x7a: {  	_ =	shalt  }
0x7b: {  	_ =	shalt  }
0x7c: {  	_ =	shalt  }
0x7d: {  	_ =	shalt  }
0x7e: {  	_ =	shalt  }
0x7f: {  	_ =	shalt  }
0x80: {  	_ =	shalt  }
0x81: {  	_ =	shalt  }
0x82: {  	_ =	shalt  }
0x83: {  	_ =	shalt  }
0x84: {  	_ =	shalt  }
0x85: {  	_ =	shalt  }
0x86: {  	_ =	shalt  }
0x87: {  	_ =	shalt  }
.Lfunc_end0:
.L_simem_size_0:
called_computation_lowered:
.L_overlay_start_0:
0x88: {  	s2 =	sld [smem:$0x3FD9]  }
0x89: {  	s3 =	sld [smem:$0x3FFE];
	_ =	sdelay $0x1  }
0x8a: {  	s1 =	srdreg.scid  }
0x8b: {  	s0 =	sand.u32 $0x1, s1  }
0x8c: {  	s14 =	sshll.u32 s0, $0xA;
	s2 =	sadd.s32 s3, s2  }
0x8d: {  	s2 =	sadd.s32 s2, s14  }
0x8e: {  	[smem:$0x3FC1] =	sst s2  }
0x8f: {  	_ = 	snop  }
0x90: {  	s2 =	sld [smem:$0x3FD0];
	_ =	sdelay $0x2  }
0x91: {  	s15 =	simm.s32 $0xA;
	s4 =	simm.s32 $0x10  }
0x92: {  	[smem:s4], [sflag:s15] =	dma.local [hbm:s2], $0x1  }
0x93: {  	_ =	swait.eq [sflag:s15], $0x1  }
0x94: {  	[sflag:s15] =	ssyncset.done $0x0  }
0x95: {  	s16 =	sld [smem:$0x10];
	[sflag:s15] =	ssyncadd.s32 $0xFFFFFFFF  }
0x96: {  	s17 =	sld [smem:$0x11];
	(tm) =	ssettm $0x1  }
0x97: {  	s18 =	sld [smem:$0x3FFB];
	_ =	sdelay $0x3  }
0x98: {  	_ =	strace s18  }
0x99: {  	s4 =	sld [smem:$0x3FFC];
	_ =	sdelay $0x3  }
0x9a: {  	_ =	strace s4  }
0x9b: {  	s4 =	sld [smem:$0x3FFD];
	_ =	sdelay $0x3  }
0x9c: {  	_ =	strace s4  }
0x9d: {  	_ =	strace $0x8FFFFFFF  }
0x9e: {  	s19 =	sld [smem:$0x3FDB];
	_ =	sdelay $0x1  }
0x9f: {  	s5 =	simm.s32 $_scs_section_size  }
0xa0: {  	s6 =	simm.s32 $_size__tile_overlayer_lowered;
	s7 =	simm.s32 $_tile_overlayer_lowered  }
0xa1: {  	s22 =	simm.s32 $0x1BFF;
	s21 =	sshll.u32 s7, $0x1;
	s4 =	sadd.s32 s5, s19  }
0xa2: {  	s8 =	simm.s32 $0x0;
	s20 =	sshll.u32 s6, $0x1;
	s6 =	sadd.s32 s21, s4  }
0xa3: {  	[timem:s8], [sflag:s22] =	dma.local [hbm:s6], s20  }
0xa4: {  	_ =	swait.ge [sflag:s22], s20  }
0xa5: {  	s5 =	ssub.s32 $0x0, s20;
	[sflag:s22] =	ssyncset.done $0x0  }
0xa6: {  	[sflag:s22] =	ssyncadd.s32 s5;
	_ =	sdelay $0x1  }
0xa7: {  	s23 =	simm.s32 $0x1B8B  }
0xa8: {  	_ =	swait.ge [sflag:s23], $0x1  }
0xa9: {  	[sflag:s23] =	ssyncset.done $0x0  }
0xaa: {  	s25 =	simm.s32 $0x1B8E;
	s24 =	sld [smem:$0x3FFE];
	[sflag:s23] =	ssyncadd.s32 $0xFFFFFFFF  }
0xab: {  	s26 =	simm.s32 $execute0_lowered;
	[smem:$0x3FD2] =	sst s25  }
0xac: {  	s6 =	sshll.u32 s26, $0x1;
	_ =	strace $0x80000046;
	[dreg:$0x1] =	wrdreg $0xFFFFFFFF  }
0xad: {  	s28 =	simm.s32 $_size_execute0_lowered;
	s4 =	sadd.s32 s4, s6;
	[dreg:$0x0] =	wrdreg $0x0  }
0xae: {  	s6 =	sshll.u32 s28, $0x1;
	[dreg:$0x2] =	wrdreg s4  }
0xaf: {  	[dreg:$0x3] =	wrdreg s6  }
0xb0: {  	[dreg:$0x4] =	wrdreg $0xC0  }
0xb1: {  	_ =	task [dreg:s8], $0x5FFFF  }
0xb2: {  	[dreg:$0x1] =	wrdreg $0xFFFFFFFF  }
0xb3: {  	[dreg:$0x0] =	wrdreg $0x60  }
0xb4: {  	[dreg:$0x2] =	wrdreg s24  }
0xb5: {  	[dreg:$0x3] =	wrdreg s16  }
0xb6: {  	[dreg:$0x4] =	wrdreg s17  }
0xb7: {  	[dreg:$0x5] =	wrdreg $0xA8000  }
0xb8: {  	[dreg:$0x6] =	wrdreg $0x9  }
0xb9: {  	_ =	task.clear_ibuf [dreg:s8], $0x7FFFF;
	_ =	strace $0x90000046  }
0xba: {  	s29 =	simm.s32 $0x9;
	_ =	strace $0x80000048  }
0xbb: {  	_ =	swait.ge [sflag:s29], $0x1  }
0xbc: {  	[sflag:s29] =	ssyncadd.s32 $0xFFFFFFFF  }
0xbd: {  	_ =	strace $0x90000048  }
0xbe: {  	_ =	sfence  }
0xbf: {  	s30 =	sld [smem:$0x0];
	_ =	sdelay $0x2  }
0xc0: {  	s31 =	sshll.u32 s1, $0xD;
	s1 =	sshrl.u32 s1, $0x2  }
0xc1: {  	s3 =	sand.u32 $0x4000, s31;
	s1 =	sadd.s32 s1, s30  }
0xc2: {  	s0 =	sor.u32 s3, s0;
	s1 =	sshll.u32 s1, $0x11  }
0xc3: {  	s0 =	sor.u32 s1, s0  }
0xc4: {  	s0 =	sadd.s32 $0x8F2B, s0  }
0xc5: {  	[sflag:s0] =	ssyncadd.remote.s32 $0x1  }
0xc6: {  	_ =	sfence.sel $0xFFFF  }
0xc7: {  	[dreg:$0x0] =	wrdreg $0xFFFFFFFF;
	(pc) =	sbr.abs _section_cstart, $3  }
0xc8: {  	[dreg:$0x1] =	wrdreg $0xFFFFFFFF  }
0xc9: {  	_ =	task.clear_ibuf [dreg:s8], $0x2FFFF;
	_ =	strace $0x9FFFFFFF  }
0xca: {  	(tm) =	ssettm $0x7FFFFFFF  }
0xcb: {  	_ =	shalt  }
tec
execute0_lowered:
.L_overlay_start_1:
0x0: {  	(tag) =	ssettag $0x1  }
0x1: {  	s0 =	rddreg [dreg:$0x0]  }
0x2: {  	s1 =	rddreg [dreg:$0x1]  }
0x3: {  	s4 =	rddreg [dreg:$0x2]  }
0x4: {  	s2 =	rddreg [dreg:$0x3];
	s3 =	simm.s32 $0x0;
	s8 =	srdreg.scid  }
0x5: {  	s15 =	stileid.u32;
	s29 =	simm.s32 $0x1380;
	s30 =	simm.s32 $0x2700  }
0x6: {  	s31 =	simm.s32 $0x2780;
	[smem:$0x7FF] =	sst s3;
	s5 =	sadd.s32 $0x1DFA00, s0  }
0x7: {  	s28 =	simm.s32 $0x2;
	s6 =	sadd.s32 $0x1B8800, s0;
	s7 =	sadd.s32 $0x191600, s0  }
0x8: {  	s9 =	sand.u32 $0x1, s8;
	s12 =	sadd.s32 $0x5C00, s0;
	s11 =	smul.u32 $0x4F000, s15  }
0x9: {  	s13 =	sadd.s32 $0xC00, s0;
	s16 =	smul.u32 $0x13C00, s15;
	s8 =	sadd.s32 $0x206C00, s0  }
0xa: {  	s19 =	smul.u32 $0x2800, s15;
	s25 =	sshll.u32 s15, $0x6;
	s0 =	simm.s32 $0x0  }
0xb: {  	_ =	strace $0x80000047;
	s10 =	ssub.s32 $0x2, s9;
	p0 =	seq.s32 s9, $0x1  }
0xc: {  	s14 =	sshrl.u32 s10, $0x1;
	s20 =	sshrl.u32 s11, $0x2;
	s21 =	sshrl.u32 s16, $0x3  }
0xd: {  	s22 =	sshrl.u32 s19, $0x3;
	s24 =	sadd.s32 $0x278000, s16;
	s26 =	sadd.s32 $0x3B4000, s16  }
0xe: {  	s19 =	sor.u32 $0x1C03, s25;
	s25 =	simm.s32 $0x6800;
	s18 =	ssub.s32 s10, s14  }
0xf: {  	s20 =	sadd.s32 s20, s2;
	s9 =	sadd.s32 s4, s21;
	s10 =	sadd.s32 s12, s22  }
0x10: {  	s11 =	sadd.s32 s13, s22;
	s4 =	sadd.s32 $0x280, s22;
	[dreg:$0x6] =	wrdreg s24  }
.Ltmp0:
0x11: {  	s23 =	sadd.s32 s8, s21;
	[dreg:$0x8] =	wrdreg s26;
	(pc) =	sbr.rel .LBB2_1-.Ltmp0, $4  }
0x12: {  	s21 =	simm.s32 $0x3;
	s22 =	simm.s32 $0x1400;
	s24 =	simm.s32 $0x2800  }
0x13: {  	s26 =	simm.s32 $0x1;
	s12 =	sadd.s32 s12, s4;
	s13 =	sadd.s32 s13, s4  }
0x14: {  	[dreg:$0x5] =	wrdreg s23;
	s4 =	sadd.s32 $0x27800, s23;
	s18 =	smax.u32 s18, $0x1  }
0x15: {  	s20 =	sshrl.u32 s20, $0x3;
	s23 =	simm.s32 $0x80;
	[dreg:$0x7] =	wrdreg s4  }
.LBB2_19:
0x16: {  	s14 =	sadd.s32 $0x80, s4;
	[sflag:s21] =	ssyncadd.s32 $0xFFFFC000  }
0x17: {  	[tilespmem:s25], [sflag:$0x2] =	stream.indirect.gather [hbm4b:s1+s23], $0x80, s14, s23, $0xb8;
	[tilespmem:$0x1E400] =	vst v63  }
0x18: {  	_ =	swait.ge [sflag:s26], $0x4000  }
0x19: {  	[sflag:s26] =	ssyncset.done $0x0  }
0x1a: {  	s15 =	sadd.s32 $0x1400, s4;
	[sflag:s26] =	ssyncadd.s32 $0xFFFFC000  }
0x1b: {  	[spmem:s2] =	stream.indirect.scatter.add.f32 [tilespmem:s24], [sflag:$0x3], $0x80, s15, s23, $0xb8;
	[tilespmem:$0x1E400] =	vst v63  }
0x1c: {  	_ =	swait.ge [sflag:s21], $0x4000  }
0x1d: {  	[sflag:s21] =	ssyncset.done $0x0  }
0x1e: {  	s16 =	sadd.s32 $0x100, s4;
	[sflag:s21] =	ssyncadd.s32 $0xFFFFC000  }
0x1f: {  	[tilespmem:s24], [sflag:$0x1] =	stream.indirect.gather [hbm4b:s1+s23], $0x80, s16, s23, $0xb8;
	[tilespmem:$0x1E400] =	vst v63  }
0x20: {  	_ =	swait.ge [sflag:s28], $0x4000  }
0x21: {  	[sflag:s28] =	ssyncset.done $0x0  }
0x22: {  	s17 =	sadd.s32 $0x1480, s4;
	[sflag:s28] =	ssyncadd.s32 $0xFFFFC000  }
0x23: {  	[spmem:s2] =	stream.indirect.scatter.add.f32 [tilespmem:s25], [sflag:$0x3], $0x80, s17, s23, $0xb8;
	[tilespmem:$0x1E400] =	vst v63  }
0x24: {  	_ =	swait.ge [sflag:s21], $0x4000  }
0x25: {  	[sflag:s21] =	ssyncset.done $0x0  }
0x26: {  	s4 =	rddreg [dreg:$0x8];
	[sflag:s21] =	ssyncadd.s32 $0xFFFFC000  }
0x27: {  	[tilespmem:s25], [sflag:$0x2] =	stream.indirect.gather [hbm4b:s1+s23], $0x80, s29, s23, $0xb8;
	[tilespmem:$0x1E400] =	vst v63  }
.LBB2_20:
0x28: {  	_ =	swait.ge [sflag:s26], $0x4000  }
0x29: {  	[sflag:s26] =	ssyncset.done $0x0  }
0x2a: {  	[sflag:s26] =	ssyncadd.s32 $0xFFFFC000  }
0x2b: {  	[spmem:s2] =	stream.indirect.scatter.add.f32 [tilespmem:s24], [sflag:$0x3], $0x80, s30, s23, $0xb8;
	[tilespmem:$0x1E400] =	vst v63  }
0x2c: {  	_ =	swait.ge [sflag:s21], $0x4000  }
0x2d: {  	[sflag:s21] =	ssyncset.done $0x0  }
0x2e: {  	[sflag:s21] =	ssyncadd.s32 $0xFFFFC000  }
0x2f: {  	_ =	swait.ge [sflag:s28], $0x4000  }
0x30: {  	[sflag:s28] =	ssyncset.done $0x0  }
0x31: {  	[sflag:s28] =	ssyncadd.s32 $0xFFFFC000  }
0x32: {  	[spmem:s2] =	stream.indirect.scatter.add.f32 [tilespmem:s25], [sflag:$0x3], $0x80, s31, s23, $0xb8;
	[tilespmem:$0x1E400] =	vst v63  }
0x33: {  	_ =	swait.ge [sflag:s21], $0x4000  }
0x34: {  	[sflag:s21] =	ssyncset.done $0x0  }
0x35: {  	s4 =	sshrl.u32 s4, $0x3;
	s0 =	sadd.s32 $0x1, s0;
	[sflag:s21] =	ssyncadd.s32 $0xFFFFC000  }
0x36: {  	s4 =	sadd.s32 s8, s4;
	p1 =	sne.s32 s0, s18;
	[bflag:$0x0] =	sbarrier.arrive $0xFFFF  }
0x37: {  	[hbm:s4], [sflag:s19] =	dma.local [spmem:s20], $0x2780  }
.Ltmp1:
0x38: {  	_ =	swait.ge [sflag:s21], $0x2780;
	(pc) =	sbr.rel @!p1 .LBB2_21-.Ltmp1, $3  }
0x39: {  	[sflag:s21] =	ssyncset.done $0x0  }
0x3a: {  	[sflag:s21] =	ssyncadd.s32 $0xFFFFD880  }
0x3b: {  	[bflag:$0x0] =	sbarrier.arrive $0xFFFF;
	_ =	sdelay $0x1  }
.LBB2_1:
0x3c: {  	[spmem:s20], [sflag:s19] =	dma.local [hbm:s9], $0x2780  }
0x3d: {  	_ =	swait.ge [sflag:s21], $0x2780  }
0x3e: {  	[sflag:s21] =	ssyncset.done $0x0  }
0x3f: {  	[sflag:s21] =	ssyncadd.s32 $0xFFFFD880  }
0x40: {  	[bflag:$0x0] =	sbarrier.arrive $0xFFFF  }
0x41: {  	[tilespmem:s3], [sflag:$0x3] =	stream.linear.gather [hbm4b:s10+s3], $0x1400, $0x38;
	[tilespmem:$0x1E400] =	vst v63  }
0x42: {  	_ =	swait.ge [sflag:s21], $0x1400  }
0x43: {  	[sflag:s21] =	ssyncset.done $0x0  }
.Ltmp2:
0x44: {  	[sflag:s21] =	ssyncadd.s32 $0xFFFFEC00;
	(pc) =	sbr.rel @!p0 .LBB2_2-.Ltmp2, $4  }
0x45: {  	[tilespmem:s22], [sflag:$0x3] =	stream.linear.gather [hbm4b:s11+s3], $0x1400, $0x38;
	[tilespmem:$0x1E400] =	vst v63  }
0x46: {  	_ =	swait.ge [sflag:s21], $0x1400  }
0x47: {  	[sflag:s21] =	ssyncset.done $0x0  }
0x48: {  	s4 =	simm.s32 $0x0;
	[sflag:s21] =	ssyncadd.s32 $0xFFFFEC00  }
0x49: {  	[tilespmem:s24], [sflag:$0x1] =	stream.indirect.gather [hbm4b:s6+s23], $0x80, s4, s23, $0xb8;
	[tilespmem:$0x1E400] =	vst v63  }
0x4a: {  	s14 =	simm.s32 $0x80  }
0x4b: {  	[tilespmem:s25], [sflag:$0x2] =	stream.indirect.gather [hbm4b:s6+s23], $0x80, s14, s23, $0xb8;
	[tilespmem:$0x1E400] =	vst v63  }
0x4c: {  	_ =	swait.ge [sflag:s26], $0x4000  }
0x4d: {  	[sflag:s26] =	ssyncset.done $0x0  }
0x4e: {  	s15 =	simm.s32 $0x1400;
	[sflag:s26] =	ssyncadd.s32 $0xFFFFC000  }
0x4f: {  	[spmem:s2] =	stream.indirect.scatter.add.f32 [tilespmem:s24], [sflag:$0x3], $0x80, s15, s23, $0xb8;
	[tilespmem:$0x1E400] =	vst v63  }
0x50: {  	_ =	swait.ge [sflag:s21], $0x4000  }
0x51: {  	[sflag:s21] =	ssyncset.done $0x0  }
0x52: {  	s16 =	simm.s32 $0x100;
	[sflag:s21] =	ssyncadd.s32 $0xFFFFC000  }
0x53: {  	[tilespmem:s24], [sflag:$0x1] =	stream.indirect.gather [hbm4b:s6+s23], $0x80, s16, s23, $0xb8;
	[tilespmem:$0x1E400] =	vst v63  }
0x54: {  	_ =	swait.ge [sflag:s28], $0x4000  }
0x55: {  	[sflag:s28] =	ssyncset.done $0x0  }
0x56: {  	s17 =	simm.s32 $0x1480;
	[sflag:s28] =	ssyncadd.s32 $0xFFFFC000  }
0x57: {  	[spmem:s2] =	stream.indirect.scatter.add.f32 [tilespmem:s25], [sflag:$0x3], $0x80, s17, s23, $0xb8;
	[tilespmem:$0x1E400] =	vst v63  }
0x58: {  	_ =	swait.ge [sflag:s21], $0x4000  }
0x59: {  	s4 =	simm.s32 $0x100;
	s16 =	simm.s32 $0x800;
	[sflag:s21] =	ssyncset.done $0x0  }
.LBB2_12:
0x5a: {  	s14 =	sadd.s32 $0x80, s4  }
0x5b: {  	[sflag:s21] =	ssyncadd.s32 $0xFFFFC000;
	s15 =	smov.u32 s16;
	s17 =	sadd.s32 $0x400, s16  }
0x5c: {  	[tilespmem:s25], [sflag:$0x2] =	stream.indirect.gather [hbm4b:s6+s23], $0x80, s14, s23, $0xb8;
	[tilespmem:$0x1E400] =	vst v63  }
0x5d: {  	p1 =	sne.s32 s16, $0x4800;
	_ =	swait.ge [sflag:s26], $0x4000  }
0x5e: {  	[sflag:s26] =	ssyncset.done $0x0  }
0x5f: {  	s14 =	sadd.s32 $0x1400, s4;
	[sflag:s26] =	ssyncadd.s32 $0xFFFFC000  }
0x60: {  	[spmem:s2] =	stream.indirect.scatter.add.f32 [tilespmem:s24], [sflag:$0x3], $0x80, s14, s23, $0xb8;
	[tilespmem:$0x1E400] =	vst v63  }
0x61: {  	_ =	swait.ge [sflag:s21], $0x4000  }
0x62: {  	[sflag:s21] =	ssyncset.done $0x0  }
0x63: {  	s14 =	sadd.s32 $0x100, s4;
	[sflag:s21] =	ssyncadd.s32 $0xFFFFC000  }
0x64: {  	[tilespmem:s24], [sflag:$0x1] =	stream.indirect.gather [hbm4b:s6+s23], $0x80, s14, s23, $0xb8;
	[tilespmem:$0x1E400] =	vst v63  }
0x65: {  	_ =	swait.ge [sflag:s28], $0x4000  }
.Ltmp3:
0x66: {  	[sflag:s28] =	ssyncset.done $0x0;
	(pc) =	sbr.rel @p1 .LBB2_12-.Ltmp3, $4  }
0x67: {  	s4 =	sadd.s32 $0x1480, s4;
	[sflag:s28] =	ssyncadd.s32 $0xFFFFC000  }
0x68: {  	[spmem:s2] =	stream.indirect.scatter.add.f32 [tilespmem:s25], [sflag:$0x3], $0x80, s4, s23, $0xb8;
	[tilespmem:$0x1E400] =	vst v63  }
0x69: {  	_ =	swait.ge [sflag:s21], $0x4000  }
0x6a: {  	s16 =	smov.u32 s17;
	s4 =	sshra.s32 s15, $0x2;
	[sflag:s21] =	ssyncset.done $0x0  }
0x6b: {  	s14 =	sadd.s32 $0x80, s4;
	[sflag:s21] =	ssyncadd.s32 $0xFFFFC000  }
0x6c: {  	[tilespmem:s25], [sflag:$0x2] =	stream.indirect.gather [hbm4b:s6+s23], $0x80, s14, s23, $0xb8;
	[tilespmem:$0x1E400] =	vst v63  }
0x6d: {  	_ =	swait.ge [sflag:s26], $0x4000  }
0x6e: {  	[sflag:s26] =	ssyncset.done $0x0  }
0x6f: {  	s17 =	sadd.s32 $0x1400, s4;
	[sflag:s26] =	ssyncadd.s32 $0xFFFFC000  }
0x70: {  	[spmem:s2] =	stream.indirect.scatter.add.f32 [tilespmem:s24], [sflag:$0x3], $0x80, s17, s23, $0xb8;
	[tilespmem:$0x1E400] =	vst v63  }
0x71: {  	_ =	swait.ge [sflag:s21], $0x4000  }
0x72: {  	[sflag:s21] =	ssyncset.done $0x0  }
0x73: {  	s15 =	sadd.s32 $0x100, s4;
	[sflag:s21] =	ssyncadd.s32 $0xFFFFC000  }
0x74: {  	[tilespmem:s24], [sflag:$0x1] =	stream.indirect.gather [hbm4b:s6+s23], $0x80, s15, s23, $0xb8;
	[tilespmem:$0x1E400] =	vst v63  }
0x75: {  	_ =	swait.ge [sflag:s28], $0x4000  }
0x76: {  	[sflag:s28] =	ssyncset.done $0x0  }
0x77: {  	s16 =	sadd.s32 $0x1480, s4;
	[sflag:s28] =	ssyncadd.s32 $0xFFFFC000  }
0x78: {  	[spmem:s2] =	stream.indirect.scatter.add.f32 [tilespmem:s25], [sflag:$0x3], $0x80, s16, s23, $0xb8;
	[tilespmem:$0x1E400] =	vst v63  }
0x79: {  	_ =	swait.ge [sflag:s21], $0x4000  }
0x7a: {  	[sflag:s21] =	ssyncset.done $0x0  }
0x7b: {  	[sflag:s21] =	ssyncadd.s32 $0xFFFFC000  }
0x7c: {  	[tilespmem:s25], [sflag:$0x2] =	stream.indirect.gather [hbm4b:s6+s23], $0x80, s29, s23, $0xb8;
	[tilespmem:$0x1E400] =	vst v63  }
0x7d: {  	_ =	swait.ge [sflag:s26], $0x4000  }
0x7e: {  	[sflag:s26] =	ssyncset.done $0x0  }
0x7f: {  	[sflag:s26] =	ssyncadd.s32 $0xFFFFC000  }
0x80: {  	[spmem:s2] =	stream.indirect.scatter.add.f32 [tilespmem:s24], [sflag:$0x3], $0x80, s30, s23, $0xb8;
	[tilespmem:$0x1E400] =	vst v63  }
0x81: {  	_ =	swait.ge [sflag:s21], $0x4000  }
0x82: {  	[sflag:s21] =	ssyncset.done $0x0  }
0x83: {  	[sflag:s21] =	ssyncadd.s32 $0xFFFFC000  }
0x84: {  	_ =	swait.ge [sflag:s28], $0x4000  }
0x85: {  	[sflag:s28] =	ssyncset.done $0x0  }
0x86: {  	[sflag:s28] =	ssyncadd.s32 $0xFFFFC000  }
0x87: {  	[spmem:s2] =	stream.indirect.scatter.add.f32 [tilespmem:s25], [sflag:$0x3], $0x80, s31, s23, $0xb8;
	[tilespmem:$0x1E400] =	vst v63  }
0x88: {  	_ =	swait.ge [sflag:s21], $0x4000  }
0x89: {  	[sflag:s21] =	ssyncset.done $0x0  }
0x8a: {  	s17 =	simm.s32 $0x0;
	[sflag:s21] =	ssyncadd.s32 $0xFFFFC000  }
0x8b: {  	[tilespmem:s17], [sflag:$0x3] =	stream.linear.gather [hbm4b:s12+s17], $0x1400, $0x38;
	[tilespmem:$0x1E400] =	vst v63  }
0x8c: {  	_ =	swait.ge [sflag:s21], $0x1400  }
0x8d: {  	[sflag:s21] =	ssyncset.done $0x0  }
0x8e: {  	[sflag:s21] =	ssyncadd.s32 $0xFFFFEC00  }
0x8f: {  	[tilespmem:s22], [sflag:$0x3] =	stream.linear.gather [hbm4b:s13+s17], $0x1400, $0x38;
	[tilespmem:$0x1E400] =	vst v63  }
0x90: {  	_ =	swait.ge [sflag:s21], $0x1400  }
0x91: {  	[sflag:s21] =	ssyncset.done $0x0  }
0x92: {  	[sflag:s21] =	ssyncadd.s32 $0xFFFFEC00  }
0x93: {  	[tilespmem:s24], [sflag:$0x1] =	stream.indirect.gather [hbm4b:s6+s23], $0x80, s17, s23, $0xb8;
	[tilespmem:$0x1E400] =	vst v63  }
0x94: {  	s14 =	simm.s32 $0x80  }
0x95: {  	[tilespmem:s25], [sflag:$0x2] =	stream.indirect.gather [hbm4b:s6+s23], $0x80, s14, s23, $0xb8;
	[tilespmem:$0x1E400] =	vst v63  }
0x96: {  	_ =	swait.ge [sflag:s26], $0x4000  }
0x97: {  	[sflag:s26] =	ssyncset.done $0x0  }
0x98: {  	s15 =	simm.s32 $0x1400;
	[sflag:s26] =	ssyncadd.s32 $0xFFFFC000  }
0x99: {  	[spmem:s2] =	stream.indirect.scatter.add.f32 [tilespmem:s24], [sflag:$0x3], $0x80, s15, s23, $0xb8;
	[tilespmem:$0x1E400] =	vst v63  }
0x9a: {  	_ =	swait.ge [sflag:s21], $0x4000  }
0x9b: {  	[sflag:s21] =	ssyncset.done $0x0  }
0x9c: {  	s16 =	simm.s32 $0x100;
	[sflag:s21] =	ssyncadd.s32 $0xFFFFC000  }
0x9d: {  	[tilespmem:s24], [sflag:$0x1] =	stream.indirect.gather [hbm4b:s6+s23], $0x80, s16, s23, $0xb8;
	[tilespmem:$0x1E400] =	vst v63  }
0x9e: {  	_ =	swait.ge [sflag:s28], $0x4000  }
0x9f: {  	[sflag:s28] =	ssyncset.done $0x0  }
0xa0: {  	s17 =	simm.s32 $0x1480;
	[sflag:s28] =	ssyncadd.s32 $0xFFFFC000  }
0xa1: {  	[spmem:s2] =	stream.indirect.scatter.add.f32 [tilespmem:s25], [sflag:$0x3], $0x80, s17, s23, $0xb8;
	[tilespmem:$0x1E400] =	vst v63  }
0xa2: {  	_ =	swait.ge [sflag:s21], $0x4000  }
0xa3: {  	s4 =	simm.s32 $0x100;
	s16 =	simm.s32 $0x800;
	[sflag:s21] =	ssyncset.done $0x0  }
.LBB2_14:
0xa4: {  	s14 =	sadd.s32 $0x80, s4  }
0xa5: {  	[sflag:s21] =	ssyncadd.s32 $0xFFFFC000;
	s15 =	smov.u32 s16;
	s17 =	sadd.s32 $0x400, s16  }
0xa6: {  	[tilespmem:s25], [sflag:$0x2] =	stream.indirect.gather [hbm4b:s6+s23], $0x80, s14, s23, $0xb8;
	[tilespmem:$0x1E400] =	vst v63  }
0xa7: {  	p1 =	sne.s32 s16, $0x4800;
	_ =	swait.ge [sflag:s26], $0x4000  }
0xa8: {  	[sflag:s26] =	ssyncset.done $0x0  }
0xa9: {  	s14 =	sadd.s32 $0x1400, s4;
	[sflag:s26] =	ssyncadd.s32 $0xFFFFC000  }
0xaa: {  	[spmem:s2] =	stream.indirect.scatter.add.f32 [tilespmem:s24], [sflag:$0x3], $0x80, s14, s23, $0xb8;
	[tilespmem:$0x1E400] =	vst v63  }
0xab: {  	_ =	swait.ge [sflag:s21], $0x4000  }
0xac: {  	[sflag:s21] =	ssyncset.done $0x0  }
0xad: {  	s14 =	sadd.s32 $0x100, s4;
	[sflag:s21] =	ssyncadd.s32 $0xFFFFC000  }
0xae: {  	[tilespmem:s24], [sflag:$0x1] =	stream.indirect.gather [hbm4b:s6+s23], $0x80, s14, s23, $0xb8;
	[tilespmem:$0x1E400] =	vst v63  }
0xaf: {  	_ =	swait.ge [sflag:s28], $0x4000  }
.Ltmp4:
0xb0: {  	[sflag:s28] =	ssyncset.done $0x0;
	(pc) =	sbr.rel @p1 .LBB2_14-.Ltmp4, $4  }
0xb1: {  	s4 =	sadd.s32 $0x1480, s4;
	[sflag:s28] =	ssyncadd.s32 $0xFFFFC000  }
0xb2: {  	[spmem:s2] =	stream.indirect.scatter.add.f32 [tilespmem:s25], [sflag:$0x3], $0x80, s4, s23, $0xb8;
	[tilespmem:$0x1E400] =	vst v63  }
0xb3: {  	_ =	swait.ge [sflag:s21], $0x4000  }
0xb4: {  	s16 =	smov.u32 s17;
	s4 =	sshra.s32 s15, $0x2;
	[sflag:s21] =	ssyncset.done $0x0  }
0xb5: {  	s14 =	sadd.s32 $0x80, s4;
	[sflag:s21] =	ssyncadd.s32 $0xFFFFC000  }
0xb6: {  	[tilespmem:s25], [sflag:$0x2] =	stream.indirect.gather [hbm4b:s6+s23], $0x80, s14, s23, $0xb8;
	[tilespmem:$0x1E400] =	vst v63  }
0xb7: {  	_ =	swait.ge [sflag:s26], $0x4000  }
0xb8: {  	[sflag:s26] =	ssyncset.done $0x0  }
0xb9: {  	s16 =	sadd.s32 $0x1400, s4;
	[sflag:s26] =	ssyncadd.s32 $0xFFFFC000  }
0xba: {  	[spmem:s2] =	stream.indirect.scatter.add.f32 [tilespmem:s24], [sflag:$0x3], $0x80, s16, s23, $0xb8;
	[tilespmem:$0x1E400] =	vst v63  }
0xbb: {  	_ =	swait.ge [sflag:s21], $0x4000  }
0xbc: {  	[sflag:s21] =	ssyncset.done $0x0  }
0xbd: {  	s17 =	sadd.s32 $0x100, s4;
	[sflag:s21] =	ssyncadd.s32 $0xFFFFC000  }
0xbe: {  	[tilespmem:s24], [sflag:$0x1] =	stream.indirect.gather [hbm4b:s6+s23], $0x80, s17, s23, $0xb8;
	[tilespmem:$0x1E400] =	vst v63  }
0xbf: {  	_ =	swait.ge [sflag:s28], $0x4000  }
0xc0: {  	[sflag:s28] =	ssyncset.done $0x0  }
0xc1: {  	s15 =	sadd.s32 $0x1480, s4;
	[sflag:s28] =	ssyncadd.s32 $0xFFFFC000  }
0xc2: {  	[spmem:s2] =	stream.indirect.scatter.add.f32 [tilespmem:s25], [sflag:$0x3], $0x80, s15, s23, $0xb8;
	[tilespmem:$0x1E400] =	vst v63  }
0xc3: {  	_ =	swait.ge [sflag:s21], $0x4000  }
0xc4: {  	[sflag:s21] =	ssyncset.done $0x0  }
0xc5: {  	[sflag:s21] =	ssyncadd.s32 $0xFFFFC000  }
0xc6: {  	[tilespmem:s25], [sflag:$0x2] =	stream.indirect.gather [hbm4b:s6+s23], $0x80, s29, s23, $0xb8;
	[tilespmem:$0x1E400] =	vst v63  }
0xc7: {  	_ =	swait.ge [sflag:s26], $0x4000  }
0xc8: {  	[sflag:s26] =	ssyncset.done $0x0  }
0xc9: {  	[sflag:s26] =	ssyncadd.s32 $0xFFFFC000  }
0xca: {  	[spmem:s2] =	stream.indirect.scatter.add.f32 [tilespmem:s24], [sflag:$0x3], $0x80, s30, s23, $0xb8;
	[tilespmem:$0x1E400] =	vst v63  }
0xcb: {  	_ =	swait.ge [sflag:s21], $0x4000  }
0xcc: {  	[sflag:s21] =	ssyncset.done $0x0  }
0xcd: {  	[sflag:s21] =	ssyncadd.s32 $0xFFFFC000  }
0xce: {  	_ =	swait.ge [sflag:s28], $0x4000  }
0xcf: {  	[sflag:s28] =	ssyncset.done $0x0  }
0xd0: {  	[sflag:s28] =	ssyncadd.s32 $0xFFFFC000  }
0xd1: {  	[spmem:s2] =	stream.indirect.scatter.add.f32 [tilespmem:s25], [sflag:$0x3], $0x80, s31, s23, $0xb8;
	[tilespmem:$0x1E400] =	vst v63  }
0xd2: {  	_ =	swait.ge [sflag:s21], $0x4000  }
0xd3: {  	[sflag:s21] =	ssyncset.done $0x0  }
0xd4: {  	[sflag:s21] =	ssyncadd.s32 $0xFFFFC000  }
0xd5: {  	[bflag:$0x0] =	sbarrier.arrive $0xFFFF  }
0xd6: {  	s16 =	rddreg [dreg:$0x7]  }
0xd7: {  	[hbm:s16], [sflag:s19] =	dma.local [spmem:s20], $0x2780  }
0xd8: {  	_ =	swait.ge [sflag:s21], $0x2780  }
0xd9: {  	[sflag:s21] =	ssyncset.done $0x0  }
0xda: {  	[sflag:s21] =	ssyncadd.s32 $0xFFFFD880  }
0xdb: {  	[bflag:$0x0] =	sbarrier.arrive $0xFFFF  }
0xdc: {  	[spmem:s20], [sflag:s19] =	dma.local [hbm:s9], $0x2780  }
0xdd: {  	_ =	swait.ge [sflag:s21], $0x2780  }
0xde: {  	[sflag:s21] =	ssyncset.done $0x0  }
0xdf: {  	[sflag:s21] =	ssyncadd.s32 $0xFFFFD880  }
0xe0: {  	s17 =	simm.s32 $0x0;
	[bflag:$0x0] =	sbarrier.arrive $0xFFFF  }
0xe1: {  	[tilespmem:s17], [sflag:$0x3] =	stream.linear.gather [hbm4b:s10+s17], $0x1400, $0x38;
	[tilespmem:$0x1E400] =	vst v63  }
0xe2: {  	_ =	swait.ge [sflag:s21], $0x1400  }
0xe3: {  	[sflag:s21] =	ssyncset.done $0x0  }
0xe4: {  	[sflag:s21] =	ssyncadd.s32 $0xFFFFEC00  }
0xe5: {  	[tilespmem:s22], [sflag:$0x3] =	stream.linear.gather [hbm4b:s11+s17], $0x1400, $0x38;
	[tilespmem:$0x1E400] =	vst v63  }
0xe6: {  	_ =	swait.ge [sflag:s21], $0x1400  }
0xe7: {  	[sflag:s21] =	ssyncset.done $0x0  }
0xe8: {  	[sflag:s21] =	ssyncadd.s32 $0xFFFFEC00  }
0xe9: {  	[tilespmem:s24], [sflag:$0x1] =	stream.indirect.gather [hbm4b:s1+s23], $0x80, s17, s23, $0xb8;
	[tilespmem:$0x1E400] =	vst v63  }
0xea: {  	s14 =	simm.s32 $0x80  }
0xeb: {  	[tilespmem:s25], [sflag:$0x2] =	stream.indirect.gather [hbm4b:s1+s23], $0x80, s14, s23, $0xb8;
	[tilespmem:$0x1E400] =	vst v63  }
0xec: {  	_ =	swait.ge [sflag:s26], $0x4000  }
0xed: {  	[sflag:s26] =	ssyncset.done $0x0  }
0xee: {  	s15 =	simm.s32 $0x1400;
	[sflag:s26] =	ssyncadd.s32 $0xFFFFC000  }
0xef: {  	[spmem:s2] =	stream.indirect.scatter.add.f32 [tilespmem:s24], [sflag:$0x3], $0x80, s15, s23, $0xb8;
	[tilespmem:$0x1E400] =	vst v63  }
0xf0: {  	_ =	swait.ge [sflag:s21], $0x4000  }
0xf1: {  	[sflag:s21] =	ssyncset.done $0x0  }
0xf2: {  	s16 =	simm.s32 $0x100;
	[sflag:s21] =	ssyncadd.s32 $0xFFFFC000  }
0xf3: {  	[tilespmem:s24], [sflag:$0x1] =	stream.indirect.gather [hbm4b:s1+s23], $0x80, s16, s23, $0xb8;
	[tilespmem:$0x1E400] =	vst v63  }
0xf4: {  	_ =	swait.ge [sflag:s28], $0x4000  }
0xf5: {  	[sflag:s28] =	ssyncset.done $0x0  }
0xf6: {  	s17 =	simm.s32 $0x1480;
	[sflag:s28] =	ssyncadd.s32 $0xFFFFC000  }
0xf7: {  	[spmem:s2] =	stream.indirect.scatter.add.f32 [tilespmem:s25], [sflag:$0x3], $0x80, s17, s23, $0xb8;
	[tilespmem:$0x1E400] =	vst v63  }
0xf8: {  	_ =	swait.ge [sflag:s21], $0x4000  }
0xf9: {  	s4 =	simm.s32 $0x100;
	s16 =	simm.s32 $0x800;
	[sflag:s21] =	ssyncset.done $0x0  }
.LBB2_16:
0xfa: {  	s14 =	sadd.s32 $0x80, s4  }
0xfb: {  	[sflag:s21] =	ssyncadd.s32 $0xFFFFC000;
	s15 =	smov.u32 s16;
	s17 =	sadd.s32 $0x400, s16  }
0xfc: {  	[tilespmem:s25], [sflag:$0x2] =	stream.indirect.gather [hbm4b:s1+s23], $0x80, s14, s23, $0xb8;
	[tilespmem:$0x1E400] =	vst v63  }
0xfd: {  	p1 =	sne.s32 s16, $0x4800;
	_ =	swait.ge [sflag:s26], $0x4000  }
0xfe: {  	[sflag:s26] =	ssyncset.done $0x0  }
0xff: {  	s14 =	sadd.s32 $0x1400, s4;
	[sflag:s26] =	ssyncadd.s32 $0xFFFFC000  }
0x100: {  	[spmem:s2] =	stream.indirect.scatter.add.f32 [tilespmem:s24], [sflag:$0x3], $0x80, s14, s23, $0xb8;
	[tilespmem:$0x1E400] =	vst v63  }
0x101: {  	_ =	swait.ge [sflag:s21], $0x4000  }
0x102: {  	[sflag:s21] =	ssyncset.done $0x0  }
0x103: {  	s14 =	sadd.s32 $0x100, s4;
	[sflag:s21] =	ssyncadd.s32 $0xFFFFC000  }
0x104: {  	[tilespmem:s24], [sflag:$0x1] =	stream.indirect.gather [hbm4b:s1+s23], $0x80, s14, s23, $0xb8;
	[tilespmem:$0x1E400] =	vst v63  }
0x105: {  	_ =	swait.ge [sflag:s28], $0x4000  }
.Ltmp5:
0x106: {  	[sflag:s28] =	ssyncset.done $0x0;
	(pc) =	sbr.rel @p1 .LBB2_16-.Ltmp5, $4  }
0x107: {  	s4 =	sadd.s32 $0x1480, s4;
	[sflag:s28] =	ssyncadd.s32 $0xFFFFC000  }
0x108: {  	[spmem:s2] =	stream.indirect.scatter.add.f32 [tilespmem:s25], [sflag:$0x3], $0x80, s4, s23, $0xb8;
	[tilespmem:$0x1E400] =	vst v63  }
0x109: {  	_ =	swait.ge [sflag:s21], $0x4000  }
0x10a: {  	s16 =	smov.u32 s17;
	s4 =	sshra.s32 s15, $0x2;
	[sflag:s21] =	ssyncset.done $0x0  }
0x10b: {  	s14 =	sadd.s32 $0x80, s4;
	[sflag:s21] =	ssyncadd.s32 $0xFFFFC000  }
0x10c: {  	[tilespmem:s25], [sflag:$0x2] =	stream.indirect.gather [hbm4b:s1+s23], $0x80, s14, s23, $0xb8;
	[tilespmem:$0x1E400] =	vst v63  }
0x10d: {  	_ =	swait.ge [sflag:s26], $0x4000  }
0x10e: {  	[sflag:s26] =	ssyncset.done $0x0  }
0x10f: {  	s17 =	sadd.s32 $0x1400, s4;
	[sflag:s26] =	ssyncadd.s32 $0xFFFFC000  }
0x110: {  	[spmem:s2] =	stream.indirect.scatter.add.f32 [tilespmem:s24], [sflag:$0x3], $0x80, s17, s23, $0xb8;
	[tilespmem:$0x1E400] =	vst v63  }
0x111: {  	_ =	swait.ge [sflag:s21], $0x4000  }
0x112: {  	[sflag:s21] =	ssyncset.done $0x0  }
0x113: {  	s15 =	sadd.s32 $0x100, s4;
	[sflag:s21] =	ssyncadd.s32 $0xFFFFC000  }
0x114: {  	[tilespmem:s24], [sflag:$0x1] =	stream.indirect.gather [hbm4b:s1+s23], $0x80, s15, s23, $0xb8;
	[tilespmem:$0x1E400] =	vst v63  }
0x115: {  	_ =	swait.ge [sflag:s28], $0x4000  }
0x116: {  	[sflag:s28] =	ssyncset.done $0x0  }
0x117: {  	s16 =	sadd.s32 $0x1480, s4;
	[sflag:s28] =	ssyncadd.s32 $0xFFFFC000  }
0x118: {  	[spmem:s2] =	stream.indirect.scatter.add.f32 [tilespmem:s25], [sflag:$0x3], $0x80, s16, s23, $0xb8;
	[tilespmem:$0x1E400] =	vst v63  }
0x119: {  	_ =	swait.ge [sflag:s21], $0x4000  }
0x11a: {  	[sflag:s21] =	ssyncset.done $0x0  }
0x11b: {  	[sflag:s21] =	ssyncadd.s32 $0xFFFFC000  }
0x11c: {  	[tilespmem:s25], [sflag:$0x2] =	stream.indirect.gather [hbm4b:s1+s23], $0x80, s29, s23, $0xb8;
	[tilespmem:$0x1E400] =	vst v63  }
0x11d: {  	_ =	swait.ge [sflag:s26], $0x4000  }
0x11e: {  	[sflag:s26] =	ssyncset.done $0x0  }
0x11f: {  	[sflag:s26] =	ssyncadd.s32 $0xFFFFC000  }
0x120: {  	[spmem:s2] =	stream.indirect.scatter.add.f32 [tilespmem:s24], [sflag:$0x3], $0x80, s30, s23, $0xb8;
	[tilespmem:$0x1E400] =	vst v63  }
0x121: {  	_ =	swait.ge [sflag:s21], $0x4000  }
0x122: {  	[sflag:s21] =	ssyncset.done $0x0  }
0x123: {  	[sflag:s21] =	ssyncadd.s32 $0xFFFFC000  }
0x124: {  	_ =	swait.ge [sflag:s28], $0x4000  }
0x125: {  	[sflag:s28] =	ssyncset.done $0x0  }
0x126: {  	[sflag:s28] =	ssyncadd.s32 $0xFFFFC000  }
0x127: {  	[spmem:s2] =	stream.indirect.scatter.add.f32 [tilespmem:s25], [sflag:$0x3], $0x80, s31, s23, $0xb8;
	[tilespmem:$0x1E400] =	vst v63  }
0x128: {  	_ =	swait.ge [sflag:s21], $0x4000  }
0x129: {  	[sflag:s21] =	ssyncset.done $0x0  }
0x12a: {  	s17 =	simm.s32 $0x0;
	[sflag:s21] =	ssyncadd.s32 $0xFFFFC000  }
0x12b: {  	[tilespmem:s17], [sflag:$0x3] =	stream.linear.gather [hbm4b:s12+s17], $0x1400, $0x38;
	[tilespmem:$0x1E400] =	vst v63  }
0x12c: {  	_ =	swait.ge [sflag:s21], $0x1400  }
0x12d: {  	[sflag:s21] =	ssyncset.done $0x0  }
0x12e: {  	[sflag:s21] =	ssyncadd.s32 $0xFFFFEC00  }
0x12f: {  	[tilespmem:s22], [sflag:$0x3] =	stream.linear.gather [hbm4b:s13+s17], $0x1400, $0x38;
	[tilespmem:$0x1E400] =	vst v63  }
0x130: {  	_ =	swait.ge [sflag:s21], $0x1400  }
0x131: {  	[sflag:s21] =	ssyncset.done $0x0  }
0x132: {  	[sflag:s21] =	ssyncadd.s32 $0xFFFFEC00  }
0x133: {  	[tilespmem:s24], [sflag:$0x1] =	stream.indirect.gather [hbm4b:s1+s23], $0x80, s17, s23, $0xb8;
	[tilespmem:$0x1E400] =	vst v63  }
0x134: {  	s14 =	simm.s32 $0x80  }
0x135: {  	[tilespmem:s25], [sflag:$0x2] =	stream.indirect.gather [hbm4b:s1+s23], $0x80, s14, s23, $0xb8;
	[tilespmem:$0x1E400] =	vst v63  }
0x136: {  	_ =	swait.ge [sflag:s26], $0x4000  }
0x137: {  	[sflag:s26] =	ssyncset.done $0x0  }
0x138: {  	s15 =	simm.s32 $0x1400;
	[sflag:s26] =	ssyncadd.s32 $0xFFFFC000  }
0x139: {  	[spmem:s2] =	stream.indirect.scatter.add.f32 [tilespmem:s24], [sflag:$0x3], $0x80, s15, s23, $0xb8;
	[tilespmem:$0x1E400] =	vst v63  }
0x13a: {  	_ =	swait.ge [sflag:s21], $0x4000  }
0x13b: {  	[sflag:s21] =	ssyncset.done $0x0  }
0x13c: {  	s16 =	simm.s32 $0x100;
	[sflag:s21] =	ssyncadd.s32 $0xFFFFC000  }
0x13d: {  	[tilespmem:s24], [sflag:$0x1] =	stream.indirect.gather [hbm4b:s1+s23], $0x80, s16, s23, $0xb8;
	[tilespmem:$0x1E400] =	vst v63  }
0x13e: {  	_ =	swait.ge [sflag:s28], $0x4000  }
0x13f: {  	[sflag:s28] =	ssyncset.done $0x0  }
0x140: {  	s17 =	simm.s32 $0x1480;
	[sflag:s28] =	ssyncadd.s32 $0xFFFFC000  }
0x141: {  	[spmem:s2] =	stream.indirect.scatter.add.f32 [tilespmem:s25], [sflag:$0x3], $0x80, s17, s23, $0xb8;
	[tilespmem:$0x1E400] =	vst v63  }
0x142: {  	_ =	swait.ge [sflag:s21], $0x4000  }
0x143: {  	s4 =	simm.s32 $0x100;
	s16 =	simm.s32 $0x800;
	[sflag:s21] =	ssyncset.done $0x0  }
.LBB2_18:
0x144: {  	s14 =	sadd.s32 $0x80, s4  }
0x145: {  	[sflag:s21] =	ssyncadd.s32 $0xFFFFC000;
	s15 =	smov.u32 s16;
	s17 =	sadd.s32 $0x400, s16  }
0x146: {  	[tilespmem:s25], [sflag:$0x2] =	stream.indirect.gather [hbm4b:s1+s23], $0x80, s14, s23, $0xb8;
	[tilespmem:$0x1E400] =	vst v63  }
0x147: {  	p1 =	sne.s32 s16, $0x4800;
	_ =	swait.ge [sflag:s26], $0x4000  }
0x148: {  	[sflag:s26] =	ssyncset.done $0x0  }
0x149: {  	s14 =	sadd.s32 $0x1400, s4;
	[sflag:s26] =	ssyncadd.s32 $0xFFFFC000  }
0x14a: {  	[spmem:s2] =	stream.indirect.scatter.add.f32 [tilespmem:s24], [sflag:$0x3], $0x80, s14, s23, $0xb8;
	[tilespmem:$0x1E400] =	vst v63  }
0x14b: {  	_ =	swait.ge [sflag:s21], $0x4000  }
0x14c: {  	[sflag:s21] =	ssyncset.done $0x0  }
0x14d: {  	s14 =	sadd.s32 $0x100, s4;
	[sflag:s21] =	ssyncadd.s32 $0xFFFFC000  }
0x14e: {  	[tilespmem:s24], [sflag:$0x1] =	stream.indirect.gather [hbm4b:s1+s23], $0x80, s14, s23, $0xb8;
	[tilespmem:$0x1E400] =	vst v63  }
0x14f: {  	_ =	swait.ge [sflag:s28], $0x4000  }
.Ltmp6:
0x150: {  	[sflag:s28] =	ssyncset.done $0x0;
	(pc) =	sbr.rel @p1 .LBB2_18-.Ltmp6, $4  }
0x151: {  	s4 =	sadd.s32 $0x1480, s4;
	[sflag:s28] =	ssyncadd.s32 $0xFFFFC000  }
0x152: {  	[spmem:s2] =	stream.indirect.scatter.add.f32 [tilespmem:s25], [sflag:$0x3], $0x80, s4, s23, $0xb8;
	[tilespmem:$0x1E400] =	vst v63  }
0x153: {  	_ =	swait.ge [sflag:s21], $0x4000  }
0x154: {  	s16 =	smov.u32 s17;
	s4 =	sshra.s32 s15, $0x2;
	[sflag:s21] =	ssyncset.done $0x0  }
.Ltmp7:
0x155: {  	_ = 	snop;
	(pc) =	sbr.rel .LBB2_19-.Ltmp7, $1  }
0x156: {  	_ =	sdelay $0x3  }
.LBB2_2:
0x157: {  	[tilespmem:s24], [sflag:$0x1] =	stream.indirect.gather [hbm4b:s5+s23], $0x80, s4, s23, $0xb8;
	[tilespmem:$0x1E400] =	vst v63  }
0x158: {  	s14 =	simm.s32 $0x80  }
0x159: {  	[tilespmem:s25], [sflag:$0x2] =	stream.indirect.gather [hbm4b:s5+s23], $0x80, s14, s23, $0xb8;
	[tilespmem:$0x1E400] =	vst v63  }
0x15a: {  	_ =	swait.ge [sflag:s26], $0x4000  }
0x15b: {  	[sflag:s26] =	ssyncset.done $0x0  }
0x15c: {  	s15 =	simm.s32 $0x1400;
	[sflag:s26] =	ssyncadd.s32 $0xFFFFC000  }
0x15d: {  	[spmem:s2] =	stream.indirect.scatter.add.f32 [tilespmem:s24], [sflag:$0x3], $0x80, s15, s23, $0xb8;
	[tilespmem:$0x1E400] =	vst v63  }
0x15e: {  	_ =	swait.ge [sflag:s21], $0x4000  }
0x15f: {  	[sflag:s21] =	ssyncset.done $0x0  }
0x160: {  	s16 =	simm.s32 $0x100;
	[sflag:s21] =	ssyncadd.s32 $0xFFFFC000  }
0x161: {  	[tilespmem:s24], [sflag:$0x1] =	stream.indirect.gather [hbm4b:s5+s23], $0x80, s16, s23, $0xb8;
	[tilespmem:$0x1E400] =	vst v63  }
0x162: {  	_ =	swait.ge [sflag:s28], $0x4000  }
0x163: {  	[sflag:s28] =	ssyncset.done $0x0  }
0x164: {  	s17 =	simm.s32 $0x1480;
	[sflag:s28] =	ssyncadd.s32 $0xFFFFC000  }
0x165: {  	[spmem:s2] =	stream.indirect.scatter.add.f32 [tilespmem:s25], [sflag:$0x3], $0x80, s17, s23, $0xb8;
	[tilespmem:$0x1E400] =	vst v63  }
0x166: {  	_ =	swait.ge [sflag:s21], $0x4000  }
0x167: {  	s4 =	simm.s32 $0x100;
	s16 =	simm.s32 $0x800;
	[sflag:s21] =	ssyncset.done $0x0  }
.LBB2_3:
0x168: {  	s15 =	sadd.s32 $0x80, s4  }
0x169: {  	[sflag:s21] =	ssyncadd.s32 $0xFFFFC000;
	s17 =	smov.u32 s16;
	s14 =	sadd.s32 $0x400, s16  }
0x16a: {  	[tilespmem:s25], [sflag:$0x2] =	stream.indirect.gather [hbm4b:s5+s23], $0x80, s15, s23, $0xb8;
	[tilespmem:$0x1E400] =	vst v63  }
0x16b: {  	p1 =	sne.s32 s16, $0x4800;
	_ =	swait.ge [sflag:s26], $0x4000  }
0x16c: {  	[sflag:s26] =	ssyncset.done $0x0  }
0x16d: {  	s15 =	sadd.s32 $0x1400, s4;
	[sflag:s26] =	ssyncadd.s32 $0xFFFFC000  }
0x16e: {  	[spmem:s2] =	stream.indirect.scatter.add.f32 [tilespmem:s24], [sflag:$0x3], $0x80, s15, s23, $0xb8;
	[tilespmem:$0x1E400] =	vst v63  }
0x16f: {  	_ =	swait.ge [sflag:s21], $0x4000  }
0x170: {  	[sflag:s21] =	ssyncset.done $0x0  }
0x171: {  	s15 =	sadd.s32 $0x100, s4;
	[sflag:s21] =	ssyncadd.s32 $0xFFFFC000  }
0x172: {  	[tilespmem:s24], [sflag:$0x1] =	stream.indirect.gather [hbm4b:s5+s23], $0x80, s15, s23, $0xb8;
	[tilespmem:$0x1E400] =	vst v63  }
0x173: {  	_ =	swait.ge [sflag:s28], $0x4000  }
.Ltmp8:
0x174: {  	[sflag:s28] =	ssyncset.done $0x0;
	(pc) =	sbr.rel @p1 .LBB2_3-.Ltmp8, $4  }
0x175: {  	s4 =	sadd.s32 $0x1480, s4;
	[sflag:s28] =	ssyncadd.s32 $0xFFFFC000  }
0x176: {  	[spmem:s2] =	stream.indirect.scatter.add.f32 [tilespmem:s25], [sflag:$0x3], $0x80, s4, s23, $0xb8;
	[tilespmem:$0x1E400] =	vst v63  }
0x177: {  	_ =	swait.ge [sflag:s21], $0x4000  }
0x178: {  	s16 =	smov.u32 s14;
	s4 =	sshra.s32 s17, $0x2;
	[sflag:s21] =	ssyncset.done $0x0  }
0x179: {  	s14 =	sadd.s32 $0x80, s4;
	[sflag:s21] =	ssyncadd.s32 $0xFFFFC000  }
0x17a: {  	[tilespmem:s25], [sflag:$0x2] =	stream.indirect.gather [hbm4b:s5+s23], $0x80, s14, s23, $0xb8;
	[tilespmem:$0x1E400] =	vst v63  }
0x17b: {  	_ =	swait.ge [sflag:s26], $0x4000  }
0x17c: {  	[sflag:s26] =	ssyncset.done $0x0  }
0x17d: {  	s17 =	sadd.s32 $0x1400, s4;
	[sflag:s26] =	ssyncadd.s32 $0xFFFFC000  }
0x17e: {  	[spmem:s2] =	stream.indirect.scatter.add.f32 [tilespmem:s24], [sflag:$0x3], $0x80, s17, s23, $0xb8;
	[tilespmem:$0x1E400] =	vst v63  }
0x17f: {  	_ =	swait.ge [sflag:s21], $0x4000  }
0x180: {  	[sflag:s21] =	ssyncset.done $0x0  }
0x181: {  	s15 =	sadd.s32 $0x100, s4;
	[sflag:s21] =	ssyncadd.s32 $0xFFFFC000  }
0x182: {  	[tilespmem:s24], [sflag:$0x1] =	stream.indirect.gather [hbm4b:s5+s23], $0x80, s15, s23, $0xb8;
	[tilespmem:$0x1E400] =	vst v63  }
0x183: {  	_ =	swait.ge [sflag:s28], $0x4000  }
0x184: {  	[sflag:s28] =	ssyncset.done $0x0  }
0x185: {  	s16 =	sadd.s32 $0x1480, s4;
	[sflag:s28] =	ssyncadd.s32 $0xFFFFC000  }
0x186: {  	[spmem:s2] =	stream.indirect.scatter.add.f32 [tilespmem:s25], [sflag:$0x3], $0x80, s16, s23, $0xb8;
	[tilespmem:$0x1E400] =	vst v63  }
0x187: {  	_ =	swait.ge [sflag:s21], $0x4000  }
0x188: {  	[sflag:s21] =	ssyncset.done $0x0  }
0x189: {  	[sflag:s21] =	ssyncadd.s32 $0xFFFFC000  }
0x18a: {  	[tilespmem:s25], [sflag:$0x2] =	stream.indirect.gather [hbm4b:s5+s23], $0x80, s29, s23, $0xb8;
	[tilespmem:$0x1E400] =	vst v63  }
0x18b: {  	_ =	swait.ge [sflag:s26], $0x4000  }
0x18c: {  	[sflag:s26] =	ssyncset.done $0x0  }
0x18d: {  	[sflag:s26] =	ssyncadd.s32 $0xFFFFC000  }
0x18e: {  	[spmem:s2] =	stream.indirect.scatter.add.f32 [tilespmem:s24], [sflag:$0x3], $0x80, s30, s23, $0xb8;
	[tilespmem:$0x1E400] =	vst v63  }
0x18f: {  	_ =	swait.ge [sflag:s21], $0x4000  }
0x190: {  	[sflag:s21] =	ssyncset.done $0x0  }
0x191: {  	[sflag:s21] =	ssyncadd.s32 $0xFFFFC000  }
0x192: {  	_ =	swait.ge [sflag:s28], $0x4000  }
0x193: {  	[sflag:s28] =	ssyncset.done $0x0  }
0x194: {  	[sflag:s28] =	ssyncadd.s32 $0xFFFFC000  }
0x195: {  	[spmem:s2] =	stream.indirect.scatter.add.f32 [tilespmem:s25], [sflag:$0x3], $0x80, s31, s23, $0xb8;
	[tilespmem:$0x1E400] =	vst v63  }
0x196: {  	_ =	swait.ge [sflag:s21], $0x4000  }
0x197: {  	[sflag:s21] =	ssyncset.done $0x0  }
0x198: {  	s17 =	simm.s32 $0x0;
	[sflag:s21] =	ssyncadd.s32 $0xFFFFC000  }
0x199: {  	[tilespmem:s17], [sflag:$0x3] =	stream.linear.gather [hbm4b:s12+s17], $0x1400, $0x38;
	[tilespmem:$0x1E400] =	vst v63  }
0x19a: {  	_ =	swait.ge [sflag:s21], $0x1400  }
0x19b: {  	[sflag:s21] =	ssyncset.done $0x0  }
0x19c: {  	[sflag:s21] =	ssyncadd.s32 $0xFFFFEC00  }
0x19d: {  	[tilespmem:s22], [sflag:$0x3] =	stream.linear.gather [hbm4b:s13+s17], $0x1400, $0x38;
	[tilespmem:$0x1E400] =	vst v63  }
0x19e: {  	_ =	swait.ge [sflag:s21], $0x1400  }
0x19f: {  	[sflag:s21] =	ssyncset.done $0x0  }
0x1a0: {  	[sflag:s21] =	ssyncadd.s32 $0xFFFFEC00  }
0x1a1: {  	[tilespmem:s24], [sflag:$0x1] =	stream.indirect.gather [hbm4b:s5+s23], $0x80, s17, s23, $0xb8;
	[tilespmem:$0x1E400] =	vst v63  }
0x1a2: {  	s14 =	simm.s32 $0x80  }
0x1a3: {  	[tilespmem:s25], [sflag:$0x2] =	stream.indirect.gather [hbm4b:s5+s23], $0x80, s14, s23, $0xb8;
	[tilespmem:$0x1E400] =	vst v63  }
0x1a4: {  	_ =	swait.ge [sflag:s26], $0x4000  }
0x1a5: {  	[sflag:s26] =	ssyncset.done $0x0  }
0x1a6: {  	s15 =	simm.s32 $0x1400;
	[sflag:s26] =	ssyncadd.s32 $0xFFFFC000  }
0x1a7: {  	[spmem:s2] =	stream.indirect.scatter.add.f32 [tilespmem:s24], [sflag:$0x3], $0x80, s15, s23, $0xb8;
	[tilespmem:$0x1E400] =	vst v63  }
0x1a8: {  	_ =	swait.ge [sflag:s21], $0x4000  }
0x1a9: {  	[sflag:s21] =	ssyncset.done $0x0  }
0x1aa: {  	s16 =	simm.s32 $0x100;
	[sflag:s21] =	ssyncadd.s32 $0xFFFFC000  }
0x1ab: {  	[tilespmem:s24], [sflag:$0x1] =	stream.indirect.gather [hbm4b:s5+s23], $0x80, s16, s23, $0xb8;
	[tilespmem:$0x1E400] =	vst v63  }
0x1ac: {  	_ =	swait.ge [sflag:s28], $0x4000  }
0x1ad: {  	[sflag:s28] =	ssyncset.done $0x0  }
0x1ae: {  	s17 =	simm.s32 $0x1480;
	[sflag:s28] =	ssyncadd.s32 $0xFFFFC000  }
0x1af: {  	[spmem:s2] =	stream.indirect.scatter.add.f32 [tilespmem:s25], [sflag:$0x3], $0x80, s17, s23, $0xb8;
	[tilespmem:$0x1E400] =	vst v63  }
0x1b0: {  	_ =	swait.ge [sflag:s21], $0x4000  }
0x1b1: {  	s4 =	simm.s32 $0x100;
	s16 =	simm.s32 $0x800;
	[sflag:s21] =	ssyncset.done $0x0  }
.LBB2_5:
0x1b2: {  	s14 =	sadd.s32 $0x80, s4  }
0x1b3: {  	[sflag:s21] =	ssyncadd.s32 $0xFFFFC000;
	s15 =	smov.u32 s16;
	s17 =	sadd.s32 $0x400, s16  }
0x1b4: {  	[tilespmem:s25], [sflag:$0x2] =	stream.indirect.gather [hbm4b:s5+s23], $0x80, s14, s23, $0xb8;
	[tilespmem:$0x1E400] =	vst v63  }
0x1b5: {  	p1 =	sne.s32 s16, $0x4800;
	_ =	swait.ge [sflag:s26], $0x4000  }
0x1b6: {  	[sflag:s26] =	ssyncset.done $0x0  }
0x1b7: {  	s14 =	sadd.s32 $0x1400, s4;
	[sflag:s26] =	ssyncadd.s32 $0xFFFFC000  }
0x1b8: {  	[spmem:s2] =	stream.indirect.scatter.add.f32 [tilespmem:s24], [sflag:$0x3], $0x80, s14, s23, $0xb8;
	[tilespmem:$0x1E400] =	vst v63  }
0x1b9: {  	_ =	swait.ge [sflag:s21], $0x4000  }
0x1ba: {  	[sflag:s21] =	ssyncset.done $0x0  }
0x1bb: {  	s14 =	sadd.s32 $0x100, s4;
	[sflag:s21] =	ssyncadd.s32 $0xFFFFC000  }
0x1bc: {  	[tilespmem:s24], [sflag:$0x1] =	stream.indirect.gather [hbm4b:s5+s23], $0x80, s14, s23, $0xb8;
	[tilespmem:$0x1E400] =	vst v63  }
0x1bd: {  	_ =	swait.ge [sflag:s28], $0x4000  }
.Ltmp9:
0x1be: {  	[sflag:s28] =	ssyncset.done $0x0;
	(pc) =	sbr.rel @p1 .LBB2_5-.Ltmp9, $4  }
0x1bf: {  	s4 =	sadd.s32 $0x1480, s4;
	[sflag:s28] =	ssyncadd.s32 $0xFFFFC000  }
0x1c0: {  	[spmem:s2] =	stream.indirect.scatter.add.f32 [tilespmem:s25], [sflag:$0x3], $0x80, s4, s23, $0xb8;
	[tilespmem:$0x1E400] =	vst v63  }
0x1c1: {  	_ =	swait.ge [sflag:s21], $0x4000  }
0x1c2: {  	s16 =	smov.u32 s17;
	s4 =	sshra.s32 s15, $0x2;
	[sflag:s21] =	ssyncset.done $0x0  }
0x1c3: {  	s14 =	sadd.s32 $0x80, s4;
	[sflag:s21] =	ssyncadd.s32 $0xFFFFC000  }
0x1c4: {  	[tilespmem:s25], [sflag:$0x2] =	stream.indirect.gather [hbm4b:s5+s23], $0x80, s14, s23, $0xb8;
	[tilespmem:$0x1E400] =	vst v63  }
0x1c5: {  	_ =	swait.ge [sflag:s26], $0x4000  }
0x1c6: {  	[sflag:s26] =	ssyncset.done $0x0  }
0x1c7: {  	s16 =	sadd.s32 $0x1400, s4;
	[sflag:s26] =	ssyncadd.s32 $0xFFFFC000  }
0x1c8: {  	[spmem:s2] =	stream.indirect.scatter.add.f32 [tilespmem:s24], [sflag:$0x3], $0x80, s16, s23, $0xb8;
	[tilespmem:$0x1E400] =	vst v63  }
0x1c9: {  	_ =	swait.ge [sflag:s21], $0x4000  }
0x1ca: {  	[sflag:s21] =	ssyncset.done $0x0  }
0x1cb: {  	s17 =	sadd.s32 $0x100, s4;
	[sflag:s21] =	ssyncadd.s32 $0xFFFFC000  }
0x1cc: {  	[tilespmem:s24], [sflag:$0x1] =	stream.indirect.gather [hbm4b:s5+s23], $0x80, s17, s23, $0xb8;
	[tilespmem:$0x1E400] =	vst v63  }
0x1cd: {  	_ =	swait.ge [sflag:s28], $0x4000  }
0x1ce: {  	[sflag:s28] =	ssyncset.done $0x0  }
0x1cf: {  	s15 =	sadd.s32 $0x1480, s4;
	[sflag:s28] =	ssyncadd.s32 $0xFFFFC000  }
0x1d0: {  	[spmem:s2] =	stream.indirect.scatter.add.f32 [tilespmem:s25], [sflag:$0x3], $0x80, s15, s23, $0xb8;
	[tilespmem:$0x1E400] =	vst v63  }
0x1d1: {  	_ =	swait.ge [sflag:s21], $0x4000  }
0x1d2: {  	[sflag:s21] =	ssyncset.done $0x0  }
0x1d3: {  	[sflag:s21] =	ssyncadd.s32 $0xFFFFC000  }
0x1d4: {  	[tilespmem:s25], [sflag:$0x2] =	stream.indirect.gather [hbm4b:s5+s23], $0x80, s29, s23, $0xb8;
	[tilespmem:$0x1E400] =	vst v63  }
0x1d5: {  	_ =	swait.ge [sflag:s26], $0x4000  }
0x1d6: {  	[sflag:s26] =	ssyncset.done $0x0  }
0x1d7: {  	[sflag:s26] =	ssyncadd.s32 $0xFFFFC000  }
0x1d8: {  	[spmem:s2] =	stream.indirect.scatter.add.f32 [tilespmem:s24], [sflag:$0x3], $0x80, s30, s23, $0xb8;
	[tilespmem:$0x1E400] =	vst v63  }
0x1d9: {  	_ =	swait.ge [sflag:s21], $0x4000  }
0x1da: {  	[sflag:s21] =	ssyncset.done $0x0  }
0x1db: {  	[sflag:s21] =	ssyncadd.s32 $0xFFFFC000  }
0x1dc: {  	_ =	swait.ge [sflag:s28], $0x4000  }
0x1dd: {  	[sflag:s28] =	ssyncset.done $0x0  }
0x1de: {  	[sflag:s28] =	ssyncadd.s32 $0xFFFFC000  }
0x1df: {  	[spmem:s2] =	stream.indirect.scatter.add.f32 [tilespmem:s25], [sflag:$0x3], $0x80, s31, s23, $0xb8;
	[tilespmem:$0x1E400] =	vst v63  }
0x1e0: {  	_ =	swait.ge [sflag:s21], $0x4000  }
0x1e1: {  	[sflag:s21] =	ssyncset.done $0x0  }
0x1e2: {  	[sflag:s21] =	ssyncadd.s32 $0xFFFFC000  }
0x1e3: {  	[bflag:$0x0] =	sbarrier.arrive $0xFFFF  }
0x1e4: {  	s16 =	rddreg [dreg:$0x5]  }
0x1e5: {  	[hbm:s16], [sflag:s19] =	dma.local [spmem:s20], $0x2780  }
0x1e6: {  	_ =	swait.ge [sflag:s21], $0x2780  }
0x1e7: {  	[sflag:s21] =	ssyncset.done $0x0  }
0x1e8: {  	[sflag:s21] =	ssyncadd.s32 $0xFFFFD880  }
0x1e9: {  	[bflag:$0x0] =	sbarrier.arrive $0xFFFF  }
0x1ea: {  	[spmem:s20], [sflag:s19] =	dma.local [hbm:s9], $0x2780  }
0x1eb: {  	_ =	swait.ge [sflag:s21], $0x2780  }
0x1ec: {  	[sflag:s21] =	ssyncset.done $0x0  }
0x1ed: {  	[sflag:s21] =	ssyncadd.s32 $0xFFFFD880  }
0x1ee: {  	s17 =	simm.s32 $0x0;
	[bflag:$0x0] =	sbarrier.arrive $0xFFFF  }
0x1ef: {  	[tilespmem:s17], [sflag:$0x3] =	stream.linear.gather [hbm4b:s10+s17], $0x1400, $0x38;
	[tilespmem:$0x1E400] =	vst v63  }
0x1f0: {  	_ =	swait.ge [sflag:s21], $0x1400  }
0x1f1: {  	[sflag:s21] =	ssyncset.done $0x0  }
0x1f2: {  	[sflag:s21] =	ssyncadd.s32 $0xFFFFEC00  }
0x1f3: {  	[tilespmem:s22], [sflag:$0x3] =	stream.linear.gather [hbm4b:s11+s17], $0x1400, $0x38;
	[tilespmem:$0x1E400] =	vst v63  }
0x1f4: {  	_ =	swait.ge [sflag:s21], $0x1400  }
0x1f5: {  	[sflag:s21] =	ssyncset.done $0x0  }
0x1f6: {  	[sflag:s21] =	ssyncadd.s32 $0xFFFFEC00  }
0x1f7: {  	[tilespmem:s24], [sflag:$0x1] =	stream.indirect.gather [hbm4b:s7+s23], $0x80, s17, s23, $0xb8;
	[tilespmem:$0x1E400] =	vst v63  }
0x1f8: {  	s14 =	simm.s32 $0x80  }
0x1f9: {  	[tilespmem:s25], [sflag:$0x2] =	stream.indirect.gather [hbm4b:s7+s23], $0x80, s14, s23, $0xb8;
	[tilespmem:$0x1E400] =	vst v63  }
0x1fa: {  	_ =	swait.ge [sflag:s26], $0x4000  }
0x1fb: {  	[sflag:s26] =	ssyncset.done $0x0  }
0x1fc: {  	s15 =	simm.s32 $0x1400;
	[sflag:s26] =	ssyncadd.s32 $0xFFFFC000  }
0x1fd: {  	[spmem:s2] =	stream.indirect.scatter.add.f32 [tilespmem:s24], [sflag:$0x3], $0x80, s15, s23, $0xb8;
	[tilespmem:$0x1E400] =	vst v63  }
0x1fe: {  	_ =	swait.ge [sflag:s21], $0x4000  }
0x1ff: {  	[sflag:s21] =	ssyncset.done $0x0  }
0x200: {  	s16 =	simm.s32 $0x100;
	[sflag:s21] =	ssyncadd.s32 $0xFFFFC000  }
0x201: {  	[tilespmem:s24], [sflag:$0x1] =	stream.indirect.gather [hbm4b:s7+s23], $0x80, s16, s23, $0xb8;
	[tilespmem:$0x1E400] =	vst v63  }
0x202: {  	_ =	swait.ge [sflag:s28], $0x4000  }
0x203: {  	[sflag:s28] =	ssyncset.done $0x0  }
0x204: {  	s17 =	simm.s32 $0x1480;
	[sflag:s28] =	ssyncadd.s32 $0xFFFFC000  }
0x205: {  	[spmem:s2] =	stream.indirect.scatter.add.f32 [tilespmem:s25], [sflag:$0x3], $0x80, s17, s23, $0xb8;
	[tilespmem:$0x1E400] =	vst v63  }
0x206: {  	_ =	swait.ge [sflag:s21], $0x4000  }
0x207: {  	s4 =	simm.s32 $0x100;
	s16 =	simm.s32 $0x800;
	[sflag:s21] =	ssyncset.done $0x0  }
.LBB2_7:
0x208: {  	s14 =	sadd.s32 $0x80, s4  }
0x209: {  	[sflag:s21] =	ssyncadd.s32 $0xFFFFC000;
	s15 =	smov.u32 s16;
	s17 =	sadd.s32 $0x400, s16  }
0x20a: {  	[tilespmem:s25], [sflag:$0x2] =	stream.indirect.gather [hbm4b:s7+s23], $0x80, s14, s23, $0xb8;
	[tilespmem:$0x1E400] =	vst v63  }
0x20b: {  	p1 =	sne.s32 s16, $0x4800;
	_ =	swait.ge [sflag:s26], $0x4000  }
0x20c: {  	[sflag:s26] =	ssyncset.done $0x0  }
0x20d: {  	s14 =	sadd.s32 $0x1400, s4;
	[sflag:s26] =	ssyncadd.s32 $0xFFFFC000  }
0x20e: {  	[spmem:s2] =	stream.indirect.scatter.add.f32 [tilespmem:s24], [sflag:$0x3], $0x80, s14, s23, $0xb8;
	[tilespmem:$0x1E400] =	vst v63  }
0x20f: {  	_ =	swait.ge [sflag:s21], $0x4000  }
0x210: {  	[sflag:s21] =	ssyncset.done $0x0  }
0x211: {  	s14 =	sadd.s32 $0x100, s4;
	[sflag:s21] =	ssyncadd.s32 $0xFFFFC000  }
0x212: {  	[tilespmem:s24], [sflag:$0x1] =	stream.indirect.gather [hbm4b:s7+s23], $0x80, s14, s23, $0xb8;
	[tilespmem:$0x1E400] =	vst v63  }
0x213: {  	_ =	swait.ge [sflag:s28], $0x4000  }
.Ltmp10:
0x214: {  	[sflag:s28] =	ssyncset.done $0x0;
	(pc) =	sbr.rel @p1 .LBB2_7-.Ltmp10, $4  }
0x215: {  	s4 =	sadd.s32 $0x1480, s4;
	[sflag:s28] =	ssyncadd.s32 $0xFFFFC000  }
0x216: {  	[spmem:s2] =	stream.indirect.scatter.add.f32 [tilespmem:s25], [sflag:$0x3], $0x80, s4, s23, $0xb8;
	[tilespmem:$0x1E400] =	vst v63  }
0x217: {  	_ =	swait.ge [sflag:s21], $0x4000  }
0x218: {  	s16 =	smov.u32 s17;
	s4 =	sshra.s32 s15, $0x2;
	[sflag:s21] =	ssyncset.done $0x0  }
0x219: {  	s14 =	sadd.s32 $0x80, s4;
	[sflag:s21] =	ssyncadd.s32 $0xFFFFC000  }
0x21a: {  	[tilespmem:s25], [sflag:$0x2] =	stream.indirect.gather [hbm4b:s7+s23], $0x80, s14, s23, $0xb8;
	[tilespmem:$0x1E400] =	vst v63  }
0x21b: {  	_ =	swait.ge [sflag:s26], $0x4000  }
0x21c: {  	[sflag:s26] =	ssyncset.done $0x0  }
0x21d: {  	s17 =	sadd.s32 $0x1400, s4;
	[sflag:s26] =	ssyncadd.s32 $0xFFFFC000  }
0x21e: {  	[spmem:s2] =	stream.indirect.scatter.add.f32 [tilespmem:s24], [sflag:$0x3], $0x80, s17, s23, $0xb8;
	[tilespmem:$0x1E400] =	vst v63  }
0x21f: {  	_ =	swait.ge [sflag:s21], $0x4000  }
0x220: {  	[sflag:s21] =	ssyncset.done $0x0  }
0x221: {  	s15 =	sadd.s32 $0x100, s4;
	[sflag:s21] =	ssyncadd.s32 $0xFFFFC000  }
0x222: {  	[tilespmem:s24], [sflag:$0x1] =	stream.indirect.gather [hbm4b:s7+s23], $0x80, s15, s23, $0xb8;
	[tilespmem:$0x1E400] =	vst v63  }
0x223: {  	_ =	swait.ge [sflag:s28], $0x4000  }
0x224: {  	[sflag:s28] =	ssyncset.done $0x0  }
0x225: {  	s16 =	sadd.s32 $0x1480, s4;
	[sflag:s28] =	ssyncadd.s32 $0xFFFFC000  }
0x226: {  	[spmem:s2] =	stream.indirect.scatter.add.f32 [tilespmem:s25], [sflag:$0x3], $0x80, s16, s23, $0xb8;
	[tilespmem:$0x1E400] =	vst v63  }
0x227: {  	_ =	swait.ge [sflag:s21], $0x4000  }
0x228: {  	[sflag:s21] =	ssyncset.done $0x0  }
0x229: {  	[sflag:s21] =	ssyncadd.s32 $0xFFFFC000  }
0x22a: {  	[tilespmem:s25], [sflag:$0x2] =	stream.indirect.gather [hbm4b:s7+s23], $0x80, s29, s23, $0xb8;
	[tilespmem:$0x1E400] =	vst v63  }
0x22b: {  	_ =	swait.ge [sflag:s26], $0x4000  }
0x22c: {  	[sflag:s26] =	ssyncset.done $0x0  }
0x22d: {  	[sflag:s26] =	ssyncadd.s32 $0xFFFFC000  }
0x22e: {  	[spmem:s2] =	stream.indirect.scatter.add.f32 [tilespmem:s24], [sflag:$0x3], $0x80, s30, s23, $0xb8;
	[tilespmem:$0x1E400] =	vst v63  }
0x22f: {  	_ =	swait.ge [sflag:s21], $0x4000  }
0x230: {  	[sflag:s21] =	ssyncset.done $0x0  }
0x231: {  	[sflag:s21] =	ssyncadd.s32 $0xFFFFC000  }
0x232: {  	_ =	swait.ge [sflag:s28], $0x4000  }
0x233: {  	[sflag:s28] =	ssyncset.done $0x0  }
0x234: {  	[sflag:s28] =	ssyncadd.s32 $0xFFFFC000  }
0x235: {  	[spmem:s2] =	stream.indirect.scatter.add.f32 [tilespmem:s25], [sflag:$0x3], $0x80, s31, s23, $0xb8;
	[tilespmem:$0x1E400] =	vst v63  }
0x236: {  	_ =	swait.ge [sflag:s21], $0x4000  }
0x237: {  	[sflag:s21] =	ssyncset.done $0x0  }
0x238: {  	s17 =	simm.s32 $0x0;
	[sflag:s21] =	ssyncadd.s32 $0xFFFFC000  }
0x239: {  	[tilespmem:s17], [sflag:$0x3] =	stream.linear.gather [hbm4b:s12+s17], $0x1400, $0x38;
	[tilespmem:$0x1E400] =	vst v63  }
0x23a: {  	_ =	swait.ge [sflag:s21], $0x1400  }
0x23b: {  	[sflag:s21] =	ssyncset.done $0x0  }
0x23c: {  	[sflag:s21] =	ssyncadd.s32 $0xFFFFEC00  }
0x23d: {  	[tilespmem:s22], [sflag:$0x3] =	stream.linear.gather [hbm4b:s13+s17], $0x1400, $0x38;
	[tilespmem:$0x1E400] =	vst v63  }
0x23e: {  	_ =	swait.ge [sflag:s21], $0x1400  }
0x23f: {  	[sflag:s21] =	ssyncset.done $0x0  }
0x240: {  	[sflag:s21] =	ssyncadd.s32 $0xFFFFEC00  }
0x241: {  	[tilespmem:s24], [sflag:$0x1] =	stream.indirect.gather [hbm4b:s7+s23], $0x80, s17, s23, $0xb8;
	[tilespmem:$0x1E400] =	vst v63  }
0x242: {  	s14 =	simm.s32 $0x80  }
0x243: {  	[tilespmem:s25], [sflag:$0x2] =	stream.indirect.gather [hbm4b:s7+s23], $0x80, s14, s23, $0xb8;
	[tilespmem:$0x1E400] =	vst v63  }
0x244: {  	_ =	swait.ge [sflag:s26], $0x4000  }
0x245: {  	[sflag:s26] =	ssyncset.done $0x0  }
0x246: {  	s15 =	simm.s32 $0x1400;
	[sflag:s26] =	ssyncadd.s32 $0xFFFFC000  }
0x247: {  	[spmem:s2] =	stream.indirect.scatter.add.f32 [tilespmem:s24], [sflag:$0x3], $0x80, s15, s23, $0xb8;
	[tilespmem:$0x1E400] =	vst v63  }
0x248: {  	_ =	swait.ge [sflag:s21], $0x4000  }
0x249: {  	[sflag:s21] =	ssyncset.done $0x0  }
0x24a: {  	s16 =	simm.s32 $0x100;
	[sflag:s21] =	ssyncadd.s32 $0xFFFFC000  }
0x24b: {  	[tilespmem:s24], [sflag:$0x1] =	stream.indirect.gather [hbm4b:s7+s23], $0x80, s16, s23, $0xb8;
	[tilespmem:$0x1E400] =	vst v63  }
0x24c: {  	_ =	swait.ge [sflag:s28], $0x4000  }
0x24d: {  	[sflag:s28] =	ssyncset.done $0x0  }
0x24e: {  	s17 =	simm.s32 $0x1480;
	[sflag:s28] =	ssyncadd.s32 $0xFFFFC000  }
0x24f: {  	[spmem:s2] =	stream.indirect.scatter.add.f32 [tilespmem:s25], [sflag:$0x3], $0x80, s17, s23, $0xb8;
	[tilespmem:$0x1E400] =	vst v63  }
0x250: {  	_ =	swait.ge [sflag:s21], $0x4000  }
0x251: {  	s4 =	simm.s32 $0x100;
	s16 =	simm.s32 $0x800;
	[sflag:s21] =	ssyncset.done $0x0  }
.LBB2_9:
0x252: {  	s14 =	sadd.s32 $0x80, s4  }
0x253: {  	[sflag:s21] =	ssyncadd.s32 $0xFFFFC000;
	s15 =	smov.u32 s16;
	s17 =	sadd.s32 $0x400, s16  }
0x254: {  	[tilespmem:s25], [sflag:$0x2] =	stream.indirect.gather [hbm4b:s7+s23], $0x80, s14, s23, $0xb8;
	[tilespmem:$0x1E400] =	vst v63  }
0x255: {  	p1 =	sne.s32 s16, $0x4800;
	_ =	swait.ge [sflag:s26], $0x4000  }
0x256: {  	[sflag:s26] =	ssyncset.done $0x0  }
0x257: {  	s14 =	sadd.s32 $0x1400, s4;
	[sflag:s26] =	ssyncadd.s32 $0xFFFFC000  }
0x258: {  	[spmem:s2] =	stream.indirect.scatter.add.f32 [tilespmem:s24], [sflag:$0x3], $0x80, s14, s23, $0xb8;
	[tilespmem:$0x1E400] =	vst v63  }
0x259: {  	_ =	swait.ge [sflag:s21], $0x4000  }
0x25a: {  	[sflag:s21] =	ssyncset.done $0x0  }
0x25b: {  	s14 =	sadd.s32 $0x100, s4;
	[sflag:s21] =	ssyncadd.s32 $0xFFFFC000  }
0x25c: {  	[tilespmem:s24], [sflag:$0x1] =	stream.indirect.gather [hbm4b:s7+s23], $0x80, s14, s23, $0xb8;
	[tilespmem:$0x1E400] =	vst v63  }
0x25d: {  	_ =	swait.ge [sflag:s28], $0x4000  }
.Ltmp11:
0x25e: {  	[sflag:s28] =	ssyncset.done $0x0;
	(pc) =	sbr.rel @p1 .LBB2_9-.Ltmp11, $4  }
0x25f: {  	s4 =	sadd.s32 $0x1480, s4;
	[sflag:s28] =	ssyncadd.s32 $0xFFFFC000  }
0x260: {  	[spmem:s2] =	stream.indirect.scatter.add.f32 [tilespmem:s25], [sflag:$0x3], $0x80, s4, s23, $0xb8;
	[tilespmem:$0x1E400] =	vst v63  }
0x261: {  	_ =	swait.ge [sflag:s21], $0x4000  }
0x262: {  	s16 =	smov.u32 s17;
	s4 =	sshra.s32 s15, $0x2;
	[sflag:s21] =	ssyncset.done $0x0  }
0x263: {  	s14 =	sadd.s32 $0x80, s4;
	[sflag:s21] =	ssyncadd.s32 $0xFFFFC000  }
0x264: {  	[tilespmem:s25], [sflag:$0x2] =	stream.indirect.gather [hbm4b:s7+s23], $0x80, s14, s23, $0xb8;
	[tilespmem:$0x1E400] =	vst v63  }
0x265: {  	_ =	swait.ge [sflag:s26], $0x4000  }
0x266: {  	[sflag:s26] =	ssyncset.done $0x0  }
0x267: {  	s15 =	sadd.s32 $0x1400, s4;
	[sflag:s26] =	ssyncadd.s32 $0xFFFFC000  }
0x268: {  	[spmem:s2] =	stream.indirect.scatter.add.f32 [tilespmem:s24], [sflag:$0x3], $0x80, s15, s23, $0xb8;
	[tilespmem:$0x1E400] =	vst v63  }
0x269: {  	_ =	swait.ge [sflag:s21], $0x4000  }
0x26a: {  	[sflag:s21] =	ssyncset.done $0x0  }
0x26b: {  	s16 =	sadd.s32 $0x100, s4;
	[sflag:s21] =	ssyncadd.s32 $0xFFFFC000  }
0x26c: {  	[tilespmem:s24], [sflag:$0x1] =	stream.indirect.gather [hbm4b:s7+s23], $0x80, s16, s23, $0xb8;
	[tilespmem:$0x1E400] =	vst v63  }
0x26d: {  	_ =	swait.ge [sflag:s28], $0x4000  }
0x26e: {  	[sflag:s28] =	ssyncset.done $0x0  }
0x26f: {  	s17 =	sadd.s32 $0x1480, s4;
	[sflag:s28] =	ssyncadd.s32 $0xFFFFC000  }
0x270: {  	[spmem:s2] =	stream.indirect.scatter.add.f32 [tilespmem:s25], [sflag:$0x3], $0x80, s17, s23, $0xb8;
	[tilespmem:$0x1E400] =	vst v63  }
.Ltmp12:
0x271: {  	_ = 	snop;
	(pc) =	sbr.rel .LBB2_20-.Ltmp12, $4  }
0x272: {  	_ =	swait.ge [sflag:s21], $0x4000  }
0x273: {  	[sflag:s21] =	ssyncset.done $0x0  }
0x274: {  	s4 =	rddreg [dreg:$0x6];
	[sflag:s21] =	ssyncadd.s32 $0xFFFFC000  }
0x275: {  	[tilespmem:s25], [sflag:$0x2] =	stream.indirect.gather [hbm4b:s7+s23], $0x80, s29, s23, $0xb8;
	[tilespmem:$0x1E400] =	vst v63  }
.LBB2_21:
0x276: {  	_ =	sfence.sel $0x180000  }
0x277: {  	[bflag:$0x0] =	sbarrier.arrive $0xFFFF  }
0x278: {  	_ =	strace $0x90000047  }
0x279: {  	s0 =	stileid.u32;
	[bflag:$0x2] =	sbarrier.arrive $0xFFFF  }
0x27a: {  	p0 =	sne.s32 s0, $0x0;
	s0 =	rddreg [dreg:$0x4]  }
0x27b: {  	s0 =	sadd.s32 @!p0 $0x100000, s0  }
0x27c: {  	[sflag:s0] =	ssyncadd.tile.s32 @!p0 $0x1;
	_ =	shalt  }
.Lfunc_end2:
_tile_overlayer_lowered:
.L_overlay_start_2:
0x27d: {  	(tag) =	ssettag $0x2  }
0x27e: {  	s0 =	rddreg [dreg:$0x0];
	s2 =	stileid.u32  }
0x27f: {  	s1 =	rddreg [dreg:$0x1];
	p0 =	sne.s32 s2, $0x0  }
0x280: {  	s3 =	rddreg [dreg:$0x2];
	[bflag:$0x3] =	sbarrier.arrive $0xFFFF;
	s2 =	simm.s32 @!p0 $0x1C03  }
0x281: {  	[timem:s3], [sflag:s2] =	dma.local @!p0 [hbm:s0], s1  }
0x282: {  	s0 =	simm.s32 @!p0 $0x3  }
0x283: {  	_ =	swait.ge @!p0 [sflag:s0], s1  }
0x284: {  	s1 =	ssub.s32 @!p0 $0x0, s1;
	[sflag:s0] =	ssyncset.done @!p0 $0x0  }
0x285: {  	[sflag:s0] =	ssyncadd.s32 @!p0 s1  }
0x286: {  	[bflag:$0x3] =	sbarrier.arrive $0xFFFF  }
0x287: {  	_ =	shalt  }

</sc_bundles>
